<compile_context>
chip_gen: v7x
topology: tpu7x:2x2x1
jax: 0.10.2.dev20260603
libtpu: 0.0.44.dev20260713+nightly
codegen_flags: <defaults>
</compile_context>

<pallas_src>
import jax
import jax.numpy as jnp
from jax import lax
from jax.experimental import pallas as pl
from jax.experimental.pallas import tpu as pltpu
from jax.experimental.pallas import tpu_sc as plsc

N_NODES = 10000
N_EDGES = 320000
NODE_DIM = 128
EDGE_DIM = 16
HIDDEN = 128

NC = 2
NS = 16
NW = NC * NS

EDGES_PER_W = N_EDGES // NW
GCHUNK = 80
SCHUNK = 80
N_PAD = 10240
ROWS_PER_TILE = N_PAD // NS


def _precompute_body(x_ref, w_ref, b_ref, xd_ref, xs_ref):
    xw = jnp.dot(x_ref[...], w_ref[...], preferred_element_type=jnp.float32)
    xd_ref[...] = xw[:, :NODE_DIM] + b_ref[...]
    xs_ref[...] = xw[:, NODE_DIM:]


def _precompute(x, w_cat, b1):
    blk = 2000
    grid = N_NODES // blk
    return pl.pallas_call(
        _precompute_body,
        grid=(grid,),
        in_specs=[
            pl.BlockSpec((blk, NODE_DIM), lambda i: (i, 0)),
            pl.BlockSpec((NODE_DIM, 2 * NODE_DIM), lambda i: (0, 0)),
            pl.BlockSpec((1, NODE_DIM), lambda i: (0, 0)),
        ],
        out_specs=[
            pl.BlockSpec((blk, NODE_DIM), lambda i: (i, 0)),
            pl.BlockSpec((blk, NODE_DIM), lambda i: (i, 0)),
        ],
        out_shape=[
            jax.ShapeDtypeStruct((N_NODES, NODE_DIM), jnp.float32),
            jax.ShapeDtypeStruct((N_NODES, NODE_DIM), jnp.float32),
        ],
    )(x, w_cat, b1)


NCHUNK = EDGES_PER_W // GCHUNK


def _gather_add_body(xd_hbm, xs_hbm, dst_hbm, src_hbm, g_hbm,
                     idxd_all, idxs_all,
                     bufd0, bufs0, bufd1, bufs1, bufd2, bufs2, bufd3, bufs3,
                     semd0, sems0, semd1, sems1, semd2, sems2, semd3, sems3,
                     wsem0, wsem1, wsem2, wsem3):
    c = lax.axis_index("c")
    s = lax.axis_index("s")
    wid = s * NC + c

    pltpu.sync_copy(dst_hbm.at[wid], idxd_all)
    pltpu.sync_copy(src_hbm.at[wid], idxs_all)

    def add_rows(bd, bs):
        def addrow(r, carry2):
            for j in range(NODE_DIM // 16):
                sl = pl.ds(j * 16, 16)
                bd[r, sl] = bd[r, sl] + bs[r, sl]
            return carry2
        lax.fori_loop(0, GCHUNK, addrow, 0)

    def gbase(ci):
        return pl.multiple_of(wid * EDGES_PER_W + ci * GCHUNK, 8)

    sets = ((bufd0, bufs0, semd0, sems0, wsem0),
            (bufd1, bufs1, semd1, sems1, wsem1),
            (bufd2, bufs2, semd2, sems2, wsem2),
            (bufd3, bufs3, semd3, sems3, wsem3))

    def quad(i, carry):
        gathers = []
        for k, (bd, bs, sd, ss, _) in enumerate(sets):
            ci = 4 * i + k
            gathers.append((pltpu.async_copy(xd_hbm.at[idxd_all.at[ci]], bd, sd),
                            pltpu.async_copy(xs_hbm.at[idxs_all.at[ci]], bs, ss)))
        writes = []
        for k, (bd, bs, _, _, ws) in enumerate(sets):
            ci = 4 * i + k
            gathers[k][0].wait()
            gathers[k][1].wait()
            add_rows(bd, bs)
            writes.append(pltpu.async_copy(
                bd, g_hbm.at[pl.ds(gbase(ci), GCHUNK)], ws))
        for w in writes:
            w.wait()
        return carry

    lax.fori_loop(0, NCHUNK // 4, quad, 0)

    clast = NCHUNK - 1
    cpd0 = pltpu.async_copy(xd_hbm.at[idxd_all.at[clast]], bufd0, semd0)
    cps0 = pltpu.async_copy(xs_hbm.at[idxs_all.at[clast]], bufs0, sems0)
    cpd0.wait()
    cps0.wait()
    add_rows(bufd0, bufs0)
    pltpu.sync_copy(bufd0, g_hbm.at[pl.ds(gbase(clast), GCHUNK)])


def _gather_add(xd, xs, dst, src):
    dst_r = dst.reshape(NW, NCHUNK, GCHUNK)
    src_r = src.reshape(NW, NCHUNK, GCHUNK)
    mesh = plsc.VectorSubcoreMesh(core_axis_name="c", subcore_axis_name="s")
    fn = pl.kernel(
        _gather_add_body,
        mesh=mesh,
        out_type=jax.ShapeDtypeStruct((N_EDGES, NODE_DIM), jnp.float32),
        scratch_types=[
            pltpu.VMEM((NCHUNK, GCHUNK), jnp.int32),
            pltpu.VMEM((NCHUNK, GCHUNK), jnp.int32),
        ] + [pltpu.VMEM((GCHUNK, NODE_DIM), jnp.float32)] * 8
          + [pltpu.SemaphoreType.DMA] * 12,
    )
    return fn(xd, xs, dst_r, src_r)


def _edge_mlp_body(g_ref, e_ref, w1e_ref, w2_ref, b2_ref, out_ref):
    h = g_ref[...] + jnp.dot(e_ref[...], w1e_ref[...],
                             preferred_element_type=jnp.float32)
    h = jnp.maximum(h, 0.0)
    out_ref[...] = jnp.dot(h, w2_ref[...],
                           preferred_element_type=jnp.float32) + b2_ref[...]


def _edge_mlp(g, e, w1e, w2, b2):
    blk = 3200
    grid = N_EDGES // blk
    return pl.pallas_call(
        _edge_mlp_body,
        grid=(grid,),
        in_specs=[
            pl.BlockSpec((blk, HIDDEN), lambda i: (i, 0)),
            pl.BlockSpec((blk, EDGE_DIM), lambda i: (i, 0)),
            pl.BlockSpec((EDGE_DIM, HIDDEN), lambda i: (0, 0)),
            pl.BlockSpec((HIDDEN, EDGE_DIM), lambda i: (0, 0)),
            pl.BlockSpec((1, EDGE_DIM), lambda i: (0, 0)),
        ],
        out_specs=pl.BlockSpec((blk, EDGE_DIM), lambda i: (i, 0)),
        out_shape=jax.ShapeDtypeStruct((N_EDGES, EDGE_DIM), jnp.float32),
    )(g, e, w1e, w2, b2)


def _scatter_add_body(enew_hbm, dst_hbm, out_hbm, idx_all,
                      bufc0, bufc1, bufe0,
                      csem0, csem1, acc_sh):
    c = lax.axis_index("c")
    s = lax.axis_index("s")
    wid = s * NC + c
    row0 = pl.multiple_of(s * ROWS_PER_TILE, 8)

    def zrow(r, carry):
        for j in range(128 // 16):
            bufe0[r, pl.ds(j * 16, 16)] = jnp.zeros((16,), jnp.float32)
        return carry

    lax.fori_loop(0, SCHUNK, zrow, 0)
    for k in range(ROWS_PER_TILE // SCHUNK):
        pltpu.sync_copy(bufe0, acc_sh.at[pl.ds(row0 + k * SCHUNK, SCHUNK)])
    pltpu.sync_copy(dst_hbm.at[wid], idx_all)
    plsc.subcore_barrier()

    def expand(bc, be):
        def crow(r, carry2):
            be[r, pl.ds(0, EDGE_DIM)] = bc[r, :]
            return carry2
        lax.fori_loop(0, SCHUNK, crow, 0)

    def pair(i, carry):
        ca = 2 * i
        cb = 2 * i + 1
        la = pltpu.async_copy(enew_hbm.at[wid, ca], bufc0, csem0)
        lb = pltpu.async_copy(enew_hbm.at[wid, cb], bufc1, csem1)
        la.wait()
        expand(bufc0, bufe0)
        pltpu.sync_copy(bufe0, acc_sh.at[idx_all.at[ca]], add=True)
        lb.wait()
        expand(bufc1, bufe0)
        pltpu.sync_copy(bufe0, acc_sh.at[idx_all.at[cb]], add=True)
        return carry

    lax.fori_loop(0, NCHUNK // 2, pair, 0)

    clast = NCHUNK - 1
    la = pltpu.async_copy(enew_hbm.at[wid, clast], bufc0, csem0)
    la.wait()
    expand(bufc0, bufe0)
    pltpu.sync_copy(bufe0, acc_sh.at[idx_all.at[clast]], add=True)

    plsc.subcore_barrier()
    pltpu.sync_copy(acc_sh.at[pl.ds(row0, ROWS_PER_TILE)],
                    out_hbm.at[c, pl.ds(row0, ROWS_PER_TILE)])


def _scatter_add(e_new, dst):
    enew_r = e_new.reshape(NW, NCHUNK, SCHUNK, EDGE_DIM)
    dst_r = dst.reshape(NW, NCHUNK, SCHUNK)
    mesh = plsc.VectorSubcoreMesh(core_axis_name="c", subcore_axis_name="s")
    fn = pl.kernel(
        _scatter_add_body,
        mesh=mesh,
        out_type=jax.ShapeDtypeStruct((NC, N_PAD, 128), jnp.float32),
        scratch_types=[
            pltpu.VMEM((NCHUNK, SCHUNK), jnp.int32),
            pltpu.VMEM((SCHUNK, EDGE_DIM), jnp.float32),
            pltpu.VMEM((SCHUNK, EDGE_DIM), jnp.float32),
            pltpu.VMEM((SCHUNK, 128), jnp.float32),
            pltpu.SemaphoreType.DMA,
            pltpu.SemaphoreType.DMA,
            pltpu.VMEM_SHARED((N_PAD, 128), jnp.float32),
        ],
    )
    return fn(enew_r, dst_r)


def _node_mlp_body(x_ref, a0_ref, a1_ref, w1x_ref, w1a_ref, b1_ref,
                   w2_ref, b2_ref, out_ref):
    agg = a0_ref[...][:, :EDGE_DIM] + a1_ref[...][:, :EDGE_DIM]
    h = (jnp.dot(x_ref[...], w1x_ref[...], preferred_element_type=jnp.float32)
         + jnp.dot(agg, w1a_ref[...], preferred_element_type=jnp.float32)
         + b1_ref[...])
    h = jnp.maximum(h, 0.0)
    out_ref[...] = jnp.dot(h, w2_ref[...],
                           preferred_element_type=jnp.float32) + b2_ref[...]


def _node_mlp(x, a0, a1, w1x, w1a, b1, w2, b2):
    blk = 2000
    grid = N_NODES // blk
    return pl.pallas_call(
        _node_mlp_body,
        grid=(grid,),
        in_specs=[
            pl.BlockSpec((blk, NODE_DIM), lambda i: (i, 0)),
            pl.BlockSpec((blk, 128), lambda i: (i, 0)),
            pl.BlockSpec((blk, 128), lambda i: (i, 0)),
            pl.BlockSpec((NODE_DIM, HIDDEN), lambda i: (0, 0)),
            pl.BlockSpec((EDGE_DIM, HIDDEN), lambda i: (0, 0)),
            pl.BlockSpec((1, HIDDEN), lambda i: (0, 0)),
            pl.BlockSpec((HIDDEN, NODE_DIM), lambda i: (0, 0)),
            pl.BlockSpec((1, NODE_DIM), lambda i: (0, 0)),
        ],
        out_specs=pl.BlockSpec((blk, NODE_DIM), lambda i: (i, 0)),
        out_shape=jax.ShapeDtypeStruct((N_NODES, NODE_DIM), jnp.float32),
    )(x, a0, a1, w1x, w1a, b1, w2, b2)


def kernel(x, edge_index, e, fR_W1, fR_b1, fR_W2, fR_b2,
           fO_W1, fO_b1, fO_W2, fO_b2):
    src = edge_index[0].astype(jnp.int32)
    dst = edge_index[1].astype(jnp.int32)

    w_cat = jnp.concatenate(
        [fR_W1[:NODE_DIM], fR_W1[NODE_DIM:2 * NODE_DIM]], axis=1)
    xd, xs = _precompute(x, w_cat, fR_b1.reshape(1, -1))

    g = _gather_add(xd, xs, dst, src)

    e_new = _edge_mlp(g, e, fR_W1[2 * NODE_DIM:], fR_W2, fR_b2.reshape(1, -1))

    partials = _scatter_add(e_new, dst)

    x_new = _node_mlp(x, partials[0], partials[1],
                      fO_W1[:NODE_DIM], fO_W1[NODE_DIM:],
                      fO_b1.reshape(1, -1), fO_W2, fO_b2.reshape(1, -1))
    return (x_new, e_new)

# --- scband reference (transcript-rebuilt; emitter-appended) ---
"""Pipeline reference for scband-inlayer-17970143166937 (READ-ONLY COPY).

The authoritative reference and input builder live on the scoring server;
editing this copy changes nothing except your own understanding.
"""

import jax, jax.numpy as jnp
import numpy as np

N_NODES = 10000
N_EDGES = 320000
NODE_DIM = 128
EDGE_DIM = 16
HIDDEN = 128


def _mlp(h, W1, b1, W2, b2):
    return jnp.dot(jax.nn.relu(jnp.dot(h, W1) + b1), W2) + b2


def setup_inputs(seed: int = 0) -> dict:
    key = jax.random.key(seed)
    ks = jax.random.split(key, 12)
    x = jax.random.normal(ks[0], (N_NODES, NODE_DIM), dtype=jnp.float32)
    edge_index = jax.random.randint(ks[1], (2, N_EDGES), 0, N_NODES, dtype=jnp.int64)
    e = jax.random.normal(ks[2], (N_EDGES, EDGE_DIM), dtype=jnp.float32)
    # fR: MLP(2*node_dim + edge_dim -> hidden -> edge_dim)
    in_r = 2 * NODE_DIM + EDGE_DIM
    fR_W1 = jax.random.normal(ks[3], (in_r, HIDDEN), dtype=jnp.float32) / np.sqrt(in_r)
    fR_b1 = jnp.zeros((HIDDEN,), dtype=jnp.float32)
    fR_W2 = jax.random.normal(ks[4], (HIDDEN, EDGE_DIM), dtype=jnp.float32) / np.sqrt(HIDDEN)
    fR_b2 = jnp.zeros((EDGE_DIM,), dtype=jnp.float32)
    # fO: MLP(node_dim + edge_dim -> hidden -> node_dim)
    in_o = NODE_DIM + EDGE_DIM
    fO_W1 = jax.random.normal(ks[5], (in_o, HIDDEN), dtype=jnp.float32) / np.sqrt(in_o)
    fO_b1 = jnp.zeros((HIDDEN,), dtype=jnp.float32)
    fO_W2 = jax.random.normal(ks[6], (HIDDEN, NODE_DIM), dtype=jnp.float32) / np.sqrt(HIDDEN)
    fO_b2 = jnp.zeros((NODE_DIM,), dtype=jnp.float32)
    return {
        "x": x, "edge_index": edge_index, "e": e,
        "fR_W1": fR_W1, "fR_b1": fR_b1, "fR_W2": fR_W2, "fR_b2": fR_b2,
        "fO_W1": fO_W1, "fO_b1": fO_b1, "fO_W2": fO_W2, "fO_b2": fO_b2,
    }


def reference(x, edge_index, e, fR_W1, fR_b1, fR_W2, fR_b2, fO_W1, fO_b1, fO_W2, fO_b2):
    src = edge_index[0]
    dst = edge_index[1]
    # message: m_in = [x[dst], x[src], e]
    m_in = jnp.concatenate([jnp.take(x, dst, axis=0), jnp.take(x, src, axis=0), e], axis=-1)
    e_new = _mlp(m_in, fR_W1, fR_b1, fR_W2, fR_b2)
    # scatter-add aggregation over dst
    agg = jax.ops.segment_sum(e_new, dst, num_segments=x.shape[0])
    x_new = _mlp(jnp.concatenate([x, agg], axis=-1), fO_W1, fO_b1, fO_W2, fO_b2)
    return (x_new, e_new)

if __name__ == "__main__":
    import jax
    _d = setup_inputs()
    print(jax.jit(kernel)(*tuple(_d.values())))

</pallas_src>

<mosaic_0001>
#map = affine_map<(d0, d1) -> (0, 0)>
#map1 = affine_map<(d0, d1) -> (0, 0, 0)>
module attributes {stable_mosaic.version = 14 : i64} {
  func.func @_gather_add_body(%arg0: i32, %arg1: i32, %arg2: memref<10000x128xf32, #tpu.memory_space<hbm>>, %arg3: memref<10000x128xf32, #tpu.memory_space<hbm>>, %arg4: memref<32x125x80xi32, #tpu.memory_space<hbm>>, %arg5: memref<32x125x80xi32, #tpu.memory_space<hbm>>, %arg6: memref<320000x128xf32, #tpu.memory_space<hbm>>, %arg7: memref<125x80xi32, #tpu.memory_space<vmem>>, %arg8: memref<125x80xi32, #tpu.memory_space<vmem>>, %arg9: memref<80x128xf32, #tpu.memory_space<vmem>>, %arg10: memref<80x128xf32, #tpu.memory_space<vmem>>, %arg11: memref<80x128xf32, #tpu.memory_space<vmem>>, %arg12: memref<80x128xf32, #tpu.memory_space<vmem>>, %arg13: memref<80x128xf32, #tpu.memory_space<vmem>>, %arg14: memref<80x128xf32, #tpu.memory_space<vmem>>, %arg15: memref<80x128xf32, #tpu.memory_space<vmem>>, %arg16: memref<80x128xf32, #tpu.memory_space<vmem>>, %arg17: memref<!tpu.dma_semaphore, #tpu.memory_space<semaphore_mem>>, %arg18: memref<!tpu.dma_semaphore, #tpu.memory_space<semaphore_mem>>, %arg19: memref<!tpu.dma_semaphore, #tpu.memory_space<semaphore_mem>>, %arg20: memref<!tpu.dma_semaphore, #tpu.memory_space<semaphore_mem>>, %arg21: memref<!tpu.dma_semaphore, #tpu.memory_space<semaphore_mem>>, %arg22: memref<!tpu.dma_semaphore, #tpu.memory_space<semaphore_mem>>, %arg23: memref<!tpu.dma_semaphore, #tpu.memory_space<semaphore_mem>>, %arg24: memref<!tpu.dma_semaphore, #tpu.memory_space<semaphore_mem>>, %arg25: memref<!tpu.dma_semaphore, #tpu.memory_space<semaphore_mem>>, %arg26: memref<!tpu.dma_semaphore, #tpu.memory_space<semaphore_mem>>, %arg27: memref<!tpu.dma_semaphore, #tpu.memory_space<semaphore_mem>>, %arg28: memref<!tpu.dma_semaphore, #tpu.memory_space<semaphore_mem>>) attributes {dimension_semantics = [#tpu.dimension_semantics<core_parallel>, #tpu.dimension_semantics<subcore_parallel>], iteration_bounds = array<i64: 2, 16>, scalar_prefetch = 0 : i64, scratch_operands = 22 : i64, tpu.core_type = #tpu.core_type<sc_vector_subcore>, window_params = [{transform_indices = #map}, {transform_indices = #map}, {transform_indices = #map1}, {transform_indices = #map1}, {transform_indices = #map}]} {
    %mul3A = arith.constant 2 : i32
    %mul3A_0 = arith.muli %arg1, %mul3A : i32
    %add3A = arith.addi %mul3A_0, %arg0 : i32
    "tpu.region"() ({
      %run_scoped3A = tpu.sem_alloc : memref<!tpu.dma_semaphore, #tpu.memory_space<semaphore_mem>>
      %dma_start3A_42 = arith.constant 0 : i32
      %dma_start3A_43 = arith.constant 0 : i32
      %dma_start3A_44 = tpu.memref_slice %arg4[%add3A, %dma_start3A_42, %dma_start3A_43] : memref<32x125x80xi32, #tpu.memory_space<hbm>> -> memref<1x125x80xi32, #tpu.memory_space<hbm>>
      %dma_start3A_45 = tpu.memref_squeeze %dma_start3A_44 : memref<1x125x80xi32, #tpu.memory_space<hbm>> -> memref<125x80xi32, #tpu.memory_space<hbm>>
      %dma_start3A_46 = arith.constant 0 : i32
      %dma_start3A_47 = arith.constant 0 : i32
      %dma_start3A_48 = tpu.memref_slice %arg4[%add3A, %dma_start3A_46, %dma_start3A_47] : memref<32x125x80xi32, #tpu.memory_space<hbm>> -> memref<1x125x80xi32, #tpu.memory_space<hbm>>
      %dma_start3A_49 = tpu.memref_squeeze %dma_start3A_48 : memref<1x125x80xi32, #tpu.memory_space<hbm>> -> memref<125x80xi32, #tpu.memory_space<hbm>>
      tpu.enqueue_dma source(%dma_start3A_49 : memref<125x80xi32, #tpu.memory_space<hbm>>) target(%arg7 : memref<125x80xi32, #tpu.memory_space<vmem>>) target_semaphore(%run_scoped3A : memref<!tpu.dma_semaphore, #tpu.memory_space<semaphore_mem>>)
      %dma_wait3A_50 = arith.constant 0 : i32
      %dma_wait3A_51 = arith.constant 0 : i32
      %dma_wait3A_52 = tpu.memref_slice %arg4[%add3A, %dma_wait3A_50, %dma_wait3A_51] : memref<32x125x80xi32, #tpu.memory_space<hbm>> -> memref<1x125x80xi32, #tpu.memory_space<hbm>>
      %dma_wait3A_53 = tpu.memref_squeeze %dma_wait3A_52 : memref<1x125x80xi32, #tpu.memory_space<hbm>> -> memref<125x80xi32, #tpu.memory_space<hbm>>
      %dma_wait3A_54 = arith.constant 0 : i32
      %dma_wait3A_55 = arith.constant 0 : i32
      %dma_wait3A_56 = tpu.memref_slice %arg4[%add3A, %dma_wait3A_54, %dma_wait3A_55] : memref<32x125x80xi32, #tpu.memory_space<hbm>> -> memref<1x125x80xi32, #tpu.memory_space<hbm>>
      %dma_wait3A_57 = tpu.memref_squeeze %dma_wait3A_56 : memref<1x125x80xi32, #tpu.memory_space<hbm>> -> memref<125x80xi32, #tpu.memory_space<hbm>>
      tpu.wait_dma2 semaphore(%run_scoped3A : memref<!tpu.dma_semaphore, #tpu.memory_space<semaphore_mem>>) src(%dma_wait3A_57 : memref<125x80xi32, #tpu.memory_space<hbm>>) dst(%arg7 : memref<125x80xi32, #tpu.memory_space<vmem>>)
      tpu.yield
    }) : () -> ()
    "tpu.region"() ({
      %run_scoped3A = tpu.sem_alloc : memref<!tpu.dma_semaphore, #tpu.memory_space<semaphore_mem>>
      %dma_start3A_42 = arith.constant 0 : i32
      %dma_start3A_43 = arith.constant 0 : i32
      %dma_start3A_44 = tpu.memref_slice %arg5[%add3A, %dma_start3A_42, %dma_start3A_43] : memref<32x125x80xi32, #tpu.memory_space<hbm>> -> memref<1x125x80xi32, #tpu.memory_space<hbm>>
      %dma_start3A_45 = tpu.memref_squeeze %dma_start3A_44 : memref<1x125x80xi32, #tpu.memory_space<hbm>> -> memref<125x80xi32, #tpu.memory_space<hbm>>
      %dma_start3A_46 = arith.constant 0 : i32
      %dma_start3A_47 = arith.constant 0 : i32
      %dma_start3A_48 = tpu.memref_slice %arg5[%add3A, %dma_start3A_46, %dma_start3A_47] : memref<32x125x80xi32, #tpu.memory_space<hbm>> -> memref<1x125x80xi32, #tpu.memory_space<hbm>>
      %dma_start3A_49 = tpu.memref_squeeze %dma_start3A_48 : memref<1x125x80xi32, #tpu.memory_space<hbm>> -> memref<125x80xi32, #tpu.memory_space<hbm>>
      tpu.enqueue_dma source(%dma_start3A_49 : memref<125x80xi32, #tpu.memory_space<hbm>>) target(%arg8 : memref<125x80xi32, #tpu.memory_space<vmem>>) target_semaphore(%run_scoped3A : memref<!tpu.dma_semaphore, #tpu.memory_space<semaphore_mem>>)
      %dma_wait3A_50 = arith.constant 0 : i32
      %dma_wait3A_51 = arith.constant 0 : i32
      %dma_wait3A_52 = tpu.memref_slice %arg5[%add3A, %dma_wait3A_50, %dma_wait3A_51] : memref<32x125x80xi32, #tpu.memory_space<hbm>> -> memref<1x125x80xi32, #tpu.memory_space<hbm>>
      %dma_wait3A_53 = tpu.memref_squeeze %dma_wait3A_52 : memref<1x125x80xi32, #tpu.memory_space<hbm>> -> memref<125x80xi32, #tpu.memory_space<hbm>>
      %dma_wait3A_54 = arith.constant 0 : i32
      %dma_wait3A_55 = arith.constant 0 : i32
      %dma_wait3A_56 = tpu.memref_slice %arg5[%add3A, %dma_wait3A_54, %dma_wait3A_55] : memref<32x125x80xi32, #tpu.memory_space<hbm>> -> memref<1x125x80xi32, #tpu.memory_space<hbm>>
      %dma_wait3A_57 = tpu.memref_squeeze %dma_wait3A_56 : memref<1x125x80xi32, #tpu.memory_space<hbm>> -> memref<125x80xi32, #tpu.memory_space<hbm>>
      tpu.wait_dma2 semaphore(%run_scoped3A : memref<!tpu.dma_semaphore, #tpu.memory_space<semaphore_mem>>) src(%dma_wait3A_57 : memref<125x80xi32, #tpu.memory_space<hbm>>) dst(%arg8 : memref<125x80xi32, #tpu.memory_space<vmem>>)
      tpu.yield
    }) : () -> ()
    %scan3A = arith.constant 0 : i32
    %scan3A_1 = arith.constant 0 : i32
    %scan3A_2 = arith.constant 31 : i32
    %scan3A_3 = arith.addi %scan3A_1, %scan3A_2 : i32
    %scan3A_4 = arith.constant 1 : i32
    scf.for %scan3A_42 = %scan3A_1 to %scan3A_3 step %scan3A_4  : i32 {
      %mul3A_43 = arith.constant 4 : i32
      %mul3A_44 = arith.muli %mul3A_43, %scan3A_42 : i32
      %add3A_45 = arith.constant 0 : i32
      %add3A_46 = arith.addi %mul3A_44, %add3A_45 : i32
      %dma_start3A_47 = arith.constant 0 : i32
      %dma_start3A_48 = tpu.memref_slice %arg7[%add3A_46, %dma_start3A_47] : memref<125x80xi32, #tpu.memory_space<vmem>> -> memref<1x80xi32, #tpu.memory_space<vmem>>
      %dma_start3A_49 = tpu.memref_squeeze %dma_start3A_48 : memref<1x80xi32, #tpu.memory_space<vmem>> -> memref<80xi32, #tpu.memory_space<vmem>>
      %dma_start3A_50 = arith.constant 0 : i32
      %dma_start3A_51 = arith.constant 0 : i32
      %dma_start3A_52 = tpu.memref_slice %arg2[%dma_start3A_50, %dma_start3A_51] : memref<10000x128xf32, #tpu.memory_space<hbm>> -> memref<10000x128xf32, #tpu.memory_space<hbm>>
      tpu.enqueue_indirect_dma source(%dma_start3A_52 : memref<10000x128xf32, #tpu.memory_space<hbm>>) target(%arg9 : memref<80x128xf32, #tpu.memory_space<vmem>>) offsets(%dma_start3A_49 : memref<80xi32, #tpu.memory_space<vmem>>) semaphore(%arg17 : memref<!tpu.dma_semaphore, #tpu.memory_space<semaphore_mem>>)
      %dma_start3A_53 = arith.constant 0 : i32
      %dma_start3A_54 = tpu.memref_slice %arg8[%add3A_46, %dma_start3A_53] : memref<125x80xi32, #tpu.memory_space<vmem>> -> memref<1x80xi32, #tpu.memory_space<vmem>>
      %dma_start3A_55 = tpu.memref_squeeze %dma_start3A_54 : memref<1x80xi32, #tpu.memory_space<vmem>> -> memref<80xi32, #tpu.memory_space<vmem>>
      %dma_start3A_56 = arith.constant 0 : i32
      %dma_start3A_57 = arith.constant 0 : i32
      %dma_start3A_58 = tpu.memref_slice %arg3[%dma_start3A_56, %dma_start3A_57] : memref<10000x128xf32, #tpu.memory_space<hbm>> -> memref<10000x128xf32, #tpu.memory_space<hbm>>
      tpu.enqueue_indirect_dma source(%dma_start3A_58 : memref<10000x128xf32, #tpu.memory_space<hbm>>) target(%arg10 : memref<80x128xf32, #tpu.memory_space<vmem>>) offsets(%dma_start3A_55 : memref<80xi32, #tpu.memory_space<vmem>>) semaphore(%arg18 : memref<!tpu.dma_semaphore, #tpu.memory_space<semaphore_mem>>)
      %mul3A_59 = arith.constant 4 : i32
      %mul3A_60 = arith.muli %mul3A_59, %scan3A_42 : i32
      %add3A_61 = arith.constant 1 : i32
      %add3A_62 = arith.addi %mul3A_60, %add3A_61 : i32
      %dma_start3A_63 = arith.constant 0 : i32
      %dma_start3A_64 = tpu.memref_slice %arg7[%add3A_62, %dma_start3A_63] : memref<125x80xi32, #tpu.memory_space<vmem>> -> memref<1x80xi32, #tpu.memory_space<vmem>>
      %dma_start3A_65 = tpu.memref_squeeze %dma_start3A_64 : memref<1x80xi32, #tpu.memory_space<vmem>> -> memref<80xi32, #tpu.memory_space<vmem>>
      %dma_start3A_66 = arith.constant 0 : i32
      %dma_start3A_67 = arith.constant 0 : i32
      %dma_start3A_68 = tpu.memref_slice %arg2[%dma_start3A_66, %dma_start3A_67] : memref<10000x128xf32, #tpu.memory_space<hbm>> -> memref<10000x128xf32, #tpu.memory_space<hbm>>
      tpu.enqueue_indirect_dma source(%dma_start3A_68 : memref<10000x128xf32, #tpu.memory_space<hbm>>) target(%arg11 : memref<80x128xf32, #tpu.memory_space<vmem>>) offsets(%dma_start3A_65 : memref<80xi32, #tpu.memory_space<vmem>>) semaphore(%arg19 : memref<!tpu.dma_semaphore, #tpu.memory_space<semaphore_mem>>)
      %dma_start3A_69 = arith.constant 0 : i32
      %dma_start3A_70 = tpu.memref_slice %arg8[%add3A_62, %dma_start3A_69] : memref<125x80xi32, #tpu.memory_space<vmem>> -> memref<1x80xi32, #tpu.memory_space<vmem>>
      %dma_start3A_71 = tpu.memref_squeeze %dma_start3A_70 : memref<1x80xi32, #tpu.memory_space<vmem>> -> memref<80xi32, #tpu.memory_space<vmem>>
      %dma_start3A_72 = arith.constant 0 : i32
      %dma_start3A_73 = arith.constant 0 : i32
      %dma_start3A_74 = tpu.memref_slice %arg3[%dma_start3A_72, %dma_start3A_73] : memref<10000x128xf32, #tpu.memory_space<hbm>> -> memref<10000x128xf32, #tpu.memory_space<hbm>>
      tpu.enqueue_indirect_dma source(%dma_start3A_74 : memref<10000x128xf32, #tpu.memory_space<hbm>>) target(%arg12 : memref<80x128xf32, #tpu.memory_space<vmem>>) offsets(%dma_start3A_71 : memref<80xi32, #tpu.memory_space<vmem>>) semaphore(%arg20 : memref<!tpu.dma_semaphore, #tpu.memory_space<semaphore_mem>>)
      %mul3A_75 = arith.constant 4 : i32
      %mul3A_76 = arith.muli %mul3A_75, %scan3A_42 : i32
      %add3A_77 = arith.constant 2 : i32
      %add3A_78 = arith.addi %mul3A_76, %add3A_77 : i32
      %dma_start3A_79 = arith.constant 0 : i32
      %dma_start3A_80 = tpu.memref_slice %arg7[%add3A_78, %dma_start3A_79] : memref<125x80xi32, #tpu.memory_space<vmem>> -> memref<1x80xi32, #tpu.memory_space<vmem>>
      %dma_start3A_81 = tpu.memref_squeeze %dma_start3A_80 : memref<1x80xi32, #tpu.memory_space<vmem>> -> memref<80xi32, #tpu.memory_space<vmem>>
      %dma_start3A_82 = arith.constant 0 : i32
      %dma_start3A_83 = arith.constant 0 : i32
      %dma_start3A_84 = tpu.memref_slice %arg2[%dma_start3A_82, %dma_start3A_83] : memref<10000x128xf32, #tpu.memory_space<hbm>> -> memref<10000x128xf32, #tpu.memory_space<hbm>>
      tpu.enqueue_indirect_dma source(%dma_start3A_84 : memref<10000x128xf32, #tpu.memory_space<hbm>>) target(%arg13 : memref<80x128xf32, #tpu.memory_space<vmem>>) offsets(%dma_start3A_81 : memref<80xi32, #tpu.memory_space<vmem>>) semaphore(%arg21 : memref<!tpu.dma_semaphore, #tpu.memory_space<semaphore_mem>>)
      %dma_start3A_85 = arith.constant 0 : i32
      %dma_start3A_86 = tpu.memref_slice %arg8[%add3A_78, %dma_start3A_85] : memref<125x80xi32, #tpu.memory_space<vmem>> -> memref<1x80xi32, #tpu.memory_space<vmem>>
      %dma_start3A_87 = tpu.memref_squeeze %dma_start3A_86 : memref<1x80xi32, #tpu.memory_space<vmem>> -> memref<80xi32, #tpu.memory_space<vmem>>
      %dma_start3A_88 = arith.constant 0 : i32
      %dma_start3A_89 = arith.constant 0 : i32
      %dma_start3A_90 = tpu.memref_slice %arg3[%dma_start3A_88, %dma_start3A_89] : memref<10000x128xf32, #tpu.memory_space<hbm>> -> memref<10000x128xf32, #tpu.memory_space<hbm>>
      tpu.enqueue_indirect_dma source(%dma_start3A_90 : memref<10000x128xf32, #tpu.memory_space<hbm>>) target(%arg14 : memref<80x128xf32, #tpu.memory_space<vmem>>) offsets(%dma_start3A_87 : memref<80xi32, #tpu.memory_space<vmem>>) semaphore(%arg22 : memref<!tpu.dma_semaphore, #tpu.memory_space<semaphore_mem>>)
      %mul3A_91 = arith.constant 4 : i32
      %mul3A_92 = arith.muli %mul3A_91, %scan3A_42 : i32
      %add3A_93 = arith.constant 3 : i32
      %add3A_94 = arith.addi %mul3A_92, %add3A_93 : i32
      %dma_start3A_95 = arith.constant 0 : i32
      %dma_start3A_96 = tpu.memref_slice %arg7[%add3A_94, %dma_start3A_95] : memref<125x80xi32, #tpu.memory_space<vmem>> -> memref<1x80xi32, #tpu.memory_space<vmem>>
      %dma_start3A_97 = tpu.memref_squeeze %dma_start3A_96 : memref<1x80xi32, #tpu.memory_space<vmem>> -> memref<80xi32, #tpu.memory_space<vmem>>
      %dma_start3A_98 = arith.constant 0 : i32
      %dma_start3A_99 = arith.constant 0 : i32
      %dma_start3A_100 = tpu.memref_slice %arg2[%dma_start3A_98, %dma_start3A_99] : memref<10000x128xf32, #tpu.memory_space<hbm>> -> memref<10000x128xf32, #tpu.memory_space<hbm>>
      tpu.enqueue_indirect_dma source(%dma_start3A_100 : memref<10000x128xf32, #tpu.memory_space<hbm>>) target(%arg15 : memref<80x128xf32, #tpu.memory_space<vmem>>) offsets(%dma_start3A_97 : memref<80xi32, #tpu.memory_space<vmem>>) semaphore(%arg23 : memref<!tpu.dma_semaphore, #tpu.memory_space<semaphore_mem>>)
      %dma_start3A_101 = arith.constant 0 : i32
      %dma_start3A_102 = tpu.memref_slice %arg8[%add3A_94, %dma_start3A_101] : memref<125x80xi32, #tpu.memory_space<vmem>> -> memref<1x80xi32, #tpu.memory_space<vmem>>
      %dma_start3A_103 = tpu.memref_squeeze %dma_start3A_102 : memref<1x80xi32, #tpu.memory_space<vmem>> -> memref<80xi32, #tpu.memory_space<vmem>>
      %dma_start3A_104 = arith.constant 0 : i32
      %dma_start3A_105 = arith.constant 0 : i32
      %dma_start3A_106 = tpu.memref_slice %arg3[%dma_start3A_104, %dma_start3A_105] : memref<10000x128xf32, #tpu.memory_space<hbm>> -> memref<10000x128xf32, #tpu.memory_space<hbm>>
      tpu.enqueue_indirect_dma source(%dma_start3A_106 : memref<10000x128xf32, #tpu.memory_space<hbm>>) target(%arg16 : memref<80x128xf32, #tpu.memory_space<vmem>>) offsets(%dma_start3A_103 : memref<80xi32, #tpu.memory_space<vmem>>) semaphore(%arg24 : memref<!tpu.dma_semaphore, #tpu.memory_space<semaphore_mem>>)
      %mul3A_107 = arith.constant 4 : i32
      %mul3A_108 = arith.muli %mul3A_107, %scan3A_42 : i32
      %add3A_109 = arith.constant 0 : i32
      %add3A_110 = arith.addi %mul3A_108, %add3A_109 : i32
      %dma_wait3A_111 = arith.constant 0 : i32
      %dma_wait3A_112 = tpu.memref_slice %arg7[%add3A_46, %dma_wait3A_111] : memref<125x80xi32, #tpu.memory_space<vmem>> -> memref<1x80xi32, #tpu.memory_space<vmem>>
      %dma_wait3A_113 = tpu.memref_squeeze %dma_wait3A_112 : memref<1x80xi32, #tpu.memory_space<vmem>> -> memref<80xi32, #tpu.memory_space<vmem>>
      %dma_wait3A_114 = arith.constant 0 : i32
      %dma_wait3A_115 = arith.constant 0 : i32
      %dma_wait3A_116 = tpu.memref_slice %arg2[%dma_wait3A_114, %dma_wait3A_115] : memref<10000x128xf32, #tpu.memory_space<hbm>> -> memref<10000x128xf32, #tpu.memory_space<hbm>>
      tpu.wait_indirect_dma semaphore(%arg17 : memref<!tpu.dma_semaphore, #tpu.memory_space<semaphore_mem>>) src(%dma_wait3A_116 : memref<10000x128xf32, #tpu.memory_space<hbm>>) dst(%arg9 : memref<80x128xf32, #tpu.memory_space<vmem>>)
      %dma_wait3A_117 = arith.constant 0 : i32
      %dma_wait3A_118 = tpu.memref_slice %arg8[%add3A_46, %dma_wait3A_117] : memref<125x80xi32, #tpu.memory_space<vmem>> -> memref<1x80xi32, #tpu.memory_space<vmem>>
      %dma_wait3A_119 = tpu.memref_squeeze %dma_wait3A_118 : memref<1x80xi32, #tpu.memory_space<vmem>> -> memref<80xi32, #tpu.memory_space<vmem>>
      %dma_wait3A_120 = arith.constant 0 : i32
      %dma_wait3A_121 = arith.constant 0 : i32
      %dma_wait3A_122 = tpu.memref_slice %arg3[%dma_wait3A_120, %dma_wait3A_121] : memref<10000x128xf32, #tpu.memory_space<hbm>> -> memref<10000x128xf32, #tpu.memory_space<hbm>>
      tpu.wait_indirect_dma semaphore(%arg18 : memref<!tpu.dma_semaphore, #tpu.memory_space<semaphore_mem>>) src(%dma_wait3A_122 : memref<10000x128xf32, #tpu.memory_space<hbm>>) dst(%arg10 : memref<80x128xf32, #tpu.memory_space<vmem>>)
      %scan3A_123 = arith.constant 0 : i32
      %scan3A_124 = arith.constant 0 : i32
      %scan3A_125 = arith.constant 80 : i32
      %scan3A_126 = arith.addi %scan3A_124, %scan3A_125 : i32
      %scan3A_127 = arith.constant 1 : i32
      scf.for %scan3A_251 = %scan3A_124 to %scan3A_126 step %scan3A_127  : i32 {
        %get3A = arith.index_cast %scan3A_251 : i32 to index
        %get3A_252 = arith.constant 0 : index
        %get3A_253 = tpu.vector_load %arg9[%get3A, %get3A_252] {strides = array<i32>} : memref<80x128xf32, #tpu.memory_space<vmem>>, vector<1x16xf32>,
        %get3A_254 = vector.shape_cast %get3A_253 : vector<1x16xf32> to vector<16xf32>
        %get3A_255 = arith.index_cast %scan3A_251 : i32 to index
        %get3A_256 = arith.constant 0 : index
        %get3A_257 = tpu.vector_load %arg10[%get3A_255, %get3A_256] {strides = array<i32>} : memref<80x128xf32, #tpu.memory_space<vmem>>, vector<1x16xf32>,
        %get3A_258 = vector.shape_cast %get3A_257 : vector<1x16xf32> to vector<16xf32>
        %add3A_259 = arith.addf %get3A_254, %get3A_258 : vector<16xf32>
        %swap3A = arith.index_cast %scan3A_251 : i32 to index
        %swap3A_260 = arith.constant 0 : index
        %swap3A_261 = tpu.vector_load %arg9[%swap3A, %swap3A_260] {strides = array<i32>} : memref<80x128xf32, #tpu.memory_space<vmem>>, vector<1x16xf32>,
        %swap3A_262 = vector.shape_cast %swap3A_261 : vector<1x16xf32> to vector<16xf32>
        %swap3A_263 = vector.shape_cast %add3A_259 : vector<16xf32> to vector<1x16xf32>
        tpu.vector_store %arg9[%swap3A, %swap3A_260], %swap3A_263 {strides = array<i32>} : memref<80x128xf32, #tpu.memory_space<vmem>>, vector<1x16xf32>,
        %get3A_264 = arith.index_cast %scan3A_251 : i32 to index
        %get3A_265 = arith.constant 16 : index
        %get3A_266 = tpu.vector_load %arg9[%get3A_264, %get3A_265] {strides = array<i32>} : memref<80x128xf32, #tpu.memory_space<vmem>>, vector<1x16xf32>,
        %get3A_267 = vector.shape_cast %get3A_266 : vector<1x16xf32> to vector<16xf32>
        %get3A_268 = arith.index_cast %scan3A_251 : i32 to index
        %get3A_269 = arith.constant 16 : index
        %get3A_270 = tpu.vector_load %arg10[%get3A_268, %get3A_269] {strides = array<i32>} : memref<80x128xf32, #tpu.memory_space<vmem>>, vector<1x16xf32>,
        %get3A_271 = vector.shape_cast %get3A_270 : vector<1x16xf32> to vector<16xf32>
        %add3A_272 = arith.addf %get3A_267, %get3A_271 : vector<16xf32>
        %swap3A_273 = arith.index_cast %scan3A_251 : i32 to index
        %swap3A_274 = arith.constant 16 : index
        %swap3A_275 = tpu.vector_load %arg9[%swap3A_273, %swap3A_274] {strides = array<i32>} : memref<80x128xf32, #tpu.memory_space<vmem>>, vector<1x16xf32>,
        %swap3A_276 = vector.shape_cast %swap3A_275 : vector<1x16xf32> to vector<16xf32>
        %swap3A_277 = vector.shape_cast %add3A_272 : vector<16xf32> to vector<1x16xf32>
        tpu.vector_store %arg9[%swap3A_273, %swap3A_274], %swap3A_277 {strides = array<i32>} : memref<80x128xf32, #tpu.memory_space<vmem>>, vector<1x16xf32>,
        %get3A_278 = arith.index_cast %scan3A_251 : i32 to index
        %get3A_279 = arith.constant 32 : index
        %get3A_280 = tpu.vector_load %arg9[%get3A_278, %get3A_279] {strides = array<i32>} : memref<80x128xf32, #tpu.memory_space<vmem>>, vector<1x16xf32>,
        %get3A_281 = vector.shape_cast %get3A_280 : vector<1x16xf32> to vector<16xf32>
        %get3A_282 = arith.index_cast %scan3A_251 : i32 to index
        %get3A_283 = arith.constant 32 : index
        %get3A_284 = tpu.vector_load %arg10[%get3A_282, %get3A_283] {strides = array<i32>} : memref<80x128xf32, #tpu.memory_space<vmem>>, vector<1x16xf32>,
        %get3A_285 = vector.shape_cast %get3A_284 : vector<1x16xf32> to vector<16xf32>
        %add3A_286 = arith.addf %get3A_281, %get3A_285 : vector<16xf32>
        %swap3A_287 = arith.index_cast %scan3A_251 : i32 to index
        %swap3A_288 = arith.constant 32 : index
        %swap3A_289 = tpu.vector_load %arg9[%swap3A_287, %swap3A_288] {strides = array<i32>} : memref<80x128xf32, #tpu.memory_space<vmem>>, vector<1x16xf32>,
        %swap3A_290 = vector.shape_cast %swap3A_289 : vector<1x16xf32> to vector<16xf32>
        %swap3A_291 = vector.shape_cast %add3A_286 : vector<16xf32> to vector<1x16xf32>
        tpu.vector_store %arg9[%swap3A_287, %swap3A_288], %swap3A_291 {strides = array<i32>} : memref<80x128xf32, #tpu.memory_space<vmem>>, vector<1x16xf32>,
        %get3A_292 = arith.index_cast %scan3A_251 : i32 to index
        %get3A_293 = arith.constant 48 : index
        %get3A_294 = tpu.vector_load %arg9[%get3A_292, %get3A_293] {strides = array<i32>} : memref<80x128xf32, #tpu.memory_space<vmem>>, vector<1x16xf32>,
        %get3A_295 = vector.shape_cast %get3A_294 : vector<1x16xf32> to vector<16xf32>
        %get3A_296 = arith.index_cast %scan3A_251 : i32 to index
        %get3A_297 = arith.constant 48 : index
        %get3A_298 = tpu.vector_load %arg10[%get3A_296, %get3A_297] {strides = array<i32>} : memref<80x128xf32, #tpu.memory_space<vmem>>, vector<1x16xf32>,
        %get3A_299 = vector.shape_cast %get3A_298 : vector<1x16xf32> to vector<16xf32>
        %add3A_300 = arith.addf %get3A_295, %get3A_299 : vector<16xf32>
        %swap3A_301 = arith.index_cast %scan3A_251 : i32 to index
        %swap3A_302 = arith.constant 48 : index
        %swap3A_303 = tpu.vector_load %arg9[%swap3A_301, %swap3A_302] {strides = array<i32>} : memref<80x128xf32, #tpu.memory_space<vmem>>, vector<1x16xf32>,
        %swap3A_304 = vector.shape_cast %swap3A_303 : vector<1x16xf32> to vector<16xf32>
        %swap3A_305 = vector.shape_cast %add3A_300 : vector<16xf32> to vector<1x16xf32>
        tpu.vector_store %arg9[%swap3A_301, %swap3A_302], %swap3A_305 {strides = array<i32>} : memref<80x128xf32, #tpu.memory_space<vmem>>, vector<1x16xf32>,
        %get3A_306 = arith.index_cast %scan3A_251 : i32 to index
        %get3A_307 = arith.constant 64 : index
        %get3A_308 = tpu.vector_load %arg9[%get3A_306, %get3A_307] {strides = array<i32>} : memref<80x128xf32, #tpu.memory_space<vmem>>, vector<1x16xf32>,
        %get3A_309 = vector.shape_cast %get3A_308 : vector<1x16xf32> to vector<16xf32>
        %get3A_310 = arith.index_cast %scan3A_251 : i32 to index
        %get3A_311 = arith.constant 64 : index
        %get3A_312 = tpu.vector_load %arg10[%get3A_310, %get3A_311] {strides = array<i32>} : memref<80x128xf32, #tpu.memory_space<vmem>>, vector<1x16xf32>,
        %get3A_313 = vector.shape_cast %get3A_312 : vector<1x16xf32> to vector<16xf32>
        %add3A_314 = arith.addf %get3A_309, %get3A_313 : vector<16xf32>
        %swap3A_315 = arith.index_cast %scan3A_251 : i32 to index
        %swap3A_316 = arith.constant 64 : index
        %swap3A_317 = tpu.vector_load %arg9[%swap3A_315, %swap3A_316] {strides = array<i32>} : memref<80x128xf32, #tpu.memory_space<vmem>>, vector<1x16xf32>,
        %swap3A_318 = vector.shape_cast %swap3A_317 : vector<1x16xf32> to vector<16xf32>
        %swap3A_319 = vector.shape_cast %add3A_314 : vector<16xf32> to vector<1x16xf32>
        tpu.vector_store %arg9[%swap3A_315, %swap3A_316], %swap3A_319 {strides = array<i32>} : memref<80x128xf32, #tpu.memory_space<vmem>>, vector<1x16xf32>,
        %get3A_320 = arith.index_cast %scan3A_251 : i32 to index
        %get3A_321 = arith.constant 80 : index
        %get3A_322 = tpu.vector_load %arg9[%get3A_320, %get3A_321] {strides = array<i32>} : memref<80x128xf32, #tpu.memory_space<vmem>>, vector<1x16xf32>,
        %get3A_323 = vector.shape_cast %get3A_322 : vector<1x16xf32> to vector<16xf32>
        %get3A_324 = arith.index_cast %scan3A_251 : i32 to index
        %get3A_325 = arith.constant 80 : index
        %get3A_326 = tpu.vector_load %arg10[%get3A_324, %get3A_325] {strides = array<i32>} : memref<80x128xf32, #tpu.memory_space<vmem>>, vector<1x16xf32>,
        %get3A_327 = vector.shape_cast %get3A_326 : vector<1x16xf32> to vector<16xf32>
        %add3A_328 = arith.addf %get3A_323, %get3A_327 : vector<16xf32>
        %swap3A_329 = arith.index_cast %scan3A_251 : i32 to index
        %swap3A_330 = arith.constant 80 : index
        %swap3A_331 = tpu.vector_load %arg9[%swap3A_329, %swap3A_330] {strides = array<i32>} : memref<80x128xf32, #tpu.memory_space<vmem>>, vector<1x16xf32>,
        %swap3A_332 = vector.shape_cast %swap3A_331 : vector<1x16xf32> to vector<16xf32>
        %swap3A_333 = vector.shape_cast %add3A_328 : vector<16xf32> to vector<1x16xf32>
        tpu.vector_store %arg9[%swap3A_329, %swap3A_330], %swap3A_333 {strides = array<i32>} : memref<80x128xf32, #tpu.memory_space<vmem>>, vector<1x16xf32>,
        %get3A_334 = arith.index_cast %scan3A_251 : i32 to index
        %get3A_335 = arith.constant 96 : index
        %get3A_336 = tpu.vector_load %arg9[%get3A_334, %get3A_335] {strides = array<i32>} : memref<80x128xf32, #tpu.memory_space<vmem>>, vector<1x16xf32>,
        %get3A_337 = vector.shape_cast %get3A_336 : vector<1x16xf32> to vector<16xf32>
        %get3A_338 = arith.index_cast %scan3A_251 : i32 to index
        %get3A_339 = arith.constant 96 : index
        %get3A_340 = tpu.vector_load %arg10[%get3A_338, %get3A_339] {strides = array<i32>} : memref<80x128xf32, #tpu.memory_space<vmem>>, vector<1x16xf32>,
        %get3A_341 = vector.shape_cast %get3A_340 : vector<1x16xf32> to vector<16xf32>
        %add3A_342 = arith.addf %get3A_337, %get3A_341 : vector<16xf32>
        %swap3A_343 = arith.index_cast %scan3A_251 : i32 to index
        %swap3A_344 = arith.constant 96 : index
        %swap3A_345 = tpu.vector_load %arg9[%swap3A_343, %swap3A_344] {strides = array<i32>} : memref<80x128xf32, #tpu.memory_space<vmem>>, vector<1x16xf32>,
        %swap3A_346 = vector.shape_cast %swap3A_345 : vector<1x16xf32> to vector<16xf32>
        %swap3A_347 = vector.shape_cast %add3A_342 : vector<16xf32> to vector<1x16xf32>
        tpu.vector_store %arg9[%swap3A_343, %swap3A_344], %swap3A_347 {strides = array<i32>} : memref<80x128xf32, #tpu.memory_space<vmem>>, vector<1x16xf32>,
        %get3A_348 = arith.index_cast %scan3A_251 : i32 to index
        %get3A_349 = arith.constant 112 : index
        %get3A_350 = tpu.vector_load %arg9[%get3A_348, %get3A_349] {strides = array<i32>} : memref<80x128xf32, #tpu.memory_space<vmem>>, vector<1x16xf32>,
        %get3A_351 = vector.shape_cast %get3A_350 : vector<1x16xf32> to vector<16xf32>
        %get3A_352 = arith.index_cast %scan3A_251 : i32 to index
        %get3A_353 = arith.constant 112 : index
        %get3A_354 = tpu.vector_load %arg10[%get3A_352, %get3A_353] {strides = array<i32>} : memref<80x128xf32, #tpu.memory_space<vmem>>, vector<1x16xf32>,
        %get3A_355 = vector.shape_cast %get3A_354 : vector<1x16xf32> to vector<16xf32>
        %add3A_356 = arith.addf %get3A_351, %get3A_355 : vector<16xf32>
        %swap3A_357 = arith.index_cast %scan3A_251 : i32 to index
        %swap3A_358 = arith.constant 112 : index
        %swap3A_359 = tpu.vector_load %arg9[%swap3A_357, %swap3A_358] {strides = array<i32>} : memref<80x128xf32, #tpu.memory_space<vmem>>, vector<1x16xf32>,
        %swap3A_360 = vector.shape_cast %swap3A_359 : vector<1x16xf32> to vector<16xf32>
        %swap3A_361 = vector.shape_cast %add3A_356 : vector<16xf32> to vector<1x16xf32>
        tpu.vector_store %arg9[%swap3A_357, %swap3A_358], %swap3A_361 {strides = array<i32>} : memref<80x128xf32, #tpu.memory_space<vmem>>, vector<1x16xf32>,
      }
      %scan3A_128 = arith.constant 80 : i32
      %mul3A_129 = arith.constant 10000 : i32
      %mul3A_130 = arith.muli %add3A, %mul3A_129 : i32
      %mul3A_131 = arith.constant 80 : i32
      %mul3A_132 = arith.muli %add3A_110, %mul3A_131 : i32
      %add3A_133 = arith.addi %mul3A_130, %mul3A_132 : i32
      %multiple_of3A_134 = tpu.assume_multiple %add3A_133, 8 : i32
      %dma_start3A_135 = arith.constant 0 : i32
      %dma_start3A_136 = tpu.memref_slice %arg6[%multiple_of3A_134, %dma_start3A_135] : memref<320000x128xf32, #tpu.memory_space<hbm>> -> memref<80x128xf32, #tpu.memory_space<hbm>>
      %dma_start3A_137 = arith.constant 0 : i32
      %dma_start3A_138 = tpu.memref_slice %arg6[%multiple_of3A_134, %dma_start3A_137] : memref<320000x128xf32, #tpu.memory_space<hbm>> -> memref<80x128xf32, #tpu.memory_space<hbm>>
      tpu.enqueue_dma source(%arg9 : memref<80x128xf32, #tpu.memory_space<vmem>>) target(%dma_start3A_138 : memref<80x128xf32, #tpu.memory_space<hbm>>) target_semaphore(%arg25 : memref<!tpu.dma_semaphore, #tpu.memory_space<semaphore_mem>>)
      %mul3A_139 = arith.constant 4 : i32
      %mul3A_140 = arith.muli %mul3A_139, %scan3A_42 : i32
      %add3A_141 = arith.constant 1 : i32
      %add3A_142 = arith.addi %mul3A_140, %add3A_141 : i32
      %dma_wait3A_143 = arith.constant 0 : i32
      %dma_wait3A_144 = tpu.memref_slice %arg7[%add3A_62, %dma_wait3A_143] : memref<125x80xi32, #tpu.memory_space<vmem>> -> memref<1x80xi32, #tpu.memory_space<vmem>>
      %dma_wait3A_145 = tpu.memref_squeeze %dma_wait3A_144 : memref<1x80xi32, #tpu.memory_space<vmem>> -> memref<80xi32, #tpu.memory_space<vmem>>
      %dma_wait3A_146 = arith.constant 0 : i32
      %dma_wait3A_147 = arith.constant 0 : i32
      %dma_wait3A_148 = tpu.memref_slice %arg2[%dma_wait3A_146, %dma_wait3A_147] : memref<10000x128xf32, #tpu.memory_space<hbm>> -> memref<10000x128xf32, #tpu.memory_space<hbm>>
      tpu.wait_indirect_dma semaphore(%arg19 : memref<!tpu.dma_semaphore, #tpu.memory_space<semaphore_mem>>) src(%dma_wait3A_148 : memref<10000x128xf32, #tpu.memory_space<hbm>>) dst(%arg11 : memref<80x128xf32, #tpu.memory_space<vmem>>)
      %dma_wait3A_149 = arith.constant 0 : i32
      %dma_wait3A_150 = tpu.memref_slice %arg8[%add3A_62, %dma_wait3A_149] : memref<125x80xi32, #tpu.memory_space<vmem>> -> memref<1x80xi32, #tpu.memory_space<vmem>>
      %dma_wait3A_151 = tpu.memref_squeeze %dma_wait3A_150 : memref<1x80xi32, #tpu.memory_space<vmem>> -> memref<80xi32, #tpu.memory_space<vmem>>
      %dma_wait3A_152 = arith.constant 0 : i32
      %dma_wait3A_153 = arith.constant 0 : i32
      %dma_wait3A_154 = tpu.memref_slice %arg3[%dma_wait3A_152, %dma_wait3A_153] : memref<10000x128xf32, #tpu.memory_space<hbm>> -> memref<10000x128xf32, #tpu.memory_space<hbm>>
      tpu.wait_indirect_dma semaphore(%arg20 : memref<!tpu.dma_semaphore, #tpu.memory_space<semaphore_mem>>) src(%dma_wait3A_154 : memref<10000x128xf32, #tpu.memory_space<hbm>>) dst(%arg12 : memref<80x128xf32, #tpu.memory_space<vmem>>)
      %scan3A_155 = arith.constant 0 : i32
      %scan3A_156 = arith.constant 0 : i32
      %scan3A_157 = arith.constant 80 : i32
      %scan3A_158 = arith.addi %scan3A_156, %scan3A_157 : i32
      %scan3A_159 = arith.constant 1 : i32
      scf.for %scan3A_251 = %scan3A_156 to %scan3A_158 step %scan3A_159  : i32 {
        %get3A = arith.index_cast %scan3A_251 : i32 to index
        %get3A_252 = arith.constant 0 : index
        %get3A_253 = tpu.vector_load %arg11[%get3A, %get3A_252] {strides = array<i32>} : memref<80x128xf32, #tpu.memory_space<vmem>>, vector<1x16xf32>,
        %get3A_254 = vector.shape_cast %get3A_253 : vector<1x16xf32> to vector<16xf32>
        %get3A_255 = arith.index_cast %scan3A_251 : i32 to index
        %get3A_256 = arith.constant 0 : index
        %get3A_257 = tpu.vector_load %arg12[%get3A_255, %get3A_256] {strides = array<i32>} : memref<80x128xf32, #tpu.memory_space<vmem>>, vector<1x16xf32>,
        %get3A_258 = vector.shape_cast %get3A_257 : vector<1x16xf32> to vector<16xf32>
        %add3A_259 = arith.addf %get3A_254, %get3A_258 : vector<16xf32>
        %swap3A = arith.index_cast %scan3A_251 : i32 to index
        %swap3A_260 = arith.constant 0 : index
        %swap3A_261 = tpu.vector_load %arg11[%swap3A, %swap3A_260] {strides = array<i32>} : memref<80x128xf32, #tpu.memory_space<vmem>>, vector<1x16xf32>,
        %swap3A_262 = vector.shape_cast %swap3A_261 : vector<1x16xf32> to vector<16xf32>
        %swap3A_263 = vector.shape_cast %add3A_259 : vector<16xf32> to vector<1x16xf32>
        tpu.vector_store %arg11[%swap3A, %swap3A_260], %swap3A_263 {strides = array<i32>} : memref<80x128xf32, #tpu.memory_space<vmem>>, vector<1x16xf32>,
        %get3A_264 = arith.index_cast %scan3A_251 : i32 to index
        %get3A_265 = arith.constant 16 : index
        %get3A_266 = tpu.vector_load %arg11[%get3A_264, %get3A_265] {strides = array<i32>} : memref<80x128xf32, #tpu.memory_space<vmem>>, vector<1x16xf32>,
        %get3A_267 = vector.shape_cast %get3A_266 : vector<1x16xf32> to vector<16xf32>
        %get3A_268 = arith.index_cast %scan3A_251 : i32 to index
        %get3A_269 = arith.constant 16 : index
        %get3A_270 = tpu.vector_load %arg12[%get3A_268, %get3A_269] {strides = array<i32>} : memref<80x128xf32, #tpu.memory_space<vmem>>, vector<1x16xf32>,
        %get3A_271 = vector.shape_cast %get3A_270 : vector<1x16xf32> to vector<16xf32>
        %add3A_272 = arith.addf %get3A_267, %get3A_271 : vector<16xf32>
        %swap3A_273 = arith.index_cast %scan3A_251 : i32 to index
        %swap3A_274 = arith.constant 16 : index
        %swap3A_275 = tpu.vector_load %arg11[%swap3A_273, %swap3A_274] {strides = array<i32>} : memref<80x128xf32, #tpu.memory_space<vmem>>, vector<1x16xf32>,
        %swap3A_276 = vector.shape_cast %swap3A_275 : vector<1x16xf32> to vector<16xf32>
        %swap3A_277 = vector.shape_cast %add3A_272 : vector<16xf32> to vector<1x16xf32>
        tpu.vector_store %arg11[%swap3A_273, %swap3A_274], %swap3A_277 {strides = array<i32>} : memref<80x128xf32, #tpu.memory_space<vmem>>, vector<1x16xf32>,
        %get3A_278 = arith.index_cast %scan3A_251 : i32 to index
        %get3A_279 = arith.constant 32 : index
        %get3A_280 = tpu.vector_load %arg11[%get3A_278, %get3A_279] {strides = array<i32>} : memref<80x128xf32, #tpu.memory_space<vmem>>, vector<1x16xf32>,
        %get3A_281 = vector.shape_cast %get3A_280 : vector<1x16xf32> to vector<16xf32>
        %get3A_282 = arith.index_cast %scan3A_251 : i32 to index
        %get3A_283 = arith.constant 32 : index
        %get3A_284 = tpu.vector_load %arg12[%get3A_282, %get3A_283] {strides = array<i32>} : memref<80x128xf32, #tpu.memory_space<vmem>>, vector<1x16xf32>,
        %get3A_285 = vector.shape_cast %get3A_284 : vector<1x16xf32> to vector<16xf32>
        %add3A_286 = arith.addf %get3A_281, %get3A_285 : vector<16xf32>
        %swap3A_287 = arith.index_cast %scan3A_251 : i32 to index
        %swap3A_288 = arith.constant 32 : index
        %swap3A_289 = tpu.vector_load %arg11[%swap3A_287, %swap3A_288] {strides = array<i32>} : memref<80x128xf32, #tpu.memory_space<vmem>>, vector<1x16xf32>,
        %swap3A_290 = vector.shape_cast %swap3A_289 : vector<1x16xf32> to vector<16xf32>
        %swap3A_291 = vector.shape_cast %add3A_286 : vector<16xf32> to vector<1x16xf32>
        tpu.vector_store %arg11[%swap3A_287, %swap3A_288], %swap3A_291 {strides = array<i32>} : memref<80x128xf32, #tpu.memory_space<vmem>>, vector<1x16xf32>,
        %get3A_292 = arith.index_cast %scan3A_251 : i32 to index
        %get3A_293 = arith.constant 48 : index
        %get3A_294 = tpu.vector_load %arg11[%get3A_292, %get3A_293] {strides = array<i32>} : memref<80x128xf32, #tpu.memory_space<vmem>>, vector<1x16xf32>,
        %get3A_295 = vector.shape_cast %get3A_294 : vector<1x16xf32> to vector<16xf32>
        %get3A_296 = arith.index_cast %scan3A_251 : i32 to index
        %get3A_297 = arith.constant 48 : index
        %get3A_298 = tpu.vector_load %arg12[%get3A_296, %get3A_297] {strides = array<i32>} : memref<80x128xf32, #tpu.memory_space<vmem>>, vector<1x16xf32>,
        %get3A_299 = vector.shape_cast %get3A_298 : vector<1x16xf32> to vector<16xf32>
        %add3A_300 = arith.addf %get3A_295, %get3A_299 : vector<16xf32>
        %swap3A_301 = arith.index_cast %scan3A_251 : i32 to index
        %swap3A_302 = arith.constant 48 : index
        %swap3A_303 = tpu.vector_load %arg11[%swap3A_301, %swap3A_302] {strides = array<i32>} : memref<80x128xf32, #tpu.memory_space<vmem>>, vector<1x16xf32>,
        %swap3A_304 = vector.shape_cast %swap3A_303 : vector<1x16xf32> to vector<16xf32>
        %swap3A_305 = vector.shape_cast %add3A_300 : vector<16xf32> to vector<1x16xf32>
        tpu.vector_store %arg11[%swap3A_301, %swap3A_302], %swap3A_305 {strides = array<i32>} : memref<80x128xf32, #tpu.memory_space<vmem>>, vector<1x16xf32>,
        %get3A_306 = arith.index_cast %scan3A_251 : i32 to index
        %get3A_307 = arith.constant 64 : index
        %get3A_308 = tpu.vector_load %arg11[%get3A_306, %get3A_307] {strides = array<i32>} : memref<80x128xf32, #tpu.memory_space<vmem>>, vector<1x16xf32>,
        %get3A_309 = vector.shape_cast %get3A_308 : vector<1x16xf32> to vector<16xf32>
        %get3A_310 = arith.index_cast %scan3A_251 : i32 to index
        %get3A_311 = arith.constant 64 : index
        %get3A_312 = tpu.vector_load %arg12[%get3A_310, %get3A_311] {strides = array<i32>} : memref<80x128xf32, #tpu.memory_space<vmem>>, vector<1x16xf32>,
        %get3A_313 = vector.shape_cast %get3A_312 : vector<1x16xf32> to vector<16xf32>
        %add3A_314 = arith.addf %get3A_309, %get3A_313 : vector<16xf32>
        %swap3A_315 = arith.index_cast %scan3A_251 : i32 to index
        %swap3A_316 = arith.constant 64 : index
        %swap3A_317 = tpu.vector_load %arg11[%swap3A_315, %swap3A_316] {strides = array<i32>} : memref<80x128xf32, #tpu.memory_space<vmem>>, vector<1x16xf32>,
        %swap3A_318 = vector.shape_cast %swap3A_317 : vector<1x16xf32> to vector<16xf32>
        %swap3A_319 = vector.shape_cast %add3A_314 : vector<16xf32> to vector<1x16xf32>
        tpu.vector_store %arg11[%swap3A_315, %swap3A_316], %swap3A_319 {strides = array<i32>} : memref<80x128xf32, #tpu.memory_space<vmem>>, vector<1x16xf32>,
        %get3A_320 = arith.index_cast %scan3A_251 : i32 to index
        %get3A_321 = arith.constant 80 : index
        %get3A_322 = tpu.vector_load %arg11[%get3A_320, %get3A_321] {strides = array<i32>} : memref<80x128xf32, #tpu.memory_space<vmem>>, vector<1x16xf32>,
        %get3A_323 = vector.shape_cast %get3A_322 : vector<1x16xf32> to vector<16xf32>
        %get3A_324 = arith.index_cast %scan3A_251 : i32 to index
        %get3A_325 = arith.constant 80 : index
        %get3A_326 = tpu.vector_load %arg12[%get3A_324, %get3A_325] {strides = array<i32>} : memref<80x128xf32, #tpu.memory_space<vmem>>, vector<1x16xf32>,
        %get3A_327 = vector.shape_cast %get3A_326 : vector<1x16xf32> to vector<16xf32>
        %add3A_328 = arith.addf %get3A_323, %get3A_327 : vector<16xf32>
        %swap3A_329 = arith.index_cast %scan3A_251 : i32 to index
        %swap3A_330 = arith.constant 80 : index
        %swap3A_331 = tpu.vector_load %arg11[%swap3A_329, %swap3A_330] {strides = array<i32>} : memref<80x128xf32, #tpu.memory_space<vmem>>, vector<1x16xf32>,
        %swap3A_332 = vector.shape_cast %swap3A_331 : vector<1x16xf32> to vector<16xf32>
        %swap3A_333 = vector.shape_cast %add3A_328 : vector<16xf32> to vector<1x16xf32>
        tpu.vector_store %arg11[%swap3A_329, %swap3A_330], %swap3A_333 {strides = array<i32>} : memref<80x128xf32, #tpu.memory_space<vmem>>, vector<1x16xf32>,
        %get3A_334 = arith.index_cast %scan3A_251 : i32 to index
        %get3A_335 = arith.constant 96 : index
        %get3A_336 = tpu.vector_load %arg11[%get3A_334, %get3A_335] {strides = array<i32>} : memref<80x128xf32, #tpu.memory_space<vmem>>, vector<1x16xf32>,
        %get3A_337 = vector.shape_cast %get3A_336 : vector<1x16xf32> to vector<16xf32>
        %get3A_338 = arith.index_cast %scan3A_251 : i32 to index
        %get3A_339 = arith.constant 96 : index
        %get3A_340 = tpu.vector_load %arg12[%get3A_338, %get3A_339] {strides = array<i32>} : memref<80x128xf32, #tpu.memory_space<vmem>>, vector<1x16xf32>,
        %get3A_341 = vector.shape_cast %get3A_340 : vector<1x16xf32> to vector<16xf32>
        %add3A_342 = arith.addf %get3A_337, %get3A_341 : vector<16xf32>
        %swap3A_343 = arith.index_cast %scan3A_251 : i32 to index
        %swap3A_344 = arith.constant 96 : index
        %swap3A_345 = tpu.vector_load %arg11[%swap3A_343, %swap3A_344] {strides = array<i32>} : memref<80x128xf32, #tpu.memory_space<vmem>>, vector<1x16xf32>,
        %swap3A_346 = vector.shape_cast %swap3A_345 : vector<1x16xf32> to vector<16xf32>
        %swap3A_347 = vector.shape_cast %add3A_342 : vector<16xf32> to vector<1x16xf32>
        tpu.vector_store %arg11[%swap3A_343, %swap3A_344], %swap3A_347 {strides = array<i32>} : memref<80x128xf32, #tpu.memory_space<vmem>>, vector<1x16xf32>,
        %get3A_348 = arith.index_cast %scan3A_251 : i32 to index
        %get3A_349 = arith.constant 112 : index
        %get3A_350 = tpu.vector_load %arg11[%get3A_348, %get3A_349] {strides = array<i32>} : memref<80x128xf32, #tpu.memory_space<vmem>>, vector<1x16xf32>,
        %get3A_351 = vector.shape_cast %get3A_350 : vector<1x16xf32> to vector<16xf32>
        %get3A_352 = arith.index_cast %scan3A_251 : i32 to index
        %get3A_353 = arith.constant 112 : index
        %get3A_354 = tpu.vector_load %arg12[%get3A_352, %get3A_353] {strides = array<i32>} : memref<80x128xf32, #tpu.memory_space<vmem>>, vector<1x16xf32>,
        %get3A_355 = vector.shape_cast %get3A_354 : vector<1x16xf32> to vector<16xf32>
        %add3A_356 = arith.addf %get3A_351, %get3A_355 : vector<16xf32>
        %swap3A_357 = arith.index_cast %scan3A_251 : i32 to index
        %swap3A_358 = arith.constant 112 : index
        %swap3A_359 = tpu.vector_load %arg11[%swap3A_357, %swap3A_358] {strides = array<i32>} : memref<80x128xf32, #tpu.memory_space<vmem>>, vector<1x16xf32>,
        %swap3A_360 = vector.shape_cast %swap3A_359 : vector<1x16xf32> to vector<16xf32>
        %swap3A_361 = vector.shape_cast %add3A_356 : vector<16xf32> to vector<1x16xf32>
        tpu.vector_store %arg11[%swap3A_357, %swap3A_358], %swap3A_361 {strides = array<i32>} : memref<80x128xf32, #tpu.memory_space<vmem>>, vector<1x16xf32>,
      }
      %scan3A_160 = arith.constant 80 : i32
      %mul3A_161 = arith.constant 10000 : i32
      %mul3A_162 = arith.muli %add3A, %mul3A_161 : i32
      %mul3A_163 = arith.constant 80 : i32
      %mul3A_164 = arith.muli %add3A_142, %mul3A_163 : i32
      %add3A_165 = arith.addi %mul3A_162, %mul3A_164 : i32
      %multiple_of3A_166 = tpu.assume_multiple %add3A_165, 8 : i32
      %dma_start3A_167 = arith.constant 0 : i32
      %dma_start3A_168 = tpu.memref_slice %arg6[%multiple_of3A_166, %dma_start3A_167] : memref<320000x128xf32, #tpu.memory_space<hbm>> -> memref<80x128xf32, #tpu.memory_space<hbm>>
      %dma_start3A_169 = arith.constant 0 : i32
      %dma_start3A_170 = tpu.memref_slice %arg6[%multiple_of3A_166, %dma_start3A_169] : memref<320000x128xf32, #tpu.memory_space<hbm>> -> memref<80x128xf32, #tpu.memory_space<hbm>>
      tpu.enqueue_dma source(%arg11 : memref<80x128xf32, #tpu.memory_space<vmem>>) target(%dma_start3A_170 : memref<80x128xf32, #tpu.memory_space<hbm>>) target_semaphore(%arg26 : memref<!tpu.dma_semaphore, #tpu.memory_space<semaphore_mem>>)
      %mul3A_171 = arith.constant 4 : i32
      %mul3A_172 = arith.muli %mul3A_171, %scan3A_42 : i32
      %add3A_173 = arith.constant 2 : i32
      %add3A_174 = arith.addi %mul3A_172, %add3A_173 : i32
      %dma_wait3A_175 = arith.constant 0 : i32
      %dma_wait3A_176 = tpu.memref_slice %arg7[%add3A_78, %dma_wait3A_175] : memref<125x80xi32, #tpu.memory_space<vmem>> -> memref<1x80xi32, #tpu.memory_space<vmem>>
      %dma_wait3A_177 = tpu.memref_squeeze %dma_wait3A_176 : memref<1x80xi32, #tpu.memory_space<vmem>> -> memref<80xi32, #tpu.memory_space<vmem>>
      %dma_wait3A_178 = arith.constant 0 : i32
      %dma_wait3A_179 = arith.constant 0 : i32
      %dma_wait3A_180 = tpu.memref_slice %arg2[%dma_wait3A_178, %dma_wait3A_179] : memref<10000x128xf32, #tpu.memory_space<hbm>> -> memref<10000x128xf32, #tpu.memory_space<hbm>>
      tpu.wait_indirect_dma semaphore(%arg21 : memref<!tpu.dma_semaphore, #tpu.memory_space<semaphore_mem>>) src(%dma_wait3A_180 : memref<10000x128xf32, #tpu.memory_space<hbm>>) dst(%arg13 : memref<80x128xf32, #tpu.memory_space<vmem>>)
      %dma_wait3A_181 = arith.constant 0 : i32
      %dma_wait3A_182 = tpu.memref_slice %arg8[%add3A_78, %dma_wait3A_181] : memref<125x80xi32, #tpu.memory_space<vmem>> -> memref<1x80xi32, #tpu.memory_space<vmem>>
      %dma_wait3A_183 = tpu.memref_squeeze %dma_wait3A_182 : memref<1x80xi32, #tpu.memory_space<vmem>> -> memref<80xi32, #tpu.memory_space<vmem>>
      %dma_wait3A_184 = arith.constant 0 : i32
      %dma_wait3A_185 = arith.constant 0 : i32
      %dma_wait3A_186 = tpu.memref_slice %arg3[%dma_wait3A_184, %dma_wait3A_185] : memref<10000x128xf32, #tpu.memory_space<hbm>> -> memref<10000x128xf32, #tpu.memory_space<hbm>>
      tpu.wait_indirect_dma semaphore(%arg22 : memref<!tpu.dma_semaphore, #tpu.memory_space<semaphore_mem>>) src(%dma_wait3A_186 : memref<10000x128xf32, #tpu.memory_space<hbm>>) dst(%arg14 : memref<80x128xf32, #tpu.memory_space<vmem>>)
      %scan3A_187 = arith.constant 0 : i32
      %scan3A_188 = arith.constant 0 : i32
      %scan3A_189 = arith.constant 80 : i32
      %scan3A_190 = arith.addi %scan3A_188, %scan3A_189 : i32
      %scan3A_191 = arith.constant 1 : i32
      scf.for %scan3A_251 = %scan3A_188 to %scan3A_190 step %scan3A_191  : i32 {
        %get3A = arith.index_cast %scan3A_251 : i32 to index
        %get3A_252 = arith.constant 0 : index
        %get3A_253 = tpu.vector_load %arg13[%get3A, %get3A_252] {strides = array<i32>} : memref<80x128xf32, #tpu.memory_space<vmem>>, vector<1x16xf32>,
        %get3A_254 = vector.shape_cast %get3A_253 : vector<1x16xf32> to vector<16xf32>
        %get3A_255 = arith.index_cast %scan3A_251 : i32 to index
        %get3A_256 = arith.constant 0 : index
        %get3A_257 = tpu.vector_load %arg14[%get3A_255, %get3A_256] {strides = array<i32>} : memref<80x128xf32, #tpu.memory_space<vmem>>, vector<1x16xf32>,
        %get3A_258 = vector.shape_cast %get3A_257 : vector<1x16xf32> to vector<16xf32>
        %add3A_259 = arith.addf %get3A_254, %get3A_258 : vector<16xf32>
        %swap3A = arith.index_cast %scan3A_251 : i32 to index
        %swap3A_260 = arith.constant 0 : index
        %swap3A_261 = tpu.vector_load %arg13[%swap3A, %swap3A_260] {strides = array<i32>} : memref<80x128xf32, #tpu.memory_space<vmem>>, vector<1x16xf32>,
        %swap3A_262 = vector.shape_cast %swap3A_261 : vector<1x16xf32> to vector<16xf32>
        %swap3A_263 = vector.shape_cast %add3A_259 : vector<16xf32> to vector<1x16xf32>
        tpu.vector_store %arg13[%swap3A, %swap3A_260], %swap3A_263 {strides = array<i32>} : memref<80x128xf32, #tpu.memory_space<vmem>>, vector<1x16xf32>,
        %get3A_264 = arith.index_cast %scan3A_251 : i32 to index
        %get3A_265 = arith.constant 16 : index
        %get3A_266 = tpu.vector_load %arg13[%get3A_264, %get3A_265] {strides = array<i32>} : memref<80x128xf32, #tpu.memory_space<vmem>>, vector<1x16xf32>,
        %get3A_267 = vector.shape_cast %get3A_266 : vector<1x16xf32> to vector<16xf32>
        %get3A_268 = arith.index_cast %scan3A_251 : i32 to index
        %get3A_269 = arith.constant 16 : index
        %get3A_270 = tpu.vector_load %arg14[%get3A_268, %get3A_269] {strides = array<i32>} : memref<80x128xf32, #tpu.memory_space<vmem>>, vector<1x16xf32>,
        %get3A_271 = vector.shape_cast %get3A_270 : vector<1x16xf32> to vector<16xf32>
        %add3A_272 = arith.addf %get3A_267, %get3A_271 : vector<16xf32>
        %swap3A_273 = arith.index_cast %scan3A_251 : i32 to index
        %swap3A_274 = arith.constant 16 : index
        %swap3A_275 = tpu.vector_load %arg13[%swap3A_273, %swap3A_274] {strides = array<i32>} : memref<80x128xf32, #tpu.memory_space<vmem>>, vector<1x16xf32>,
        %swap3A_276 = vector.shape_cast %swap3A_275 : vector<1x16xf32> to vector<16xf32>
        %swap3A_277 = vector.shape_cast %add3A_272 : vector<16xf32> to vector<1x16xf32>
        tpu.vector_store %arg13[%swap3A_273, %swap3A_274], %swap3A_277 {strides = array<i32>} : memref<80x128xf32, #tpu.memory_space<vmem>>, vector<1x16xf32>,
        %get3A_278 = arith.index_cast %scan3A_251 : i32 to index
        %get3A_279 = arith.constant 32 : index
        %get3A_280 = tpu.vector_load %arg13[%get3A_278, %get3A_279] {strides = array<i32>} : memref<80x128xf32, #tpu.memory_space<vmem>>, vector<1x16xf32>,
        %get3A_281 = vector.shape_cast %get3A_280 : vector<1x16xf32> to vector<16xf32>
        %get3A_282 = arith.index_cast %scan3A_251 : i32 to index
        %get3A_283 = arith.constant 32 : index
        %get3A_284 = tpu.vector_load %arg14[%get3A_282, %get3A_283] {strides = array<i32>} : memref<80x128xf32, #tpu.memory_space<vmem>>, vector<1x16xf32>,
        %get3A_285 = vector.shape_cast %get3A_284 : vector<1x16xf32> to vector<16xf32>
        %add3A_286 = arith.addf %get3A_281, %get3A_285 : vector<16xf32>
        %swap3A_287 = arith.index_cast %scan3A_251 : i32 to index
        %swap3A_288 = arith.constant 32 : index
        %swap3A_289 = tpu.vector_load %arg13[%swap3A_287, %swap3A_288] {strides = array<i32>} : memref<80x128xf32, #tpu.memory_space<vmem>>, vector<1x16xf32>,
        %swap3A_290 = vector.shape_cast %swap3A_289 : vector<1x16xf32> to vector<16xf32>
        %swap3A_291 = vector.shape_cast %add3A_286 : vector<16xf32> to vector<1x16xf32>
        tpu.vector_store %arg13[%swap3A_287, %swap3A_288], %swap3A_291 {strides = array<i32>} : memref<80x128xf32, #tpu.memory_space<vmem>>, vector<1x16xf32>,
        %get3A_292 = arith.index_cast %scan3A_251 : i32 to index
        %get3A_293 = arith.constant 48 : index
        %get3A_294 = tpu.vector_load %arg13[%get3A_292, %get3A_293] {strides = array<i32>} : memref<80x128xf32, #tpu.memory_space<vmem>>, vector<1x16xf32>,
        %get3A_295 = vector.shape_cast %get3A_294 : vector<1x16xf32> to vector<16xf32>
        %get3A_296 = arith.index_cast %scan3A_251 : i32 to index
        %get3A_297 = arith.constant 48 : index
        %get3A_298 = tpu.vector_load %arg14[%get3A_296, %get3A_297] {strides = array<i32>} : memref<80x128xf32, #tpu.memory_space<vmem>>, vector<1x16xf32>,
        %get3A_299 = vector.shape_cast %get3A_298 : vector<1x16xf32> to vector<16xf32>
        %add3A_300 = arith.addf %get3A_295, %get3A_299 : vector<16xf32>
        %swap3A_301 = arith.index_cast %scan3A_251 : i32 to index
        %swap3A_302 = arith.constant 48 : index
        %swap3A_303 = tpu.vector_load %arg13[%swap3A_301, %swap3A_302] {strides = array<i32>} : memref<80x128xf32, #tpu.memory_space<vmem>>, vector<1x16xf32>,
        %swap3A_304 = vector.shape_cast %swap3A_303 : vector<1x16xf32> to vector<16xf32>
        %swap3A_305 = vector.shape_cast %add3A_300 : vector<16xf32> to vector<1x16xf32>
        tpu.vector_store %arg13[%swap3A_301, %swap3A_302], %swap3A_305 {strides = array<i32>} : memref<80x128xf32, #tpu.memory_space<vmem>>, vector<1x16xf32>,
        %get3A_306 = arith.index_cast %scan3A_251 : i32 to index
        %get3A_307 = arith.constant 64 : index
        %get3A_308 = tpu.vector_load %arg13[%get3A_306, %get3A_307] {strides = array<i32>} : memref<80x128xf32, #tpu.memory_space<vmem>>, vector<1x16xf32>,
        %get3A_309 = vector.shape_cast %get3A_308 : vector<1x16xf32> to vector<16xf32>
        %get3A_310 = arith.index_cast %scan3A_251 : i32 to index
        %get3A_311 = arith.constant 64 : index
        %get3A_312 = tpu.vector_load %arg14[%get3A_310, %get3A_311] {strides = array<i32>} : memref<80x128xf32, #tpu.memory_space<vmem>>, vector<1x16xf32>,
        %get3A_313 = vector.shape_cast %get3A_312 : vector<1x16xf32> to vector<16xf32>
        %add3A_314 = arith.addf %get3A_309, %get3A_313 : vector<16xf32>
        %swap3A_315 = arith.index_cast %scan3A_251 : i32 to index
        %swap3A_316 = arith.constant 64 : index
        %swap3A_317 = tpu.vector_load %arg13[%swap3A_315, %swap3A_316] {strides = array<i32>} : memref<80x128xf32, #tpu.memory_space<vmem>>, vector<1x16xf32>,
        %swap3A_318 = vector.shape_cast %swap3A_317 : vector<1x16xf32> to vector<16xf32>
        %swap3A_319 = vector.shape_cast %add3A_314 : vector<16xf32> to vector<1x16xf32>
        tpu.vector_store %arg13[%swap3A_315, %swap3A_316], %swap3A_319 {strides = array<i32>} : memref<80x128xf32, #tpu.memory_space<vmem>>, vector<1x16xf32>,
        %get3A_320 = arith.index_cast %scan3A_251 : i32 to index
        %get3A_321 = arith.constant 80 : index
        %get3A_322 = tpu.vector_load %arg13[%get3A_320, %get3A_321] {strides = array<i32>} : memref<80x128xf32, #tpu.memory_space<vmem>>, vector<1x16xf32>,
        %get3A_323 = vector.shape_cast %get3A_322 : vector<1x16xf32> to vector<16xf32>
        %get3A_324 = arith.index_cast %scan3A_251 : i32 to index
        %get3A_325 = arith.constant 80 : index
        %get3A_326 = tpu.vector_load %arg14[%get3A_324, %get3A_325] {strides = array<i32>} : memref<80x128xf32, #tpu.memory_space<vmem>>, vector<1x16xf32>,
        %get3A_327 = vector.shape_cast %get3A_326 : vector<1x16xf32> to vector<16xf32>
        %add3A_328 = arith.addf %get3A_323, %get3A_327 : vector<16xf32>
        %swap3A_329 = arith.index_cast %scan3A_251 : i32 to index
        %swap3A_330 = arith.constant 80 : index
        %swap3A_331 = tpu.vector_load %arg13[%swap3A_329, %swap3A_330] {strides = array<i32>} : memref<80x128xf32, #tpu.memory_space<vmem>>, vector<1x16xf32>,
        %swap3A_332 = vector.shape_cast %swap3A_331 : vector<1x16xf32> to vector<16xf32>
        %swap3A_333 = vector.shape_cast %add3A_328 : vector<16xf32> to vector<1x16xf32>
        tpu.vector_store %arg13[%swap3A_329, %swap3A_330], %swap3A_333 {strides = array<i32>} : memref<80x128xf32, #tpu.memory_space<vmem>>, vector<1x16xf32>,
        %get3A_334 = arith.index_cast %scan3A_251 : i32 to index
        %get3A_335 = arith.constant 96 : index
        %get3A_336 = tpu.vector_load %arg13[%get3A_334, %get3A_335] {strides = array<i32>} : memref<80x128xf32, #tpu.memory_space<vmem>>, vector<1x16xf32>,
        %get3A_337 = vector.shape_cast %get3A_336 : vector<1x16xf32> to vector<16xf32>
        %get3A_338 = arith.index_cast %scan3A_251 : i32 to index
        %get3A_339 = arith.constant 96 : index
        %get3A_340 = tpu.vector_load %arg14[%get3A_338, %get3A_339] {strides = array<i32>} : memref<80x128xf32, #tpu.memory_space<vmem>>, vector<1x16xf32>,
        %get3A_341 = vector.shape_cast %get3A_340 : vector<1x16xf32> to vector<16xf32>
        %add3A_342 = arith.addf %get3A_337, %get3A_341 : vector<16xf32>
        %swap3A_343 = arith.index_cast %scan3A_251 : i32 to index
        %swap3A_344 = arith.constant 96 : index
        %swap3A_345 = tpu.vector_load %arg13[%swap3A_343, %swap3A_344] {strides = array<i32>} : memref<80x128xf32, #tpu.memory_space<vmem>>, vector<1x16xf32>,
        %swap3A_346 = vector.shape_cast %swap3A_345 : vector<1x16xf32> to vector<16xf32>
        %swap3A_347 = vector.shape_cast %add3A_342 : vector<16xf32> to vector<1x16xf32>
        tpu.vector_store %arg13[%swap3A_343, %swap3A_344], %swap3A_347 {strides = array<i32>} : memref<80x128xf32, #tpu.memory_space<vmem>>, vector<1x16xf32>,
        %get3A_348 = arith.index_cast %scan3A_251 : i32 to index
        %get3A_349 = arith.constant 112 : index
        %get3A_350 = tpu.vector_load %arg13[%get3A_348, %get3A_349] {strides = array<i32>} : memref<80x128xf32, #tpu.memory_space<vmem>>, vector<1x16xf32>,
        %get3A_351 = vector.shape_cast %get3A_350 : vector<1x16xf32> to vector<16xf32>
        %get3A_352 = arith.index_cast %scan3A_251 : i32 to index
        %get3A_353 = arith.constant 112 : index
        %get3A_354 = tpu.vector_load %arg14[%get3A_352, %get3A_353] {strides = array<i32>} : memref<80x128xf32, #tpu.memory_space<vmem>>, vector<1x16xf32>,
        %get3A_355 = vector.shape_cast %get3A_354 : vector<1x16xf32> to vector<16xf32>
        %add3A_356 = arith.addf %get3A_351, %get3A_355 : vector<16xf32>
        %swap3A_357 = arith.index_cast %scan3A_251 : i32 to index
        %swap3A_358 = arith.constant 112 : index
        %swap3A_359 = tpu.vector_load %arg13[%swap3A_357, %swap3A_358] {strides = array<i32>} : memref<80x128xf32, #tpu.memory_space<vmem>>, vector<1x16xf32>,
        %swap3A_360 = vector.shape_cast %swap3A_359 : vector<1x16xf32> to vector<16xf32>
        %swap3A_361 = vector.shape_cast %add3A_356 : vector<16xf32> to vector<1x16xf32>
        tpu.vector_store %arg13[%swap3A_357, %swap3A_358], %swap3A_361 {strides = array<i32>} : memref<80x128xf32, #tpu.memory_space<vmem>>, vector<1x16xf32>,
      }
      %scan3A_192 = arith.constant 80 : i32
      %mul3A_193 = arith.constant 10000 : i32
      %mul3A_194 = arith.muli %add3A, %mul3A_193 : i32
      %mul3A_195 = arith.constant 80 : i32
      %mul3A_196 = arith.muli %add3A_174, %mul3A_195 : i32
      %add3A_197 = arith.addi %mul3A_194, %mul3A_196 : i32
      %multiple_of3A_198 = tpu.assume_multiple %add3A_197, 8 : i32
      %dma_start3A_199 = arith.constant 0 : i32
      %dma_start3A_200 = tpu.memref_slice %arg6[%multiple_of3A_198, %dma_start3A_199] : memref<320000x128xf32, #tpu.memory_space<hbm>> -> memref<80x128xf32, #tpu.memory_space<hbm>>
      %dma_start3A_201 = arith.constant 0 : i32
      %dma_start3A_202 = tpu.memref_slice %arg6[%multiple_of3A_198, %dma_start3A_201] : memref<320000x128xf32, #tpu.memory_space<hbm>> -> memref<80x128xf32, #tpu.memory_space<hbm>>
      tpu.enqueue_dma source(%arg13 : memref<80x128xf32, #tpu.memory_space<vmem>>) target(%dma_start3A_202 : memref<80x128xf32, #tpu.memory_space<hbm>>) target_semaphore(%arg27 : memref<!tpu.dma_semaphore, #tpu.memory_space<semaphore_mem>>)
      %mul3A_203 = arith.constant 4 : i32
      %mul3A_204 = arith.muli %mul3A_203, %scan3A_42 : i32
      %add3A_205 = arith.constant 3 : i32
      %add3A_206 = arith.addi %mul3A_204, %add3A_205 : i32
      %dma_wait3A_207 = arith.constant 0 : i32
      %dma_wait3A_208 = tpu.memref_slice %arg7[%add3A_94, %dma_wait3A_207] : memref<125x80xi32, #tpu.memory_space<vmem>> -> memref<1x80xi32, #tpu.memory_space<vmem>>
      %dma_wait3A_209 = tpu.memref_squeeze %dma_wait3A_208 : memref<1x80xi32, #tpu.memory_space<vmem>> -> memref<80xi32, #tpu.memory_space<vmem>>
      %dma_wait3A_210 = arith.constant 0 : i32
      %dma_wait3A_211 = arith.constant 0 : i32
      %dma_wait3A_212 = tpu.memref_slice %arg2[%dma_wait3A_210, %dma_wait3A_211] : memref<10000x128xf32, #tpu.memory_space<hbm>> -> memref<10000x128xf32, #tpu.memory_space<hbm>>
      tpu.wait_indirect_dma semaphore(%arg23 : memref<!tpu.dma_semaphore, #tpu.memory_space<semaphore_mem>>) src(%dma_wait3A_212 : memref<10000x128xf32, #tpu.memory_space<hbm>>) dst(%arg15 : memref<80x128xf32, #tpu.memory_space<vmem>>)
      %dma_wait3A_213 = arith.constant 0 : i32
      %dma_wait3A_214 = tpu.memref_slice %arg8[%add3A_94, %dma_wait3A_213] : memref<125x80xi32, #tpu.memory_space<vmem>> -> memref<1x80xi32, #tpu.memory_space<vmem>>
      %dma_wait3A_215 = tpu.memref_squeeze %dma_wait3A_214 : memref<1x80xi32, #tpu.memory_space<vmem>> -> memref<80xi32, #tpu.memory_space<vmem>>
      %dma_wait3A_216 = arith.constant 0 : i32
      %dma_wait3A_217 = arith.constant 0 : i32
      %dma_wait3A_218 = tpu.memref_slice %arg3[%dma_wait3A_216, %dma_wait3A_217] : memref<10000x128xf32, #tpu.memory_space<hbm>> -> memref<10000x128xf32, #tpu.memory_space<hbm>>
      tpu.wait_indirect_dma semaphore(%arg24 : memref<!tpu.dma_semaphore, #tpu.memory_space<semaphore_mem>>) src(%dma_wait3A_218 : memref<10000x128xf32, #tpu.memory_space<hbm>>) dst(%arg16 : memref<80x128xf32, #tpu.memory_space<vmem>>)
      %scan3A_219 = arith.constant 0 : i32
      %scan3A_220 = arith.constant 0 : i32
      %scan3A_221 = arith.constant 80 : i32
      %scan3A_222 = arith.addi %scan3A_220, %scan3A_221 : i32
      %scan3A_223 = arith.constant 1 : i32
      scf.for %scan3A_251 = %scan3A_220 to %scan3A_222 step %scan3A_223  : i32 {
        %get3A = arith.index_cast %scan3A_251 : i32 to index
        %get3A_252 = arith.constant 0 : index
        %get3A_253 = tpu.vector_load %arg15[%get3A, %get3A_252] {strides = array<i32>} : memref<80x128xf32, #tpu.memory_space<vmem>>, vector<1x16xf32>,
        %get3A_254 = vector.shape_cast %get3A_253 : vector<1x16xf32> to vector<16xf32>
        %get3A_255 = arith.index_cast %scan3A_251 : i32 to index
        %get3A_256 = arith.constant 0 : index
        %get3A_257 = tpu.vector_load %arg16[%get3A_255, %get3A_256] {strides = array<i32>} : memref<80x128xf32, #tpu.memory_space<vmem>>, vector<1x16xf32>,
        %get3A_258 = vector.shape_cast %get3A_257 : vector<1x16xf32> to vector<16xf32>
        %add3A_259 = arith.addf %get3A_254, %get3A_258 : vector<16xf32>
        %swap3A = arith.index_cast %scan3A_251 : i32 to index
        %swap3A_260 = arith.constant 0 : index
        %swap3A_261 = tpu.vector_load %arg15[%swap3A, %swap3A_260] {strides = array<i32>} : memref<80x128xf32, #tpu.memory_space<vmem>>, vector<1x16xf32>,
        %swap3A_262 = vector.shape_cast %swap3A_261 : vector<1x16xf32> to vector<16xf32>
        %swap3A_263 = vector.shape_cast %add3A_259 : vector<16xf32> to vector<1x16xf32>
        tpu.vector_store %arg15[%swap3A, %swap3A_260], %swap3A_263 {strides = array<i32>} : memref<80x128xf32, #tpu.memory_space<vmem>>, vector<1x16xf32>,
        %get3A_264 = arith.index_cast %scan3A_251 : i32 to index
        %get3A_265 = arith.constant 16 : index
        %get3A_266 = tpu.vector_load %arg15[%get3A_264, %get3A_265] {strides = array<i32>} : memref<80x128xf32, #tpu.memory_space<vmem>>, vector<1x16xf32>,
        %get3A_267 = vector.shape_cast %get3A_266 : vector<1x16xf32> to vector<16xf32>
        %get3A_268 = arith.index_cast %scan3A_251 : i32 to index
        %get3A_269 = arith.constant 16 : index
        %get3A_270 = tpu.vector_load %arg16[%get3A_268, %get3A_269] {strides = array<i32>} : memref<80x128xf32, #tpu.memory_space<vmem>>, vector<1x16xf32>,
        %get3A_271 = vector.shape_cast %get3A_270 : vector<1x16xf32> to vector<16xf32>
        %add3A_272 = arith.addf %get3A_267, %get3A_271 : vector<16xf32>
        %swap3A_273 = arith.index_cast %scan3A_251 : i32 to index
        %swap3A_274 = arith.constant 16 : index
        %swap3A_275 = tpu.vector_load %arg15[%swap3A_273, %swap3A_274] {strides = array<i32>} : memref<80x128xf32, #tpu.memory_space<vmem>>, vector<1x16xf32>,
        %swap3A_276 = vector.shape_cast %swap3A_275 : vector<1x16xf32> to vector<16xf32>
        %swap3A_277 = vector.shape_cast %add3A_272 : vector<16xf32> to vector<1x16xf32>
        tpu.vector_store %arg15[%swap3A_273, %swap3A_274], %swap3A_277 {strides = array<i32>} : memref<80x128xf32, #tpu.memory_space<vmem>>, vector<1x16xf32>,
        %get3A_278 = arith.index_cast %scan3A_251 : i32 to index
        %get3A_279 = arith.constant 32 : index
        %get3A_280 = tpu.vector_load %arg15[%get3A_278, %get3A_279] {strides = array<i32>} : memref<80x128xf32, #tpu.memory_space<vmem>>, vector<1x16xf32>,
        %get3A_281 = vector.shape_cast %get3A_280 : vector<1x16xf32> to vector<16xf32>
        %get3A_282 = arith.index_cast %scan3A_251 : i32 to index
        %get3A_283 = arith.constant 32 : index
        %get3A_284 = tpu.vector_load %arg16[%get3A_282, %get3A_283] {strides = array<i32>} : memref<80x128xf32, #tpu.memory_space<vmem>>, vector<1x16xf32>,
        %get3A_285 = vector.shape_cast %get3A_284 : vector<1x16xf32> to vector<16xf32>
        %add3A_286 = arith.addf %get3A_281, %get3A_285 : vector<16xf32>
        %swap3A_287 = arith.index_cast %scan3A_251 : i32 to index
        %swap3A_288 = arith.constant 32 : index
        %swap3A_289 = tpu.vector_load %arg15[%swap3A_287, %swap3A_288] {strides = array<i32>} : memref<80x128xf32, #tpu.memory_space<vmem>>, vector<1x16xf32>,
        %swap3A_290 = vector.shape_cast %swap3A_289 : vector<1x16xf32> to vector<16xf32>
        %swap3A_291 = vector.shape_cast %add3A_286 : vector<16xf32> to vector<1x16xf32>
        tpu.vector_store %arg15[%swap3A_287, %swap3A_288], %swap3A_291 {strides = array<i32>} : memref<80x128xf32, #tpu.memory_space<vmem>>, vector<1x16xf32>,
        %get3A_292 = arith.index_cast %scan3A_251 : i32 to index
        %get3A_293 = arith.constant 48 : index
        %get3A_294 = tpu.vector_load %arg15[%get3A_292, %get3A_293] {strides = array<i32>} : memref<80x128xf32, #tpu.memory_space<vmem>>, vector<1x16xf32>,
        %get3A_295 = vector.shape_cast %get3A_294 : vector<1x16xf32> to vector<16xf32>
        %get3A_296 = arith.index_cast %scan3A_251 : i32 to index
        %get3A_297 = arith.constant 48 : index
        %get3A_298 = tpu.vector_load %arg16[%get3A_296, %get3A_297] {strides = array<i32>} : memref<80x128xf32, #tpu.memory_space<vmem>>, vector<1x16xf32>,
        %get3A_299 = vector.shape_cast %get3A_298 : vector<1x16xf32> to vector<16xf32>
        %add3A_300 = arith.addf %get3A_295, %get3A_299 : vector<16xf32>
        %swap3A_301 = arith.index_cast %scan3A_251 : i32 to index
        %swap3A_302 = arith.constant 48 : index
        %swap3A_303 = tpu.vector_load %arg15[%swap3A_301, %swap3A_302] {strides = array<i32>} : memref<80x128xf32, #tpu.memory_space<vmem>>, vector<1x16xf32>,
        %swap3A_304 = vector.shape_cast %swap3A_303 : vector<1x16xf32> to vector<16xf32>
        %swap3A_305 = vector.shape_cast %add3A_300 : vector<16xf32> to vector<1x16xf32>
        tpu.vector_store %arg15[%swap3A_301, %swap3A_302], %swap3A_305 {strides = array<i32>} : memref<80x128xf32, #tpu.memory_space<vmem>>, vector<1x16xf32>,
        %get3A_306 = arith.index_cast %scan3A_251 : i32 to index
        %get3A_307 = arith.constant 64 : index
        %get3A_308 = tpu.vector_load %arg15[%get3A_306, %get3A_307] {strides = array<i32>} : memref<80x128xf32, #tpu.memory_space<vmem>>, vector<1x16xf32>,
        %get3A_309 = vector.shape_cast %get3A_308 : vector<1x16xf32> to vector<16xf32>
        %get3A_310 = arith.index_cast %scan3A_251 : i32 to index
        %get3A_311 = arith.constant 64 : index
        %get3A_312 = tpu.vector_load %arg16[%get3A_310, %get3A_311] {strides = array<i32>} : memref<80x128xf32, #tpu.memory_space<vmem>>, vector<1x16xf32>,
        %get3A_313 = vector.shape_cast %get3A_312 : vector<1x16xf32> to vector<16xf32>
        %add3A_314 = arith.addf %get3A_309, %get3A_313 : vector<16xf32>
        %swap3A_315 = arith.index_cast %scan3A_251 : i32 to index
        %swap3A_316 = arith.constant 64 : index
        %swap3A_317 = tpu.vector_load %arg15[%swap3A_315, %swap3A_316] {strides = array<i32>} : memref<80x128xf32, #tpu.memory_space<vmem>>, vector<1x16xf32>,
        %swap3A_318 = vector.shape_cast %swap3A_317 : vector<1x16xf32> to vector<16xf32>
        %swap3A_319 = vector.shape_cast %add3A_314 : vector<16xf32> to vector<1x16xf32>
        tpu.vector_store %arg15[%swap3A_315, %swap3A_316], %swap3A_319 {strides = array<i32>} : memref<80x128xf32, #tpu.memory_space<vmem>>, vector<1x16xf32>,
        %get3A_320 = arith.index_cast %scan3A_251 : i32 to index
        %get3A_321 = arith.constant 80 : index
        %get3A_322 = tpu.vector_load %arg15[%get3A_320, %get3A_321] {strides = array<i32>} : memref<80x128xf32, #tpu.memory_space<vmem>>, vector<1x16xf32>,
        %get3A_323 = vector.shape_cast %get3A_322 : vector<1x16xf32> to vector<16xf32>
        %get3A_324 = arith.index_cast %scan3A_251 : i32 to index
        %get3A_325 = arith.constant 80 : index
        %get3A_326 = tpu.vector_load %arg16[%get3A_324, %get3A_325] {strides = array<i32>} : memref<80x128xf32, #tpu.memory_space<vmem>>, vector<1x16xf32>,
        %get3A_327 = vector.shape_cast %get3A_326 : vector<1x16xf32> to vector<16xf32>
        %add3A_328 = arith.addf %get3A_323, %get3A_327 : vector<16xf32>
        %swap3A_329 = arith.index_cast %scan3A_251 : i32 to index
        %swap3A_330 = arith.constant 80 : index
        %swap3A_331 = tpu.vector_load %arg15[%swap3A_329, %swap3A_330] {strides = array<i32>} : memref<80x128xf32, #tpu.memory_space<vmem>>, vector<1x16xf32>,
        %swap3A_332 = vector.shape_cast %swap3A_331 : vector<1x16xf32> to vector<16xf32>
        %swap3A_333 = vector.shape_cast %add3A_328 : vector<16xf32> to vector<1x16xf32>
        tpu.vector_store %arg15[%swap3A_329, %swap3A_330], %swap3A_333 {strides = array<i32>} : memref<80x128xf32, #tpu.memory_space<vmem>>, vector<1x16xf32>,
        %get3A_334 = arith.index_cast %scan3A_251 : i32 to index
        %get3A_335 = arith.constant 96 : index
        %get3A_336 = tpu.vector_load %arg15[%get3A_334, %get3A_335] {strides = array<i32>} : memref<80x128xf32, #tpu.memory_space<vmem>>, vector<1x16xf32>,
        %get3A_337 = vector.shape_cast %get3A_336 : vector<1x16xf32> to vector<16xf32>
        %get3A_338 = arith.index_cast %scan3A_251 : i32 to index
        %get3A_339 = arith.constant 96 : index
        %get3A_340 = tpu.vector_load %arg16[%get3A_338, %get3A_339] {strides = array<i32>} : memref<80x128xf32, #tpu.memory_space<vmem>>, vector<1x16xf32>,
        %get3A_341 = vector.shape_cast %get3A_340 : vector<1x16xf32> to vector<16xf32>
        %add3A_342 = arith.addf %get3A_337, %get3A_341 : vector<16xf32>
        %swap3A_343 = arith.index_cast %scan3A_251 : i32 to index
        %swap3A_344 = arith.constant 96 : index
        %swap3A_345 = tpu.vector_load %arg15[%swap3A_343, %swap3A_344] {strides = array<i32>} : memref<80x128xf32, #tpu.memory_space<vmem>>, vector<1x16xf32>,
        %swap3A_346 = vector.shape_cast %swap3A_345 : vector<1x16xf32> to vector<16xf32>
        %swap3A_347 = vector.shape_cast %add3A_342 : vector<16xf32> to vector<1x16xf32>
        tpu.vector_store %arg15[%swap3A_343, %swap3A_344], %swap3A_347 {strides = array<i32>} : memref<80x128xf32, #tpu.memory_space<vmem>>, vector<1x16xf32>,
        %get3A_348 = arith.index_cast %scan3A_251 : i32 to index
        %get3A_349 = arith.constant 112 : index
        %get3A_350 = tpu.vector_load %arg15[%get3A_348, %get3A_349] {strides = array<i32>} : memref<80x128xf32, #tpu.memory_space<vmem>>, vector<1x16xf32>,
        %get3A_351 = vector.shape_cast %get3A_350 : vector<1x16xf32> to vector<16xf32>
        %get3A_352 = arith.index_cast %scan3A_251 : i32 to index
        %get3A_353 = arith.constant 112 : index
        %get3A_354 = tpu.vector_load %arg16[%get3A_352, %get3A_353] {strides = array<i32>} : memref<80x128xf32, #tpu.memory_space<vmem>>, vector<1x16xf32>,
        %get3A_355 = vector.shape_cast %get3A_354 : vector<1x16xf32> to vector<16xf32>
        %add3A_356 = arith.addf %get3A_351, %get3A_355 : vector<16xf32>
        %swap3A_357 = arith.index_cast %scan3A_251 : i32 to index
        %swap3A_358 = arith.constant 112 : index
        %swap3A_359 = tpu.vector_load %arg15[%swap3A_357, %swap3A_358] {strides = array<i32>} : memref<80x128xf32, #tpu.memory_space<vmem>>, vector<1x16xf32>,
        %swap3A_360 = vector.shape_cast %swap3A_359 : vector<1x16xf32> to vector<16xf32>
        %swap3A_361 = vector.shape_cast %add3A_356 : vector<16xf32> to vector<1x16xf32>
        tpu.vector_store %arg15[%swap3A_357, %swap3A_358], %swap3A_361 {strides = array<i32>} : memref<80x128xf32, #tpu.memory_space<vmem>>, vector<1x16xf32>,
      }
      %scan3A_224 = arith.constant 80 : i32
      %mul3A_225 = arith.constant 10000 : i32
      %mul3A_226 = arith.muli %add3A, %mul3A_225 : i32
      %mul3A_227 = arith.constant 80 : i32
      %mul3A_228 = arith.muli %add3A_206, %mul3A_227 : i32
      %add3A_229 = arith.addi %mul3A_226, %mul3A_228 : i32
      %multiple_of3A_230 = tpu.assume_multiple %add3A_229, 8 : i32
      %dma_start3A_231 = arith.constant 0 : i32
      %dma_start3A_232 = tpu.memref_slice %arg6[%multiple_of3A_230, %dma_start3A_231] : memref<320000x128xf32, #tpu.memory_space<hbm>> -> memref<80x128xf32, #tpu.memory_space<hbm>>
      %dma_start3A_233 = arith.constant 0 : i32
      %dma_start3A_234 = tpu.memref_slice %arg6[%multiple_of3A_230, %dma_start3A_233] : memref<320000x128xf32, #tpu.memory_space<hbm>> -> memref<80x128xf32, #tpu.memory_space<hbm>>
      tpu.enqueue_dma source(%arg15 : memref<80x128xf32, #tpu.memory_space<vmem>>) target(%dma_start3A_234 : memref<80x128xf32, #tpu.memory_space<hbm>>) target_semaphore(%arg28 : memref<!tpu.dma_semaphore, #tpu.memory_space<semaphore_mem>>)
      %dma_wait3A_235 = arith.constant 0 : i32
      %dma_wait3A_236 = tpu.memref_slice %arg6[%multiple_of3A_134, %dma_wait3A_235] : memref<320000x128xf32, #tpu.memory_space<hbm>> -> memref<80x128xf32, #tpu.memory_space<hbm>>
      %dma_wait3A_237 = arith.constant 0 : i32
      %dma_wait3A_238 = tpu.memref_slice %arg6[%multiple_of3A_134, %dma_wait3A_237] : memref<320000x128xf32, #tpu.memory_space<hbm>> -> memref<80x128xf32, #tpu.memory_space<hbm>>
      tpu.wait_dma2 semaphore(%arg25 : memref<!tpu.dma_semaphore, #tpu.memory_space<semaphore_mem>>) src(%arg9 : memref<80x128xf32, #tpu.memory_space<vmem>>) dst(%dma_wait3A_238 : memref<80x128xf32, #tpu.memory_space<hbm>>)
      %dma_wait3A_239 = arith.constant 0 : i32
      %dma_wait3A_240 = tpu.memref_slice %arg6[%multiple_of3A_166, %dma_wait3A_239] : memref<320000x128xf32, #tpu.memory_space<hbm>> -> memref<80x128xf32, #tpu.memory_space<hbm>>
      %dma_wait3A_241 = arith.constant 0 : i32
      %dma_wait3A_242 = tpu.memref_slice %arg6[%multiple_of3A_166, %dma_wait3A_241] : memref<320000x128xf32, #tpu.memory_space<hbm>> -> memref<80x128xf32, #tpu.memory_space<hbm>>
      tpu.wait_dma2 semaphore(%arg26 : memref<!tpu.dma_semaphore, #tpu.memory_space<semaphore_mem>>) src(%arg11 : memref<80x128xf32, #tpu.memory_space<vmem>>) dst(%dma_wait3A_242 : memref<80x128xf32, #tpu.memory_space<hbm>>)
      %dma_wait3A_243 = arith.constant 0 : i32
      %dma_wait3A_244 = tpu.memref_slice %arg6[%multiple_of3A_198, %dma_wait3A_243] : memref<320000x128xf32, #tpu.memory_space<hbm>> -> memref<80x128xf32, #tpu.memory_space<hbm>>
      %dma_wait3A_245 = arith.constant 0 : i32
      %dma_wait3A_246 = tpu.memref_slice %arg6[%multiple_of3A_198, %dma_wait3A_245] : memref<320000x128xf32, #tpu.memory_space<hbm>> -> memref<80x128xf32, #tpu.memory_space<hbm>>
      tpu.wait_dma2 semaphore(%arg27 : memref<!tpu.dma_semaphore, #tpu.memory_space<semaphore_mem>>) src(%arg13 : memref<80x128xf32, #tpu.memory_space<vmem>>) dst(%dma_wait3A_246 : memref<80x128xf32, #tpu.memory_space<hbm>>)
      %dma_wait3A_247 = arith.constant 0 : i32
      %dma_wait3A_248 = tpu.memref_slice %arg6[%multiple_of3A_230, %dma_wait3A_247] : memref<320000x128xf32, #tpu.memory_space<hbm>> -> memref<80x128xf32, #tpu.memory_space<hbm>>
      %dma_wait3A_249 = arith.constant 0 : i32
      %dma_wait3A_250 = tpu.memref_slice %arg6[%multiple_of3A_230, %dma_wait3A_249] : memref<320000x128xf32, #tpu.memory_space<hbm>> -> memref<80x128xf32, #tpu.memory_space<hbm>>
      tpu.wait_dma2 semaphore(%arg28 : memref<!tpu.dma_semaphore, #tpu.memory_space<semaphore_mem>>) src(%arg15 : memref<80x128xf32, #tpu.memory_space<vmem>>) dst(%dma_wait3A_250 : memref<80x128xf32, #tpu.memory_space<hbm>>)
    }
    %scan3A_5 = arith.constant 31 : i32
    %dma_start3A = arith.constant 124 : i32
    %dma_start3A_6 = arith.constant 0 : i32
    %dma_start3A_7 = tpu.memref_slice %arg7[%dma_start3A, %dma_start3A_6] : memref<125x80xi32, #tpu.memory_space<vmem>> -> memref<1x80xi32, #tpu.memory_space<vmem>>
    %dma_start3A_8 = tpu.memref_squeeze %dma_start3A_7 : memref<1x80xi32, #tpu.memory_space<vmem>> -> memref<80xi32, #tpu.memory_space<vmem>>
    %dma_start3A_9 = arith.constant 0 : i32
    %dma_start3A_10 = arith.constant 0 : i32
    %dma_start3A_11 = tpu.memref_slice %arg2[%dma_start3A_9, %dma_start3A_10] : memref<10000x128xf32, #tpu.memory_space<hbm>> -> memref<10000x128xf32, #tpu.memory_space<hbm>>
    tpu.enqueue_indirect_dma source(%dma_start3A_11 : memref<10000x128xf32, #tpu.memory_space<hbm>>) target(%arg9 : memref<80x128xf32, #tpu.memory_space<vmem>>) offsets(%dma_start3A_8 : memref<80xi32, #tpu.memory_space<vmem>>) semaphore(%arg17 : memref<!tpu.dma_semaphore, #tpu.memory_space<semaphore_mem>>)
    %dma_start3A_12 = arith.constant 124 : i32
    %dma_start3A_13 = arith.constant 0 : i32
    %dma_start3A_14 = tpu.memref_slice %arg8[%dma_start3A_12, %dma_start3A_13] : memref<125x80xi32, #tpu.memory_space<vmem>> -> memref<1x80xi32, #tpu.memory_space<vmem>>
    %dma_start3A_15 = tpu.memref_squeeze %dma_start3A_14 : memref<1x80xi32, #tpu.memory_space<vmem>> -> memref<80xi32, #tpu.memory_space<vmem>>
    %dma_start3A_16 = arith.constant 0 : i32
    %dma_start3A_17 = arith.constant 0 : i32
    %dma_start3A_18 = tpu.memref_slice %arg3[%dma_start3A_16, %dma_start3A_17] : memref<10000x128xf32, #tpu.memory_space<hbm>> -> memref<10000x128xf32, #tpu.memory_space<hbm>>
    tpu.enqueue_indirect_dma source(%dma_start3A_18 : memref<10000x128xf32, #tpu.memory_space<hbm>>) target(%arg10 : memref<80x128xf32, #tpu.memory_space<vmem>>) offsets(%dma_start3A_15 : memref<80xi32, #tpu.memory_space<vmem>>) semaphore(%arg18 : memref<!tpu.dma_semaphore, #tpu.memory_space<semaphore_mem>>)
    %dma_wait3A = arith.constant 124 : i32
    %dma_wait3A_19 = arith.constant 0 : i32
    %dma_wait3A_20 = tpu.memref_slice %arg7[%dma_wait3A, %dma_wait3A_19] : memref<125x80xi32, #tpu.memory_space<vmem>> -> memref<1x80xi32, #tpu.memory_space<vmem>>
    %dma_wait3A_21 = tpu.memref_squeeze %dma_wait3A_20 : memref<1x80xi32, #tpu.memory_space<vmem>> -> memref<80xi32, #tpu.memory_space<vmem>>
    %dma_wait3A_22 = arith.constant 0 : i32
    %dma_wait3A_23 = arith.constant 0 : i32
    %dma_wait3A_24 = tpu.memref_slice %arg2[%dma_wait3A_22, %dma_wait3A_23] : memref<10000x128xf32, #tpu.memory_space<hbm>> -> memref<10000x128xf32, #tpu.memory_space<hbm>>
    tpu.wait_indirect_dma semaphore(%arg17 : memref<!tpu.dma_semaphore, #tpu.memory_space<semaphore_mem>>) src(%dma_wait3A_24 : memref<10000x128xf32, #tpu.memory_space<hbm>>) dst(%arg9 : memref<80x128xf32, #tpu.memory_space<vmem>>)
    %dma_wait3A_25 = arith.constant 124 : i32
    %dma_wait3A_26 = arith.constant 0 : i32
    %dma_wait3A_27 = tpu.memref_slice %arg8[%dma_wait3A_25, %dma_wait3A_26] : memref<125x80xi32, #tpu.memory_space<vmem>> -> memref<1x80xi32, #tpu.memory_space<vmem>>
    %dma_wait3A_28 = tpu.memref_squeeze %dma_wait3A_27 : memref<1x80xi32, #tpu.memory_space<vmem>> -> memref<80xi32, #tpu.memory_space<vmem>>
    %dma_wait3A_29 = arith.constant 0 : i32
    %dma_wait3A_30 = arith.constant 0 : i32
    %dma_wait3A_31 = tpu.memref_slice %arg3[%dma_wait3A_29, %dma_wait3A_30] : memref<10000x128xf32, #tpu.memory_space<hbm>> -> memref<10000x128xf32, #tpu.memory_space<hbm>>
    tpu.wait_indirect_dma semaphore(%arg18 : memref<!tpu.dma_semaphore, #tpu.memory_space<semaphore_mem>>) src(%dma_wait3A_31 : memref<10000x128xf32, #tpu.memory_space<hbm>>) dst(%arg10 : memref<80x128xf32, #tpu.memory_space<vmem>>)
    %scan3A_32 = arith.constant 0 : i32
    %scan3A_33 = arith.constant 0 : i32
    %scan3A_34 = arith.constant 80 : i32
    %scan3A_35 = arith.addi %scan3A_33, %scan3A_34 : i32
    %scan3A_36 = arith.constant 1 : i32
    scf.for %scan3A_42 = %scan3A_33 to %scan3A_35 step %scan3A_36  : i32 {
      %get3A = arith.index_cast %scan3A_42 : i32 to index
      %get3A_43 = arith.constant 0 : index
      %get3A_44 = tpu.vector_load %arg9[%get3A, %get3A_43] {strides = array<i32>} : memref<80x128xf32, #tpu.memory_space<vmem>>, vector<1x16xf32>,
      %get3A_45 = vector.shape_cast %get3A_44 : vector<1x16xf32> to vector<16xf32>
      %get3A_46 = arith.index_cast %scan3A_42 : i32 to index
      %get3A_47 = arith.constant 0 : index
      %get3A_48 = tpu.vector_load %arg10[%get3A_46, %get3A_47] {strides = array<i32>} : memref<80x128xf32, #tpu.memory_space<vmem>>, vector<1x16xf32>,
      %get3A_49 = vector.shape_cast %get3A_48 : vector<1x16xf32> to vector<16xf32>
      %add3A_50 = arith.addf %get3A_45, %get3A_49 : vector<16xf32>
      %swap3A = arith.index_cast %scan3A_42 : i32 to index
      %swap3A_51 = arith.constant 0 : index
      %swap3A_52 = tpu.vector_load %arg9[%swap3A, %swap3A_51] {strides = array<i32>} : memref<80x128xf32, #tpu.memory_space<vmem>>, vector<1x16xf32>,
      %swap3A_53 = vector.shape_cast %swap3A_52 : vector<1x16xf32> to vector<16xf32>
      %swap3A_54 = vector.shape_cast %add3A_50 : vector<16xf32> to vector<1x16xf32>
      tpu.vector_store %arg9[%swap3A, %swap3A_51], %swap3A_54 {strides = array<i32>} : memref<80x128xf32, #tpu.memory_space<vmem>>, vector<1x16xf32>,
      %get3A_55 = arith.index_cast %scan3A_42 : i32 to index
      %get3A_56 = arith.constant 16 : index
      %get3A_57 = tpu.vector_load %arg9[%get3A_55, %get3A_56] {strides = array<i32>} : memref<80x128xf32, #tpu.memory_space<vmem>>, vector<1x16xf32>,
      %get3A_58 = vector.shape_cast %get3A_57 : vector<1x16xf32> to vector<16xf32>
      %get3A_59 = arith.index_cast %scan3A_42 : i32 to index
      %get3A_60 = arith.constant 16 : index
      %get3A_61 = tpu.vector_load %arg10[%get3A_59, %get3A_60] {strides = array<i32>} : memref<80x128xf32, #tpu.memory_space<vmem>>, vector<1x16xf32>,
      %get3A_62 = vector.shape_cast %get3A_61 : vector<1x16xf32> to vector<16xf32>
      %add3A_63 = arith.addf %get3A_58, %get3A_62 : vector<16xf32>
      %swap3A_64 = arith.index_cast %scan3A_42 : i32 to index
      %swap3A_65 = arith.constant 16 : index
      %swap3A_66 = tpu.vector_load %arg9[%swap3A_64, %swap3A_65] {strides = array<i32>} : memref<80x128xf32, #tpu.memory_space<vmem>>, vector<1x16xf32>,
      %swap3A_67 = vector.shape_cast %swap3A_66 : vector<1x16xf32> to vector<16xf32>
      %swap3A_68 = vector.shape_cast %add3A_63 : vector<16xf32> to vector<1x16xf32>
      tpu.vector_store %arg9[%swap3A_64, %swap3A_65], %swap3A_68 {strides = array<i32>} : memref<80x128xf32, #tpu.memory_space<vmem>>, vector<1x16xf32>,
      %get3A_69 = arith.index_cast %scan3A_42 : i32 to index
      %get3A_70 = arith.constant 32 : index
      %get3A_71 = tpu.vector_load %arg9[%get3A_69, %get3A_70] {strides = array<i32>} : memref<80x128xf32, #tpu.memory_space<vmem>>, vector<1x16xf32>,
      %get3A_72 = vector.shape_cast %get3A_71 : vector<1x16xf32> to vector<16xf32>
      %get3A_73 = arith.index_cast %scan3A_42 : i32 to index
      %get3A_74 = arith.constant 32 : index
      %get3A_75 = tpu.vector_load %arg10[%get3A_73, %get3A_74] {strides = array<i32>} : memref<80x128xf32, #tpu.memory_space<vmem>>, vector<1x16xf32>,
      %get3A_76 = vector.shape_cast %get3A_75 : vector<1x16xf32> to vector<16xf32>
      %add3A_77 = arith.addf %get3A_72, %get3A_76 : vector<16xf32>
      %swap3A_78 = arith.index_cast %scan3A_42 : i32 to index
      %swap3A_79 = arith.constant 32 : index
      %swap3A_80 = tpu.vector_load %arg9[%swap3A_78, %swap3A_79] {strides = array<i32>} : memref<80x128xf32, #tpu.memory_space<vmem>>, vector<1x16xf32>,
      %swap3A_81 = vector.shape_cast %swap3A_80 : vector<1x16xf32> to vector<16xf32>
      %swap3A_82 = vector.shape_cast %add3A_77 : vector<16xf32> to vector<1x16xf32>
      tpu.vector_store %arg9[%swap3A_78, %swap3A_79], %swap3A_82 {strides = array<i32>} : memref<80x128xf32, #tpu.memory_space<vmem>>, vector<1x16xf32>,
      %get3A_83 = arith.index_cast %scan3A_42 : i32 to index
      %get3A_84 = arith.constant 48 : index
      %get3A_85 = tpu.vector_load %arg9[%get3A_83, %get3A_84] {strides = array<i32>} : memref<80x128xf32, #tpu.memory_space<vmem>>, vector<1x16xf32>,
      %get3A_86 = vector.shape_cast %get3A_85 : vector<1x16xf32> to vector<16xf32>
      %get3A_87 = arith.index_cast %scan3A_42 : i32 to index
      %get3A_88 = arith.constant 48 : index
      %get3A_89 = tpu.vector_load %arg10[%get3A_87, %get3A_88] {strides = array<i32>} : memref<80x128xf32, #tpu.memory_space<vmem>>, vector<1x16xf32>,
      %get3A_90 = vector.shape_cast %get3A_89 : vector<1x16xf32> to vector<16xf32>
      %add3A_91 = arith.addf %get3A_86, %get3A_90 : vector<16xf32>
      %swap3A_92 = arith.index_cast %scan3A_42 : i32 to index
      %swap3A_93 = arith.constant 48 : index
      %swap3A_94 = tpu.vector_load %arg9[%swap3A_92, %swap3A_93] {strides = array<i32>} : memref<80x128xf32, #tpu.memory_space<vmem>>, vector<1x16xf32>,
      %swap3A_95 = vector.shape_cast %swap3A_94 : vector<1x16xf32> to vector<16xf32>
      %swap3A_96 = vector.shape_cast %add3A_91 : vector<16xf32> to vector<1x16xf32>
      tpu.vector_store %arg9[%swap3A_92, %swap3A_93], %swap3A_96 {strides = array<i32>} : memref<80x128xf32, #tpu.memory_space<vmem>>, vector<1x16xf32>,
      %get3A_97 = arith.index_cast %scan3A_42 : i32 to index
      %get3A_98 = arith.constant 64 : index
      %get3A_99 = tpu.vector_load %arg9[%get3A_97, %get3A_98] {strides = array<i32>} : memref<80x128xf32, #tpu.memory_space<vmem>>, vector<1x16xf32>,
      %get3A_100 = vector.shape_cast %get3A_99 : vector<1x16xf32> to vector<16xf32>
      %get3A_101 = arith.index_cast %scan3A_42 : i32 to index
      %get3A_102 = arith.constant 64 : index
      %get3A_103 = tpu.vector_load %arg10[%get3A_101, %get3A_102] {strides = array<i32>} : memref<80x128xf32, #tpu.memory_space<vmem>>, vector<1x16xf32>,
      %get3A_104 = vector.shape_cast %get3A_103 : vector<1x16xf32> to vector<16xf32>
      %add3A_105 = arith.addf %get3A_100, %get3A_104 : vector<16xf32>
      %swap3A_106 = arith.index_cast %scan3A_42 : i32 to index
      %swap3A_107 = arith.constant 64 : index
      %swap3A_108 = tpu.vector_load %arg9[%swap3A_106, %swap3A_107] {strides = array<i32>} : memref<80x128xf32, #tpu.memory_space<vmem>>, vector<1x16xf32>,
      %swap3A_109 = vector.shape_cast %swap3A_108 : vector<1x16xf32> to vector<16xf32>
      %swap3A_110 = vector.shape_cast %add3A_105 : vector<16xf32> to vector<1x16xf32>
      tpu.vector_store %arg9[%swap3A_106, %swap3A_107], %swap3A_110 {strides = array<i32>} : memref<80x128xf32, #tpu.memory_space<vmem>>, vector<1x16xf32>,
      %get3A_111 = arith.index_cast %scan3A_42 : i32 to index
      %get3A_112 = arith.constant 80 : index
      %get3A_113 = tpu.vector_load %arg9[%get3A_111, %get3A_112] {strides = array<i32>} : memref<80x128xf32, #tpu.memory_space<vmem>>, vector<1x16xf32>,
      %get3A_114 = vector.shape_cast %get3A_113 : vector<1x16xf32> to vector<16xf32>
      %get3A_115 = arith.index_cast %scan3A_42 : i32 to index
      %get3A_116 = arith.constant 80 : index
      %get3A_117 = tpu.vector_load %arg10[%get3A_115, %get3A_116] {strides = array<i32>} : memref<80x128xf32, #tpu.memory_space<vmem>>, vector<1x16xf32>,
      %get3A_118 = vector.shape_cast %get3A_117 : vector<1x16xf32> to vector<16xf32>
      %add3A_119 = arith.addf %get3A_114, %get3A_118 : vector<16xf32>
      %swap3A_120 = arith.index_cast %scan3A_42 : i32 to index
      %swap3A_121 = arith.constant 80 : index
      %swap3A_122 = tpu.vector_load %arg9[%swap3A_120, %swap3A_121] {strides = array<i32>} : memref<80x128xf32, #tpu.memory_space<vmem>>, vector<1x16xf32>,
      %swap3A_123 = vector.shape_cast %swap3A_122 : vector<1x16xf32> to vector<16xf32>
      %swap3A_124 = vector.shape_cast %add3A_119 : vector<16xf32> to vector<1x16xf32>
      tpu.vector_store %arg9[%swap3A_120, %swap3A_121], %swap3A_124 {strides = array<i32>} : memref<80x128xf32, #tpu.memory_space<vmem>>, vector<1x16xf32>,
      %get3A_125 = arith.index_cast %scan3A_42 : i32 to index
      %get3A_126 = arith.constant 96 : index
      %get3A_127 = tpu.vector_load %arg9[%get3A_125, %get3A_126] {strides = array<i32>} : memref<80x128xf32, #tpu.memory_space<vmem>>, vector<1x16xf32>,
      %get3A_128 = vector.shape_cast %get3A_127 : vector<1x16xf32> to vector<16xf32>
      %get3A_129 = arith.index_cast %scan3A_42 : i32 to index
      %get3A_130 = arith.constant 96 : index
      %get3A_131 = tpu.vector_load %arg10[%get3A_129, %get3A_130] {strides = array<i32>} : memref<80x128xf32, #tpu.memory_space<vmem>>, vector<1x16xf32>,
      %get3A_132 = vector.shape_cast %get3A_131 : vector<1x16xf32> to vector<16xf32>
      %add3A_133 = arith.addf %get3A_128, %get3A_132 : vector<16xf32>
      %swap3A_134 = arith.index_cast %scan3A_42 : i32 to index
      %swap3A_135 = arith.constant 96 : index
      %swap3A_136 = tpu.vector_load %arg9[%swap3A_134, %swap3A_135] {strides = array<i32>} : memref<80x128xf32, #tpu.memory_space<vmem>>, vector<1x16xf32>,
      %swap3A_137 = vector.shape_cast %swap3A_136 : vector<1x16xf32> to vector<16xf32>
      %swap3A_138 = vector.shape_cast %add3A_133 : vector<16xf32> to vector<1x16xf32>
      tpu.vector_store %arg9[%swap3A_134, %swap3A_135], %swap3A_138 {strides = array<i32>} : memref<80x128xf32, #tpu.memory_space<vmem>>, vector<1x16xf32>,
      %get3A_139 = arith.index_cast %scan3A_42 : i32 to index
      %get3A_140 = arith.constant 112 : index
      %get3A_141 = tpu.vector_load %arg9[%get3A_139, %get3A_140] {strides = array<i32>} : memref<80x128xf32, #tpu.memory_space<vmem>>, vector<1x16xf32>,
      %get3A_142 = vector.shape_cast %get3A_141 : vector<1x16xf32> to vector<16xf32>
      %get3A_143 = arith.index_cast %scan3A_42 : i32 to index
      %get3A_144 = arith.constant 112 : index
      %get3A_145 = tpu.vector_load %arg10[%get3A_143, %get3A_144] {strides = array<i32>} : memref<80x128xf32, #tpu.memory_space<vmem>>, vector<1x16xf32>,
      %get3A_146 = vector.shape_cast %get3A_145 : vector<1x16xf32> to vector<16xf32>
      %add3A_147 = arith.addf %get3A_142, %get3A_146 : vector<16xf32>
      %swap3A_148 = arith.index_cast %scan3A_42 : i32 to index
      %swap3A_149 = arith.constant 112 : index
      %swap3A_150 = tpu.vector_load %arg9[%swap3A_148, %swap3A_149] {strides = array<i32>} : memref<80x128xf32, #tpu.memory_space<vmem>>, vector<1x16xf32>,
      %swap3A_151 = vector.shape_cast %swap3A_150 : vector<1x16xf32> to vector<16xf32>
      %swap3A_152 = vector.shape_cast %add3A_147 : vector<16xf32> to vector<1x16xf32>
      tpu.vector_store %arg9[%swap3A_148, %swap3A_149], %swap3A_152 {strides = array<i32>} : memref<80x128xf32, #tpu.memory_space<vmem>>, vector<1x16xf32>,
    }
    %scan3A_37 = arith.constant 80 : i32
    %mul3A_38 = arith.constant 10000 : i32
    %mul3A_39 = arith.muli %add3A, %mul3A_38 : i32
    %add3A_40 = arith.constant 9920 : i32
    %add3A_41 = arith.addi %mul3A_39, %add3A_40 : i32
    %multiple_of3A = tpu.assume_multiple %add3A_41, 8 : i32
    "tpu.region"() ({
      %run_scoped3A = tpu.sem_alloc : memref<!tpu.dma_semaphore, #tpu.memory_space<semaphore_mem>>
      %dma_start3A_42 = arith.constant 0 : i32
      %dma_start3A_43 = tpu.memref_slice %arg6[%multiple_of3A, %dma_start3A_42] : memref<320000x128xf32, #tpu.memory_space<hbm>> -> memref<80x128xf32, #tpu.memory_space<hbm>>
      %dma_start3A_44 = arith.constant 0 : i32
      %dma_start3A_45 = tpu.memref_slice %arg6[%multiple_of3A, %dma_start3A_44] : memref<320000x128xf32, #tpu.memory_space<hbm>> -> memref<80x128xf32, #tpu.memory_space<hbm>>
      tpu.enqueue_dma source(%arg9 : memref<80x128xf32, #tpu.memory_space<vmem>>) target(%dma_start3A_45 : memref<80x128xf32, #tpu.memory_space<hbm>>) target_semaphore(%run_scoped3A : memref<!tpu.dma_semaphore, #tpu.memory_space<semaphore_mem>>)
      %dma_wait3A_46 = arith.constant 0 : i32
      %dma_wait3A_47 = tpu.memref_slice %arg6[%multiple_of3A, %dma_wait3A_46] : memref<320000x128xf32, #tpu.memory_space<hbm>> -> memref<80x128xf32, #tpu.memory_space<hbm>>
      %dma_wait3A_48 = arith.constant 0 : i32
      %dma_wait3A_49 = tpu.memref_slice %arg6[%multiple_of3A, %dma_wait3A_48] : memref<320000x128xf32, #tpu.memory_space<hbm>> -> memref<80x128xf32, #tpu.memory_space<hbm>>
      tpu.wait_dma2 semaphore(%run_scoped3A : memref<!tpu.dma_semaphore, #tpu.memory_space<semaphore_mem>>) src(%arg9 : memref<80x128xf32, #tpu.memory_space<vmem>>) dst(%dma_wait3A_49 : memref<80x128xf32, #tpu.memory_space<hbm>>)
      tpu.yield
    }) : () -> ()
    return
  }
}

#map = affine_map<(d0, d1) -> (0, 0, 0, 0)>
#map1 = affine_map<(d0, d1) -> (0, 0, 0)>
module attributes {stable_mosaic.version = 14 : i64} {
  func.func @_scatter_add_body(%arg0: i32, %arg1: i32, %arg2: memref<32x125x80x16xf32, #tpu.memory_space<hbm>>, %arg3: memref<32x125x80xi32, #tpu.memory_space<hbm>>, %arg4: memref<2x10240x128xf32, #tpu.memory_space<hbm>>, %arg5: memref<125x80xi32, #tpu.memory_space<vmem>>, %arg6: memref<80x16xf32, #tpu.memory_space<vmem>>, %arg7: memref<80x16xf32, #tpu.memory_space<vmem>>, %arg8: memref<80x128xf32, #tpu.memory_space<vmem>>, %arg9: memref<!tpu.dma_semaphore, #tpu.memory_space<semaphore_mem>>, %arg10: memref<!tpu.dma_semaphore, #tpu.memory_space<semaphore_mem>>, %arg11: memref<10240x128xf32, #tpu.memory_space<vmem_shared>>) attributes {dimension_semantics = [#tpu.dimension_semantics<core_parallel>, #tpu.dimension_semantics<subcore_parallel>], iteration_bounds = array<i64: 2, 16>, scalar_prefetch = 0 : i64, scratch_operands = 7 : i64, tpu.core_type = #tpu.core_type<sc_vector_subcore>, window_params = [{transform_indices = #map}, {transform_indices = #map1}, {transform_indices = #map1}]} {
    %mul3A = arith.constant 2 : i32
    %mul3A_0 = arith.muli %arg1, %mul3A : i32
    %add3A = arith.addi %mul3A_0, %arg0 : i32
    %mul3A_1 = arith.constant 640 : i32
    %mul3A_2 = arith.muli %arg1, %mul3A_1 : i32
    %multiple_of3A = tpu.assume_multiple %mul3A_2, 8 : i32
    %scan3A = arith.constant 0 : i32
    %scan3A_3 = arith.constant 0 : i32
    %scan3A_4 = arith.constant 80 : i32
    %scan3A_5 = arith.addi %scan3A_3, %scan3A_4 : i32
    %scan3A_6 = arith.constant 1 : i32
    scf.for %scan3A_53 = %scan3A_3 to %scan3A_5 step %scan3A_6  : i32 {
      %broadcast_in_dim3A = arith.constant 0.000000e+00 : f32
      %broadcast_in_dim3A_54 = vector.broadcast %broadcast_in_dim3A : f32 to vector<16xf32>
      %swap3A = arith.index_cast %scan3A_53 : i32 to index
      %swap3A_55 = arith.constant 0 : index
      %swap3A_56 = tpu.vector_load %arg8[%swap3A, %swap3A_55] {strides = array<i32>} : memref<80x128xf32, #tpu.memory_space<vmem>>, vector<1x16xf32>,
      %swap3A_57 = vector.shape_cast %swap3A_56 : vector<1x16xf32> to vector<16xf32>
      %swap3A_58 = vector.shape_cast %broadcast_in_dim3A_54 : vector<16xf32> to vector<1x16xf32>
      tpu.vector_store %arg8[%swap3A, %swap3A_55], %swap3A_58 {strides = array<i32>} : memref<80x128xf32, #tpu.memory_space<vmem>>, vector<1x16xf32>,
      %broadcast_in_dim3A_59 = arith.constant 0.000000e+00 : f32
      %broadcast_in_dim3A_60 = vector.broadcast %broadcast_in_dim3A_59 : f32 to vector<16xf32>
      %swap3A_61 = arith.index_cast %scan3A_53 : i32 to index
      %swap3A_62 = arith.constant 16 : index
      %swap3A_63 = tpu.vector_load %arg8[%swap3A_61, %swap3A_62] {strides = array<i32>} : memref<80x128xf32, #tpu.memory_space<vmem>>, vector<1x16xf32>,
      %swap3A_64 = vector.shape_cast %swap3A_63 : vector<1x16xf32> to vector<16xf32>
      %swap3A_65 = vector.shape_cast %broadcast_in_dim3A_60 : vector<16xf32> to vector<1x16xf32>
      tpu.vector_store %arg8[%swap3A_61, %swap3A_62], %swap3A_65 {strides = array<i32>} : memref<80x128xf32, #tpu.memory_space<vmem>>, vector<1x16xf32>,
      %broadcast_in_dim3A_66 = arith.constant 0.000000e+00 : f32
      %broadcast_in_dim3A_67 = vector.broadcast %broadcast_in_dim3A_66 : f32 to vector<16xf32>
      %swap3A_68 = arith.index_cast %scan3A_53 : i32 to index
      %swap3A_69 = arith.constant 32 : index
      %swap3A_70 = tpu.vector_load %arg8[%swap3A_68, %swap3A_69] {strides = array<i32>} : memref<80x128xf32, #tpu.memory_space<vmem>>, vector<1x16xf32>,
      %swap3A_71 = vector.shape_cast %swap3A_70 : vector<1x16xf32> to vector<16xf32>
      %swap3A_72 = vector.shape_cast %broadcast_in_dim3A_67 : vector<16xf32> to vector<1x16xf32>
      tpu.vector_store %arg8[%swap3A_68, %swap3A_69], %swap3A_72 {strides = array<i32>} : memref<80x128xf32, #tpu.memory_space<vmem>>, vector<1x16xf32>,
      %broadcast_in_dim3A_73 = arith.constant 0.000000e+00 : f32
      %broadcast_in_dim3A_74 = vector.broadcast %broadcast_in_dim3A_73 : f32 to vector<16xf32>
      %swap3A_75 = arith.index_cast %scan3A_53 : i32 to index
      %swap3A_76 = arith.constant 48 : index
      %swap3A_77 = tpu.vector_load %arg8[%swap3A_75, %swap3A_76] {strides = array<i32>} : memref<80x128xf32, #tpu.memory_space<vmem>>, vector<1x16xf32>,
      %swap3A_78 = vector.shape_cast %swap3A_77 : vector<1x16xf32> to vector<16xf32>
      %swap3A_79 = vector.shape_cast %broadcast_in_dim3A_74 : vector<16xf32> to vector<1x16xf32>
      tpu.vector_store %arg8[%swap3A_75, %swap3A_76], %swap3A_79 {strides = array<i32>} : memref<80x128xf32, #tpu.memory_space<vmem>>, vector<1x16xf32>,
      %broadcast_in_dim3A_80 = arith.constant 0.000000e+00 : f32
      %broadcast_in_dim3A_81 = vector.broadcast %broadcast_in_dim3A_80 : f32 to vector<16xf32>
      %swap3A_82 = arith.index_cast %scan3A_53 : i32 to index
      %swap3A_83 = arith.constant 64 : index
      %swap3A_84 = tpu.vector_load %arg8[%swap3A_82, %swap3A_83] {strides = array<i32>} : memref<80x128xf32, #tpu.memory_space<vmem>>, vector<1x16xf32>,
      %swap3A_85 = vector.shape_cast %swap3A_84 : vector<1x16xf32> to vector<16xf32>
      %swap3A_86 = vector.shape_cast %broadcast_in_dim3A_81 : vector<16xf32> to vector<1x16xf32>
      tpu.vector_store %arg8[%swap3A_82, %swap3A_83], %swap3A_86 {strides = array<i32>} : memref<80x128xf32, #tpu.memory_space<vmem>>, vector<1x16xf32>,
      %broadcast_in_dim3A_87 = arith.constant 0.000000e+00 : f32
      %broadcast_in_dim3A_88 = vector.broadcast %broadcast_in_dim3A_87 : f32 to vector<16xf32>
      %swap3A_89 = arith.index_cast %scan3A_53 : i32 to index
      %swap3A_90 = arith.constant 80 : index
      %swap3A_91 = tpu.vector_load %arg8[%swap3A_89, %swap3A_90] {strides = array<i32>} : memref<80x128xf32, #tpu.memory_space<vmem>>, vector<1x16xf32>,
      %swap3A_92 = vector.shape_cast %swap3A_91 : vector<1x16xf32> to vector<16xf32>
      %swap3A_93 = vector.shape_cast %broadcast_in_dim3A_88 : vector<16xf32> to vector<1x16xf32>
      tpu.vector_store %arg8[%swap3A_89, %swap3A_90], %swap3A_93 {strides = array<i32>} : memref<80x128xf32, #tpu.memory_space<vmem>>, vector<1x16xf32>,
      %broadcast_in_dim3A_94 = arith.constant 0.000000e+00 : f32
      %broadcast_in_dim3A_95 = vector.broadcast %broadcast_in_dim3A_94 : f32 to vector<16xf32>
      %swap3A_96 = arith.index_cast %scan3A_53 : i32 to index
      %swap3A_97 = arith.constant 96 : index
      %swap3A_98 = tpu.vector_load %arg8[%swap3A_96, %swap3A_97] {strides = array<i32>} : memref<80x128xf32, #tpu.memory_space<vmem>>, vector<1x16xf32>,
      %swap3A_99 = vector.shape_cast %swap3A_98 : vector<1x16xf32> to vector<16xf32>
      %swap3A_100 = vector.shape_cast %broadcast_in_dim3A_95 : vector<16xf32> to vector<1x16xf32>
      tpu.vector_store %arg8[%swap3A_96, %swap3A_97], %swap3A_100 {strides = array<i32>} : memref<80x128xf32, #tpu.memory_space<vmem>>, vector<1x16xf32>,
      %broadcast_in_dim3A_101 = arith.constant 0.000000e+00 : f32
      %broadcast_in_dim3A_102 = vector.broadcast %broadcast_in_dim3A_101 : f32 to vector<16xf32>
      %swap3A_103 = arith.index_cast %scan3A_53 : i32 to index
      %swap3A_104 = arith.constant 112 : index
      %swap3A_105 = tpu.vector_load %arg8[%swap3A_103, %swap3A_104] {strides = array<i32>} : memref<80x128xf32, #tpu.memory_space<vmem>>, vector<1x16xf32>,
      %swap3A_106 = vector.shape_cast %swap3A_105 : vector<1x16xf32> to vector<16xf32>
      %swap3A_107 = vector.shape_cast %broadcast_in_dim3A_102 : vector<16xf32> to vector<1x16xf32>
      tpu.vector_store %arg8[%swap3A_103, %swap3A_104], %swap3A_107 {strides = array<i32>} : memref<80x128xf32, #tpu.memory_space<vmem>>, vector<1x16xf32>,
    }
    %scan3A_7 = arith.constant 80 : i32
    %add3A_8 = arith.constant 0 : i32
    %add3A_9 = arith.addi %multiple_of3A, %add3A_8 : i32
    "tpu.region"() ({
      %run_scoped3A_53 = tpu.sem_alloc : memref<!tpu.dma_semaphore, #tpu.memory_space<semaphore_mem>>
      %dma_start3A_54 = arith.constant 0 : i32
      %dma_start3A_55 = tpu.memref_slice %arg11[%add3A_9, %dma_start3A_54] : memref<10240x128xf32, #tpu.memory_space<vmem_shared>> -> memref<80x128xf32, #tpu.memory_space<vmem_shared>>
      %dma_start3A_56 = arith.constant 0 : i32
      %dma_start3A_57 = tpu.memref_slice %arg11[%add3A_9, %dma_start3A_56] : memref<10240x128xf32, #tpu.memory_space<vmem_shared>> -> memref<80x128xf32, #tpu.memory_space<vmem_shared>>
      tpu.enqueue_dma source(%arg8 : memref<80x128xf32, #tpu.memory_space<vmem>>) target(%dma_start3A_57 : memref<80x128xf32, #tpu.memory_space<vmem_shared>>) target_semaphore(%run_scoped3A_53 : memref<!tpu.dma_semaphore, #tpu.memory_space<semaphore_mem>>)
      %dma_wait3A_58 = arith.constant 0 : i32
      %dma_wait3A_59 = tpu.memref_slice %arg11[%add3A_9, %dma_wait3A_58] : memref<10240x128xf32, #tpu.memory_space<vmem_shared>> -> memref<80x128xf32, #tpu.memory_space<vmem_shared>>
      %dma_wait3A_60 = arith.constant 0 : i32
      %dma_wait3A_61 = tpu.memref_slice %arg11[%add3A_9, %dma_wait3A_60] : memref<10240x128xf32, #tpu.memory_space<vmem_shared>> -> memref<80x128xf32, #tpu.memory_space<vmem_shared>>
      tpu.wait_dma2 semaphore(%run_scoped3A_53 : memref<!tpu.dma_semaphore, #tpu.memory_space<semaphore_mem>>) src(%arg8 : memref<80x128xf32, #tpu.memory_space<vmem>>) dst(%dma_wait3A_61 : memref<80x128xf32, #tpu.memory_space<vmem_shared>>)
      tpu.yield
    }) : () -> ()
    %add3A_10 = arith.constant 80 : i32
    %add3A_11 = arith.addi %multiple_of3A, %add3A_10 : i32
    "tpu.region"() ({
      %run_scoped3A_53 = tpu.sem_alloc : memref<!tpu.dma_semaphore, #tpu.memory_space<semaphore_mem>>
      %dma_start3A_54 = arith.constant 0 : i32
      %dma_start3A_55 = tpu.memref_slice %arg11[%add3A_11, %dma_start3A_54] : memref<10240x128xf32, #tpu.memory_space<vmem_shared>> -> memref<80x128xf32, #tpu.memory_space<vmem_shared>>
      %dma_start3A_56 = arith.constant 0 : i32
      %dma_start3A_57 = tpu.memref_slice %arg11[%add3A_11, %dma_start3A_56] : memref<10240x128xf32, #tpu.memory_space<vmem_shared>> -> memref<80x128xf32, #tpu.memory_space<vmem_shared>>
      tpu.enqueue_dma source(%arg8 : memref<80x128xf32, #tpu.memory_space<vmem>>) target(%dma_start3A_57 : memref<80x128xf32, #tpu.memory_space<vmem_shared>>) target_semaphore(%run_scoped3A_53 : memref<!tpu.dma_semaphore, #tpu.memory_space<semaphore_mem>>)
      %dma_wait3A_58 = arith.constant 0 : i32
      %dma_wait3A_59 = tpu.memref_slice %arg11[%add3A_11, %dma_wait3A_58] : memref<10240x128xf32, #tpu.memory_space<vmem_shared>> -> memref<80x128xf32, #tpu.memory_space<vmem_shared>>
      %dma_wait3A_60 = arith.constant 0 : i32
      %dma_wait3A_61 = tpu.memref_slice %arg11[%add3A_11, %dma_wait3A_60] : memref<10240x128xf32, #tpu.memory_space<vmem_shared>> -> memref<80x128xf32, #tpu.memory_space<vmem_shared>>
      tpu.wait_dma2 semaphore(%run_scoped3A_53 : memref<!tpu.dma_semaphore, #tpu.memory_space<semaphore_mem>>) src(%arg8 : memref<80x128xf32, #tpu.memory_space<vmem>>) dst(%dma_wait3A_61 : memref<80x128xf32, #tpu.memory_space<vmem_shared>>)
      tpu.yield
    }) : () -> ()
    %add3A_12 = arith.constant 160 : i32
    %add3A_13 = arith.addi %multiple_of3A, %add3A_12 : i32
    "tpu.region"() ({
      %run_scoped3A_53 = tpu.sem_alloc : memref<!tpu.dma_semaphore, #tpu.memory_space<semaphore_mem>>
      %dma_start3A_54 = arith.constant 0 : i32
      %dma_start3A_55 = tpu.memref_slice %arg11[%add3A_13, %dma_start3A_54] : memref<10240x128xf32, #tpu.memory_space<vmem_shared>> -> memref<80x128xf32, #tpu.memory_space<vmem_shared>>
      %dma_start3A_56 = arith.constant 0 : i32
      %dma_start3A_57 = tpu.memref_slice %arg11[%add3A_13, %dma_start3A_56] : memref<10240x128xf32, #tpu.memory_space<vmem_shared>> -> memref<80x128xf32, #tpu.memory_space<vmem_shared>>
      tpu.enqueue_dma source(%arg8 : memref<80x128xf32, #tpu.memory_space<vmem>>) target(%dma_start3A_57 : memref<80x128xf32, #tpu.memory_space<vmem_shared>>) target_semaphore(%run_scoped3A_53 : memref<!tpu.dma_semaphore, #tpu.memory_space<semaphore_mem>>)
      %dma_wait3A_58 = arith.constant 0 : i32
      %dma_wait3A_59 = tpu.memref_slice %arg11[%add3A_13, %dma_wait3A_58] : memref<10240x128xf32, #tpu.memory_space<vmem_shared>> -> memref<80x128xf32, #tpu.memory_space<vmem_shared>>
      %dma_wait3A_60 = arith.constant 0 : i32
      %dma_wait3A_61 = tpu.memref_slice %arg11[%add3A_13, %dma_wait3A_60] : memref<10240x128xf32, #tpu.memory_space<vmem_shared>> -> memref<80x128xf32, #tpu.memory_space<vmem_shared>>
      tpu.wait_dma2 semaphore(%run_scoped3A_53 : memref<!tpu.dma_semaphore, #tpu.memory_space<semaphore_mem>>) src(%arg8 : memref<80x128xf32, #tpu.memory_space<vmem>>) dst(%dma_wait3A_61 : memref<80x128xf32, #tpu.memory_space<vmem_shared>>)
      tpu.yield
    }) : () -> ()
    %add3A_14 = arith.constant 240 : i32
    %add3A_15 = arith.addi %multiple_of3A, %add3A_14 : i32
    "tpu.region"() ({
      %run_scoped3A_53 = tpu.sem_alloc : memref<!tpu.dma_semaphore, #tpu.memory_space<semaphore_mem>>
      %dma_start3A_54 = arith.constant 0 : i32
      %dma_start3A_55 = tpu.memref_slice %arg11[%add3A_15, %dma_start3A_54] : memref<10240x128xf32, #tpu.memory_space<vmem_shared>> -> memref<80x128xf32, #tpu.memory_space<vmem_shared>>
      %dma_start3A_56 = arith.constant 0 : i32
      %dma_start3A_57 = tpu.memref_slice %arg11[%add3A_15, %dma_start3A_56] : memref<10240x128xf32, #tpu.memory_space<vmem_shared>> -> memref<80x128xf32, #tpu.memory_space<vmem_shared>>
      tpu.enqueue_dma source(%arg8 : memref<80x128xf32, #tpu.memory_space<vmem>>) target(%dma_start3A_57 : memref<80x128xf32, #tpu.memory_space<vmem_shared>>) target_semaphore(%run_scoped3A_53 : memref<!tpu.dma_semaphore, #tpu.memory_space<semaphore_mem>>)
      %dma_wait3A_58 = arith.constant 0 : i32
      %dma_wait3A_59 = tpu.memref_slice %arg11[%add3A_15, %dma_wait3A_58] : memref<10240x128xf32, #tpu.memory_space<vmem_shared>> -> memref<80x128xf32, #tpu.memory_space<vmem_shared>>
      %dma_wait3A_60 = arith.constant 0 : i32
      %dma_wait3A_61 = tpu.memref_slice %arg11[%add3A_15, %dma_wait3A_60] : memref<10240x128xf32, #tpu.memory_space<vmem_shared>> -> memref<80x128xf32, #tpu.memory_space<vmem_shared>>
      tpu.wait_dma2 semaphore(%run_scoped3A_53 : memref<!tpu.dma_semaphore, #tpu.memory_space<semaphore_mem>>) src(%arg8 : memref<80x128xf32, #tpu.memory_space<vmem>>) dst(%dma_wait3A_61 : memref<80x128xf32, #tpu.memory_space<vmem_shared>>)
      tpu.yield
    }) : () -> ()
    %add3A_16 = arith.constant 320 : i32
    %add3A_17 = arith.addi %multiple_of3A, %add3A_16 : i32
    "tpu.region"() ({
      %run_scoped3A_53 = tpu.sem_alloc : memref<!tpu.dma_semaphore, #tpu.memory_space<semaphore_mem>>
      %dma_start3A_54 = arith.constant 0 : i32
      %dma_start3A_55 = tpu.memref_slice %arg11[%add3A_17, %dma_start3A_54] : memref<10240x128xf32, #tpu.memory_space<vmem_shared>> -> memref<80x128xf32, #tpu.memory_space<vmem_shared>>
      %dma_start3A_56 = arith.constant 0 : i32
      %dma_start3A_57 = tpu.memref_slice %arg11[%add3A_17, %dma_start3A_56] : memref<10240x128xf32, #tpu.memory_space<vmem_shared>> -> memref<80x128xf32, #tpu.memory_space<vmem_shared>>
      tpu.enqueue_dma source(%arg8 : memref<80x128xf32, #tpu.memory_space<vmem>>) target(%dma_start3A_57 : memref<80x128xf32, #tpu.memory_space<vmem_shared>>) target_semaphore(%run_scoped3A_53 : memref<!tpu.dma_semaphore, #tpu.memory_space<semaphore_mem>>)
      %dma_wait3A_58 = arith.constant 0 : i32
      %dma_wait3A_59 = tpu.memref_slice %arg11[%add3A_17, %dma_wait3A_58] : memref<10240x128xf32, #tpu.memory_space<vmem_shared>> -> memref<80x128xf32, #tpu.memory_space<vmem_shared>>
      %dma_wait3A_60 = arith.constant 0 : i32
      %dma_wait3A_61 = tpu.memref_slice %arg11[%add3A_17, %dma_wait3A_60] : memref<10240x128xf32, #tpu.memory_space<vmem_shared>> -> memref<80x128xf32, #tpu.memory_space<vmem_shared>>
      tpu.wait_dma2 semaphore(%run_scoped3A_53 : memref<!tpu.dma_semaphore, #tpu.memory_space<semaphore_mem>>) src(%arg8 : memref<80x128xf32, #tpu.memory_space<vmem>>) dst(%dma_wait3A_61 : memref<80x128xf32, #tpu.memory_space<vmem_shared>>)
      tpu.yield
    }) : () -> ()
    %add3A_18 = arith.constant 400 : i32
    %add3A_19 = arith.addi %multiple_of3A, %add3A_18 : i32
    "tpu.region"() ({
      %run_scoped3A_53 = tpu.sem_alloc : memref<!tpu.dma_semaphore, #tpu.memory_space<semaphore_mem>>
      %dma_start3A_54 = arith.constant 0 : i32
      %dma_start3A_55 = tpu.memref_slice %arg11[%add3A_19, %dma_start3A_54] : memref<10240x128xf32, #tpu.memory_space<vmem_shared>> -> memref<80x128xf32, #tpu.memory_space<vmem_shared>>
      %dma_start3A_56 = arith.constant 0 : i32
      %dma_start3A_57 = tpu.memref_slice %arg11[%add3A_19, %dma_start3A_56] : memref<10240x128xf32, #tpu.memory_space<vmem_shared>> -> memref<80x128xf32, #tpu.memory_space<vmem_shared>>
      tpu.enqueue_dma source(%arg8 : memref<80x128xf32, #tpu.memory_space<vmem>>) target(%dma_start3A_57 : memref<80x128xf32, #tpu.memory_space<vmem_shared>>) target_semaphore(%run_scoped3A_53 : memref<!tpu.dma_semaphore, #tpu.memory_space<semaphore_mem>>)
      %dma_wait3A_58 = arith.constant 0 : i32
      %dma_wait3A_59 = tpu.memref_slice %arg11[%add3A_19, %dma_wait3A_58] : memref<10240x128xf32, #tpu.memory_space<vmem_shared>> -> memref<80x128xf32, #tpu.memory_space<vmem_shared>>
      %dma_wait3A_60 = arith.constant 0 : i32
      %dma_wait3A_61 = tpu.memref_slice %arg11[%add3A_19, %dma_wait3A_60] : memref<10240x128xf32, #tpu.memory_space<vmem_shared>> -> memref<80x128xf32, #tpu.memory_space<vmem_shared>>
      tpu.wait_dma2 semaphore(%run_scoped3A_53 : memref<!tpu.dma_semaphore, #tpu.memory_space<semaphore_mem>>) src(%arg8 : memref<80x128xf32, #tpu.memory_space<vmem>>) dst(%dma_wait3A_61 : memref<80x128xf32, #tpu.memory_space<vmem_shared>>)
      tpu.yield
    }) : () -> ()
    %add3A_20 = arith.constant 480 : i32
    %add3A_21 = arith.addi %multiple_of3A, %add3A_20 : i32
    "tpu.region"() ({
      %run_scoped3A_53 = tpu.sem_alloc : memref<!tpu.dma_semaphore, #tpu.memory_space<semaphore_mem>>
      %dma_start3A_54 = arith.constant 0 : i32
      %dma_start3A_55 = tpu.memref_slice %arg11[%add3A_21, %dma_start3A_54] : memref<10240x128xf32, #tpu.memory_space<vmem_shared>> -> memref<80x128xf32, #tpu.memory_space<vmem_shared>>
      %dma_start3A_56 = arith.constant 0 : i32
      %dma_start3A_57 = tpu.memref_slice %arg11[%add3A_21, %dma_start3A_56] : memref<10240x128xf32, #tpu.memory_space<vmem_shared>> -> memref<80x128xf32, #tpu.memory_space<vmem_shared>>
      tpu.enqueue_dma source(%arg8 : memref<80x128xf32, #tpu.memory_space<vmem>>) target(%dma_start3A_57 : memref<80x128xf32, #tpu.memory_space<vmem_shared>>) target_semaphore(%run_scoped3A_53 : memref<!tpu.dma_semaphore, #tpu.memory_space<semaphore_mem>>)
      %dma_wait3A_58 = arith.constant 0 : i32
      %dma_wait3A_59 = tpu.memref_slice %arg11[%add3A_21, %dma_wait3A_58] : memref<10240x128xf32, #tpu.memory_space<vmem_shared>> -> memref<80x128xf32, #tpu.memory_space<vmem_shared>>
      %dma_wait3A_60 = arith.constant 0 : i32
      %dma_wait3A_61 = tpu.memref_slice %arg11[%add3A_21, %dma_wait3A_60] : memref<10240x128xf32, #tpu.memory_space<vmem_shared>> -> memref<80x128xf32, #tpu.memory_space<vmem_shared>>
      tpu.wait_dma2 semaphore(%run_scoped3A_53 : memref<!tpu.dma_semaphore, #tpu.memory_space<semaphore_mem>>) src(%arg8 : memref<80x128xf32, #tpu.memory_space<vmem>>) dst(%dma_wait3A_61 : memref<80x128xf32, #tpu.memory_space<vmem_shared>>)
      tpu.yield
    }) : () -> ()
    %add3A_22 = arith.constant 560 : i32
    %add3A_23 = arith.addi %multiple_of3A, %add3A_22 : i32
    "tpu.region"() ({
      %run_scoped3A_53 = tpu.sem_alloc : memref<!tpu.dma_semaphore, #tpu.memory_space<semaphore_mem>>
      %dma_start3A_54 = arith.constant 0 : i32
      %dma_start3A_55 = tpu.memref_slice %arg11[%add3A_23, %dma_start3A_54] : memref<10240x128xf32, #tpu.memory_space<vmem_shared>> -> memref<80x128xf32, #tpu.memory_space<vmem_shared>>
      %dma_start3A_56 = arith.constant 0 : i32
      %dma_start3A_57 = tpu.memref_slice %arg11[%add3A_23, %dma_start3A_56] : memref<10240x128xf32, #tpu.memory_space<vmem_shared>> -> memref<80x128xf32, #tpu.memory_space<vmem_shared>>
      tpu.enqueue_dma source(%arg8 : memref<80x128xf32, #tpu.memory_space<vmem>>) target(%dma_start3A_57 : memref<80x128xf32, #tpu.memory_space<vmem_shared>>) target_semaphore(%run_scoped3A_53 : memref<!tpu.dma_semaphore, #tpu.memory_space<semaphore_mem>>)
      %dma_wait3A_58 = arith.constant 0 : i32
      %dma_wait3A_59 = tpu.memref_slice %arg11[%add3A_23, %dma_wait3A_58] : memref<10240x128xf32, #tpu.memory_space<vmem_shared>> -> memref<80x128xf32, #tpu.memory_space<vmem_shared>>
      %dma_wait3A_60 = arith.constant 0 : i32
      %dma_wait3A_61 = tpu.memref_slice %arg11[%add3A_23, %dma_wait3A_60] : memref<10240x128xf32, #tpu.memory_space<vmem_shared>> -> memref<80x128xf32, #tpu.memory_space<vmem_shared>>
      tpu.wait_dma2 semaphore(%run_scoped3A_53 : memref<!tpu.dma_semaphore, #tpu.memory_space<semaphore_mem>>) src(%arg8 : memref<80x128xf32, #tpu.memory_space<vmem>>) dst(%dma_wait3A_61 : memref<80x128xf32, #tpu.memory_space<vmem_shared>>)
      tpu.yield
    }) : () -> ()
    "tpu.region"() ({
      %run_scoped3A_53 = tpu.sem_alloc : memref<!tpu.dma_semaphore, #tpu.memory_space<semaphore_mem>>
      %dma_start3A_54 = arith.constant 0 : i32
      %dma_start3A_55 = arith.constant 0 : i32
      %dma_start3A_56 = tpu.memref_slice %arg3[%add3A, %dma_start3A_54, %dma_start3A_55] : memref<32x125x80xi32, #tpu.memory_space<hbm>> -> memref<1x125x80xi32, #tpu.memory_space<hbm>>
      %dma_start3A_57 = tpu.memref_squeeze %dma_start3A_56 : memref<1x125x80xi32, #tpu.memory_space<hbm>> -> memref<125x80xi32, #tpu.memory_space<hbm>>
      %dma_start3A_58 = arith.constant 0 : i32
      %dma_start3A_59 = arith.constant 0 : i32
      %dma_start3A_60 = tpu.memref_slice %arg3[%add3A, %dma_start3A_58, %dma_start3A_59] : memref<32x125x80xi32, #tpu.memory_space<hbm>> -> memref<1x125x80xi32, #tpu.memory_space<hbm>>
      %dma_start3A_61 = tpu.memref_squeeze %dma_start3A_60 : memref<1x125x80xi32, #tpu.memory_space<hbm>> -> memref<125x80xi32, #tpu.memory_space<hbm>>
      tpu.enqueue_dma source(%dma_start3A_61 : memref<125x80xi32, #tpu.memory_space<hbm>>) target(%arg5 : memref<125x80xi32, #tpu.memory_space<vmem>>) target_semaphore(%run_scoped3A_53 : memref<!tpu.dma_semaphore, #tpu.memory_space<semaphore_mem>>)
      %dma_wait3A_62 = arith.constant 0 : i32
      %dma_wait3A_63 = arith.constant 0 : i32
      %dma_wait3A_64 = tpu.memref_slice %arg3[%add3A, %dma_wait3A_62, %dma_wait3A_63] : memref<32x125x80xi32, #tpu.memory_space<hbm>> -> memref<1x125x80xi32, #tpu.memory_space<hbm>>
      %dma_wait3A_65 = tpu.memref_squeeze %dma_wait3A_64 : memref<1x125x80xi32, #tpu.memory_space<hbm>> -> memref<125x80xi32, #tpu.memory_space<hbm>>
      %dma_wait3A_66 = arith.constant 0 : i32
      %dma_wait3A_67 = arith.constant 0 : i32
      %dma_wait3A_68 = tpu.memref_slice %arg3[%add3A, %dma_wait3A_66, %dma_wait3A_67] : memref<32x125x80xi32, #tpu.memory_space<hbm>> -> memref<1x125x80xi32, #tpu.memory_space<hbm>>
      %dma_wait3A_69 = tpu.memref_squeeze %dma_wait3A_68 : memref<1x125x80xi32, #tpu.memory_space<hbm>> -> memref<125x80xi32, #tpu.memory_space<hbm>>
      tpu.wait_dma2 semaphore(%run_scoped3A_53 : memref<!tpu.dma_semaphore, #tpu.memory_space<semaphore_mem>>) src(%dma_wait3A_69 : memref<125x80xi32, #tpu.memory_space<hbm>>) dst(%arg5 : memref<125x80xi32, #tpu.memory_space<vmem>>)
      tpu.yield
    }) : () -> ()
    %barrier3A = arith.constant 0 : index
    tpu.barrier barrier_id(%barrier3A)
    %scan3A_24 = arith.constant 0 : i32
    %scan3A_25 = arith.constant 0 : i32
    %scan3A_26 = arith.constant 62 : i32
    %scan3A_27 = arith.addi %scan3A_25, %scan3A_26 : i32
    %scan3A_28 = arith.constant 1 : i32
    scf.for %scan3A_53 = %scan3A_25 to %scan3A_27 step %scan3A_28  : i32 {
      %mul3A_54 = arith.constant 2 : i32
      %mul3A_55 = arith.muli %mul3A_54, %scan3A_53 : i32
      %mul3A_56 = arith.constant 2 : i32
      %mul3A_57 = arith.muli %mul3A_56, %scan3A_53 : i32
      %add3A_58 = arith.constant 1 : i32
      %add3A_59 = arith.addi %mul3A_57, %add3A_58 : i32
      %dma_start3A_60 = arith.constant 0 : i32
      %dma_start3A_61 = arith.constant 0 : i32
      %dma_start3A_62 = tpu.memref_slice %arg2[%add3A, %mul3A_55, %dma_start3A_60, %dma_start3A_61] : memref<32x125x80x16xf32, #tpu.memory_space<hbm>> -> memref<1x1x80x16xf32, #tpu.memory_space<hbm>>
      %dma_start3A_63 = tpu.memref_squeeze %dma_start3A_62 : memref<1x1x80x16xf32, #tpu.memory_space<hbm>> -> memref<80x16xf32, #tpu.memory_space<hbm>>
      %dma_start3A_64 = arith.constant 0 : i32
      %dma_start3A_65 = arith.constant 0 : i32
      %dma_start3A_66 = tpu.memref_slice %arg2[%add3A, %mul3A_55, %dma_start3A_64, %dma_start3A_65] : memref<32x125x80x16xf32, #tpu.memory_space<hbm>> -> memref<1x1x80x16xf32, #tpu.memory_space<hbm>>
      %dma_start3A_67 = tpu.memref_squeeze %dma_start3A_66 : memref<1x1x80x16xf32, #tpu.memory_space<hbm>> -> memref<80x16xf32, #tpu.memory_space<hbm>>
      tpu.enqueue_dma source(%dma_start3A_67 : memref<80x16xf32, #tpu.memory_space<hbm>>) target(%arg6 : memref<80x16xf32, #tpu.memory_space<vmem>>) target_semaphore(%arg9 : memref<!tpu.dma_semaphore, #tpu.memory_space<semaphore_mem>>)
      %dma_start3A_68 = arith.constant 0 : i32
      %dma_start3A_69 = arith.constant 0 : i32
      %dma_start3A_70 = tpu.memref_slice %arg2[%add3A, %add3A_59, %dma_start3A_68, %dma_start3A_69] : memref<32x125x80x16xf32, #tpu.memory_space<hbm>> -> memref<1x1x80x16xf32, #tpu.memory_space<hbm>>
      %dma_start3A_71 = tpu.memref_squeeze %dma_start3A_70 : memref<1x1x80x16xf32, #tpu.memory_space<hbm>> -> memref<80x16xf32, #tpu.memory_space<hbm>>
      %dma_start3A_72 = arith.constant 0 : i32
      %dma_start3A_73 = arith.constant 0 : i32
      %dma_start3A_74 = tpu.memref_slice %arg2[%add3A, %add3A_59, %dma_start3A_72, %dma_start3A_73] : memref<32x125x80x16xf32, #tpu.memory_space<hbm>> -> memref<1x1x80x16xf32, #tpu.memory_space<hbm>>
      %dma_start3A_75 = tpu.memref_squeeze %dma_start3A_74 : memref<1x1x80x16xf32, #tpu.memory_space<hbm>> -> memref<80x16xf32, #tpu.memory_space<hbm>>
      tpu.enqueue_dma source(%dma_start3A_75 : memref<80x16xf32, #tpu.memory_space<hbm>>) target(%arg7 : memref<80x16xf32, #tpu.memory_space<vmem>>) target_semaphore(%arg10 : memref<!tpu.dma_semaphore, #tpu.memory_space<semaphore_mem>>)
      %dma_wait3A_76 = arith.constant 0 : i32
      %dma_wait3A_77 = arith.constant 0 : i32
      %dma_wait3A_78 = tpu.memref_slice %arg2[%add3A, %mul3A_55, %dma_wait3A_76, %dma_wait3A_77] : memref<32x125x80x16xf32, #tpu.memory_space<hbm>> -> memref<1x1x80x16xf32, #tpu.memory_space<hbm>>
      %dma_wait3A_79 = tpu.memref_squeeze %dma_wait3A_78 : memref<1x1x80x16xf32, #tpu.memory_space<hbm>> -> memref<80x16xf32, #tpu.memory_space<hbm>>
      %dma_wait3A_80 = arith.constant 0 : i32
      %dma_wait3A_81 = arith.constant 0 : i32
      %dma_wait3A_82 = tpu.memref_slice %arg2[%add3A, %mul3A_55, %dma_wait3A_80, %dma_wait3A_81] : memref<32x125x80x16xf32, #tpu.memory_space<hbm>> -> memref<1x1x80x16xf32, #tpu.memory_space<hbm>>
      %dma_wait3A_83 = tpu.memref_squeeze %dma_wait3A_82 : memref<1x1x80x16xf32, #tpu.memory_space<hbm>> -> memref<80x16xf32, #tpu.memory_space<hbm>>
      tpu.wait_dma2 semaphore(%arg9 : memref<!tpu.dma_semaphore, #tpu.memory_space<semaphore_mem>>) src(%dma_wait3A_83 : memref<80x16xf32, #tpu.memory_space<hbm>>) dst(%arg6 : memref<80x16xf32, #tpu.memory_space<vmem>>)
      %scan3A_84 = arith.constant 0 : i32
      %scan3A_85 = arith.constant 0 : i32
      %scan3A_86 = arith.constant 80 : i32
      %scan3A_87 = arith.addi %scan3A_85, %scan3A_86 : i32
      %scan3A_88 = arith.constant 1 : i32
      scf.for %scan3A_104 = %scan3A_85 to %scan3A_87 step %scan3A_88  : i32 {
        %get3A = arith.index_cast %scan3A_104 : i32 to index
        %get3A_105 = arith.constant 0 : index
        %get3A_106 = tpu.vector_load %arg6[%get3A, %get3A_105] {strides = array<i32>} : memref<80x16xf32, #tpu.memory_space<vmem>>, vector<1x16xf32>,
        %get3A_107 = vector.shape_cast %get3A_106 : vector<1x16xf32> to vector<16xf32>
        %swap3A = arith.index_cast %scan3A_104 : i32 to index
        %swap3A_108 = arith.constant 0 : index
        %swap3A_109 = tpu.vector_load %arg8[%swap3A, %swap3A_108] {strides = array<i32>} : memref<80x128xf32, #tpu.memory_space<vmem>>, vector<1x16xf32>,
        %swap3A_110 = vector.shape_cast %swap3A_109 : vector<1x16xf32> to vector<16xf32>
        %swap3A_111 = vector.shape_cast %get3A_107 : vector<16xf32> to vector<1x16xf32>
        tpu.vector_store %arg8[%swap3A, %swap3A_108], %swap3A_111 {strides = array<i32>} : memref<80x128xf32, #tpu.memory_space<vmem>>, vector<1x16xf32>,
      }
      %scan3A_89 = arith.constant 80 : i32
      "tpu.region"() ({
        %run_scoped3A_104 = tpu.sem_alloc : memref<!tpu.dma_semaphore, #tpu.memory_space<semaphore_mem>>
        %dma_start3A_105 = arith.constant 0 : i32
        %dma_start3A_106 = tpu.memref_slice %arg5[%mul3A_55, %dma_start3A_105] : memref<125x80xi32, #tpu.memory_space<vmem>> -> memref<1x80xi32, #tpu.memory_space<vmem>>
        %dma_start3A_107 = tpu.memref_squeeze %dma_start3A_106 : memref<1x80xi32, #tpu.memory_space<vmem>> -> memref<80xi32, #tpu.memory_space<vmem>>
        %dma_start3A_108 = arith.constant 0 : i32
        %dma_start3A_109 = arith.constant 0 : i32
        %dma_start3A_110 = tpu.memref_slice %arg11[%dma_start3A_108, %dma_start3A_109] : memref<10240x128xf32, #tpu.memory_space<vmem_shared>> -> memref<10240x128xf32, #tpu.memory_space<vmem_shared>>
        tpu.enqueue_indirect_dma source(%arg8 : memref<80x128xf32, #tpu.memory_space<vmem>>) target(%dma_start3A_110 : memref<10240x128xf32, #tpu.memory_space<vmem_shared>>) offsets(%dma_start3A_107 : memref<80xi32, #tpu.memory_space<vmem>>) semaphore(%run_scoped3A_104 : memref<!tpu.dma_semaphore, #tpu.memory_space<semaphore_mem>>) {add = true}
        %dma_wait3A_111 = arith.constant 0 : i32
        %dma_wait3A_112 = tpu.memref_slice %arg5[%mul3A_55, %dma_wait3A_111] : memref<125x80xi32, #tpu.memory_space<vmem>> -> memref<1x80xi32, #tpu.memory_space<vmem>>
        %dma_wait3A_113 = tpu.memref_squeeze %dma_wait3A_112 : memref<1x80xi32, #tpu.memory_space<vmem>> -> memref<80xi32, #tpu.memory_space<vmem>>
        %dma_wait3A_114 = arith.constant 0 : i32
        %dma_wait3A_115 = arith.constant 0 : i32
        %dma_wait3A_116 = tpu.memref_slice %arg11[%dma_wait3A_114, %dma_wait3A_115] : memref<10240x128xf32, #tpu.memory_space<vmem_shared>> -> memref<10240x128xf32, #tpu.memory_space<vmem_shared>>
        tpu.wait_indirect_dma semaphore(%run_scoped3A_104 : memref<!tpu.dma_semaphore, #tpu.memory_space<semaphore_mem>>) src(%arg8 : memref<80x128xf32, #tpu.memory_space<vmem>>) dst(%dma_wait3A_116 : memref<10240x128xf32, #tpu.memory_space<vmem_shared>>)
        tpu.yield
      }) : () -> ()
      %dma_wait3A_90 = arith.constant 0 : i32
      %dma_wait3A_91 = arith.constant 0 : i32
      %dma_wait3A_92 = tpu.memref_slice %arg2[%add3A, %add3A_59, %dma_wait3A_90, %dma_wait3A_91] : memref<32x125x80x16xf32, #tpu.memory_space<hbm>> -> memref<1x1x80x16xf32, #tpu.memory_space<hbm>>
      %dma_wait3A_93 = tpu.memref_squeeze %dma_wait3A_92 : memref<1x1x80x16xf32, #tpu.memory_space<hbm>> -> memref<80x16xf32, #tpu.memory_space<hbm>>
      %dma_wait3A_94 = arith.constant 0 : i32
      %dma_wait3A_95 = arith.constant 0 : i32
      %dma_wait3A_96 = tpu.memref_slice %arg2[%add3A, %add3A_59, %dma_wait3A_94, %dma_wait3A_95] : memref<32x125x80x16xf32, #tpu.memory_space<hbm>> -> memref<1x1x80x16xf32, #tpu.memory_space<hbm>>
      %dma_wait3A_97 = tpu.memref_squeeze %dma_wait3A_96 : memref<1x1x80x16xf32, #tpu.memory_space<hbm>> -> memref<80x16xf32, #tpu.memory_space<hbm>>
      tpu.wait_dma2 semaphore(%arg10 : memref<!tpu.dma_semaphore, #tpu.memory_space<semaphore_mem>>) src(%dma_wait3A_97 : memref<80x16xf32, #tpu.memory_space<hbm>>) dst(%arg7 : memref<80x16xf32, #tpu.memory_space<vmem>>)
      %scan3A_98 = arith.constant 0 : i32
      %scan3A_99 = arith.constant 0 : i32
      %scan3A_100 = arith.constant 80 : i32
      %scan3A_101 = arith.addi %scan3A_99, %scan3A_100 : i32
      %scan3A_102 = arith.constant 1 : i32
      scf.for %scan3A_104 = %scan3A_99 to %scan3A_101 step %scan3A_102  : i32 {
        %get3A = arith.index_cast %scan3A_104 : i32 to index
        %get3A_105 = arith.constant 0 : index
        %get3A_106 = tpu.vector_load %arg7[%get3A, %get3A_105] {strides = array<i32>} : memref<80x16xf32, #tpu.memory_space<vmem>>, vector<1x16xf32>,
        %get3A_107 = vector.shape_cast %get3A_106 : vector<1x16xf32> to vector<16xf32>
        %swap3A = arith.index_cast %scan3A_104 : i32 to index
        %swap3A_108 = arith.constant 0 : index
        %swap3A_109 = tpu.vector_load %arg8[%swap3A, %swap3A_108] {strides = array<i32>} : memref<80x128xf32, #tpu.memory_space<vmem>>, vector<1x16xf32>,
        %swap3A_110 = vector.shape_cast %swap3A_109 : vector<1x16xf32> to vector<16xf32>
        %swap3A_111 = vector.shape_cast %get3A_107 : vector<16xf32> to vector<1x16xf32>
        tpu.vector_store %arg8[%swap3A, %swap3A_108], %swap3A_111 {strides = array<i32>} : memref<80x128xf32, #tpu.memory_space<vmem>>, vector<1x16xf32>,
      }
      %scan3A_103 = arith.constant 80 : i32
      "tpu.region"() ({
        %run_scoped3A_104 = tpu.sem_alloc : memref<!tpu.dma_semaphore, #tpu.memory_space<semaphore_mem>>
        %dma_start3A_105 = arith.constant 0 : i32
        %dma_start3A_106 = tpu.memref_slice %arg5[%add3A_59, %dma_start3A_105] : memref<125x80xi32, #tpu.memory_space<vmem>> -> memref<1x80xi32, #tpu.memory_space<vmem>>
        %dma_start3A_107 = tpu.memref_squeeze %dma_start3A_106 : memref<1x80xi32, #tpu.memory_space<vmem>> -> memref<80xi32, #tpu.memory_space<vmem>>
        %dma_start3A_108 = arith.constant 0 : i32
        %dma_start3A_109 = arith.constant 0 : i32
        %dma_start3A_110 = tpu.memref_slice %arg11[%dma_start3A_108, %dma_start3A_109] : memref<10240x128xf32, #tpu.memory_space<vmem_shared>> -> memref<10240x128xf32, #tpu.memory_space<vmem_shared>>
        tpu.enqueue_indirect_dma source(%arg8 : memref<80x128xf32, #tpu.memory_space<vmem>>) target(%dma_start3A_110 : memref<10240x128xf32, #tpu.memory_space<vmem_shared>>) offsets(%dma_start3A_107 : memref<80xi32, #tpu.memory_space<vmem>>) semaphore(%run_scoped3A_104 : memref<!tpu.dma_semaphore, #tpu.memory_space<semaphore_mem>>) {add = true}
        %dma_wait3A_111 = arith.constant 0 : i32
        %dma_wait3A_112 = tpu.memref_slice %arg5[%add3A_59, %dma_wait3A_111] : memref<125x80xi32, #tpu.memory_space<vmem>> -> memref<1x80xi32, #tpu.memory_space<vmem>>
        %dma_wait3A_113 = tpu.memref_squeeze %dma_wait3A_112 : memref<1x80xi32, #tpu.memory_space<vmem>> -> memref<80xi32, #tpu.memory_space<vmem>>
        %dma_wait3A_114 = arith.constant 0 : i32
        %dma_wait3A_115 = arith.constant 0 : i32
        %dma_wait3A_116 = tpu.memref_slice %arg11[%dma_wait3A_114, %dma_wait3A_115] : memref<10240x128xf32, #tpu.memory_space<vmem_shared>> -> memref<10240x128xf32, #tpu.memory_space<vmem_shared>>
        tpu.wait_indirect_dma semaphore(%run_scoped3A_104 : memref<!tpu.dma_semaphore, #tpu.memory_space<semaphore_mem>>) src(%arg8 : memref<80x128xf32, #tpu.memory_space<vmem>>) dst(%dma_wait3A_116 : memref<10240x128xf32, #tpu.memory_space<vmem_shared>>)
        tpu.yield
      }) : () -> ()
    }
    %scan3A_29 = arith.constant 62 : i32
    %dma_start3A = arith.constant 124 : i32
    %dma_start3A_30 = arith.constant 0 : i32
    %dma_start3A_31 = arith.constant 0 : i32
    %dma_start3A_32 = tpu.memref_slice %arg2[%add3A, %dma_start3A, %dma_start3A_30, %dma_start3A_31] : memref<32x125x80x16xf32, #tpu.memory_space<hbm>> -> memref<1x1x80x16xf32, #tpu.memory_space<hbm>>
    %dma_start3A_33 = tpu.memref_squeeze %dma_start3A_32 : memref<1x1x80x16xf32, #tpu.memory_space<hbm>> -> memref<80x16xf32, #tpu.memory_space<hbm>>
    %dma_start3A_34 = arith.constant 0 : i32
    %dma_start3A_35 = arith.constant 0 : i32
    %dma_start3A_36 = tpu.memref_slice %arg2[%add3A, %dma_start3A, %dma_start3A_34, %dma_start3A_35] : memref<32x125x80x16xf32, #tpu.memory_space<hbm>> -> memref<1x1x80x16xf32, #tpu.memory_space<hbm>>
    %dma_start3A_37 = tpu.memref_squeeze %dma_start3A_36 : memref<1x1x80x16xf32, #tpu.memory_space<hbm>> -> memref<80x16xf32, #tpu.memory_space<hbm>>
    tpu.enqueue_dma source(%dma_start3A_37 : memref<80x16xf32, #tpu.memory_space<hbm>>) target(%arg6 : memref<80x16xf32, #tpu.memory_space<vmem>>) target_semaphore(%arg9 : memref<!tpu.dma_semaphore, #tpu.memory_space<semaphore_mem>>)
    %dma_wait3A = arith.constant 124 : i32
    %dma_wait3A_38 = arith.constant 0 : i32
    %dma_wait3A_39 = arith.constant 0 : i32
    %dma_wait3A_40 = tpu.memref_slice %arg2[%add3A, %dma_wait3A, %dma_wait3A_38, %dma_wait3A_39] : memref<32x125x80x16xf32, #tpu.memory_space<hbm>> -> memref<1x1x80x16xf32, #tpu.memory_space<hbm>>
    %dma_wait3A_41 = tpu.memref_squeeze %dma_wait3A_40 : memref<1x1x80x16xf32, #tpu.memory_space<hbm>> -> memref<80x16xf32, #tpu.memory_space<hbm>>
    %dma_wait3A_42 = arith.constant 0 : i32
    %dma_wait3A_43 = arith.constant 0 : i32
    %dma_wait3A_44 = tpu.memref_slice %arg2[%add3A, %dma_wait3A, %dma_wait3A_42, %dma_wait3A_43] : memref<32x125x80x16xf32, #tpu.memory_space<hbm>> -> memref<1x1x80x16xf32, #tpu.memory_space<hbm>>
    %dma_wait3A_45 = tpu.memref_squeeze %dma_wait3A_44 : memref<1x1x80x16xf32, #tpu.memory_space<hbm>> -> memref<80x16xf32, #tpu.memory_space<hbm>>
    tpu.wait_dma2 semaphore(%arg9 : memref<!tpu.dma_semaphore, #tpu.memory_space<semaphore_mem>>) src(%dma_wait3A_45 : memref<80x16xf32, #tpu.memory_space<hbm>>) dst(%arg6 : memref<80x16xf32, #tpu.memory_space<vmem>>)
    %scan3A_46 = arith.constant 0 : i32
    %scan3A_47 = arith.constant 0 : i32
    %scan3A_48 = arith.constant 80 : i32
    %scan3A_49 = arith.addi %scan3A_47, %scan3A_48 : i32
    %scan3A_50 = arith.constant 1 : i32
    scf.for %scan3A_53 = %scan3A_47 to %scan3A_49 step %scan3A_50  : i32 {
      %get3A = arith.index_cast %scan3A_53 : i32 to index
      %get3A_54 = arith.constant 0 : index
      %get3A_55 = tpu.vector_load %arg6[%get3A, %get3A_54] {strides = array<i32>} : memref<80x16xf32, #tpu.memory_space<vmem>>, vector<1x16xf32>,
      %get3A_56 = vector.shape_cast %get3A_55 : vector<1x16xf32> to vector<16xf32>
      %swap3A = arith.index_cast %scan3A_53 : i32 to index
      %swap3A_57 = arith.constant 0 : index
      %swap3A_58 = tpu.vector_load %arg8[%swap3A, %swap3A_57] {strides = array<i32>} : memref<80x128xf32, #tpu.memory_space<vmem>>, vector<1x16xf32>,
      %swap3A_59 = vector.shape_cast %swap3A_58 : vector<1x16xf32> to vector<16xf32>
      %swap3A_60 = vector.shape_cast %get3A_56 : vector<16xf32> to vector<1x16xf32>
      tpu.vector_store %arg8[%swap3A, %swap3A_57], %swap3A_60 {strides = array<i32>} : memref<80x128xf32, #tpu.memory_space<vmem>>, vector<1x16xf32>,
    }
    %scan3A_51 = arith.constant 80 : i32
    %run_scoped3A = arith.constant 124 : i32
    "tpu.region"() ({
      %run_scoped3A_53 = tpu.sem_alloc : memref<!tpu.dma_semaphore, #tpu.memory_space<semaphore_mem>>
      %dma_start3A_54 = arith.constant 0 : i32
      %dma_start3A_55 = tpu.memref_slice %arg5[%run_scoped3A, %dma_start3A_54] : memref<125x80xi32, #tpu.memory_space<vmem>> -> memref<1x80xi32, #tpu.memory_space<vmem>>
      %dma_start3A_56 = tpu.memref_squeeze %dma_start3A_55 : memref<1x80xi32, #tpu.memory_space<vmem>> -> memref<80xi32, #tpu.memory_space<vmem>>
      %dma_start3A_57 = arith.constant 0 : i32
      %dma_start3A_58 = arith.constant 0 : i32
      %dma_start3A_59 = tpu.memref_slice %arg11[%dma_start3A_57, %dma_start3A_58] : memref<10240x128xf32, #tpu.memory_space<vmem_shared>> -> memref<10240x128xf32, #tpu.memory_space<vmem_shared>>
      tpu.enqueue_indirect_dma source(%arg8 : memref<80x128xf32, #tpu.memory_space<vmem>>) target(%dma_start3A_59 : memref<10240x128xf32, #tpu.memory_space<vmem_shared>>) offsets(%dma_start3A_56 : memref<80xi32, #tpu.memory_space<vmem>>) semaphore(%run_scoped3A_53 : memref<!tpu.dma_semaphore, #tpu.memory_space<semaphore_mem>>) {add = true}
      %dma_wait3A_60 = arith.constant 0 : i32
      %dma_wait3A_61 = tpu.memref_slice %arg5[%run_scoped3A, %dma_wait3A_60] : memref<125x80xi32, #tpu.memory_space<vmem>> -> memref<1x80xi32, #tpu.memory_space<vmem>>
      %dma_wait3A_62 = tpu.memref_squeeze %dma_wait3A_61 : memref<1x80xi32, #tpu.memory_space<vmem>> -> memref<80xi32, #tpu.memory_space<vmem>>
      %dma_wait3A_63 = arith.constant 0 : i32
      %dma_wait3A_64 = arith.constant 0 : i32
      %dma_wait3A_65 = tpu.memref_slice %arg11[%dma_wait3A_63, %dma_wait3A_64] : memref<10240x128xf32, #tpu.memory_space<vmem_shared>> -> memref<10240x128xf32, #tpu.memory_space<vmem_shared>>
      tpu.wait_indirect_dma semaphore(%run_scoped3A_53 : memref<!tpu.dma_semaphore, #tpu.memory_space<semaphore_mem>>) src(%arg8 : memref<80x128xf32, #tpu.memory_space<vmem>>) dst(%dma_wait3A_65 : memref<10240x128xf32, #tpu.memory_space<vmem_shared>>)
      tpu.yield
    }) : () -> ()
    %barrier3A_52 = arith.constant 0 : index
    tpu.barrier barrier_id(%barrier3A_52)
    "tpu.region"() ({
      %run_scoped3A_53 = tpu.sem_alloc : memref<!tpu.dma_semaphore, #tpu.memory_space<semaphore_mem>>
      %dma_start3A_54 = arith.constant 0 : i32
      %dma_start3A_55 = tpu.memref_slice %arg4[%arg0, %multiple_of3A, %dma_start3A_54] : memref<2x10240x128xf32, #tpu.memory_space<hbm>> -> memref<1x640x128xf32, #tpu.memory_space<hbm>>
      %dma_start3A_56 = tpu.memref_squeeze %dma_start3A_55 : memref<1x640x128xf32, #tpu.memory_space<hbm>> -> memref<640x128xf32, #tpu.memory_space<hbm>>
      %dma_start3A_57 = arith.constant 0 : i32
      %dma_start3A_58 = tpu.memref_slice %arg11[%multiple_of3A, %dma_start3A_57] : memref<10240x128xf32, #tpu.memory_space<vmem_shared>> -> memref<640x128xf32, #tpu.memory_space<vmem_shared>>
      tpu.enqueue_dma source(%dma_start3A_58 : memref<640x128xf32, #tpu.memory_space<vmem_shared>>) target(%dma_start3A_56 : memref<640x128xf32, #tpu.memory_space<hbm>>) target_semaphore(%run_scoped3A_53 : memref<!tpu.dma_semaphore, #tpu.memory_space<semaphore_mem>>)
      %dma_wait3A_59 = arith.constant 0 : i32
      %dma_wait3A_60 = tpu.memref_slice %arg4[%arg0, %multiple_of3A, %dma_wait3A_59] : memref<2x10240x128xf32, #tpu.memory_space<hbm>> -> memref<1x640x128xf32, #tpu.memory_space<hbm>>
      %dma_wait3A_61 = tpu.memref_squeeze %dma_wait3A_60 : memref<1x640x128xf32, #tpu.memory_space<hbm>> -> memref<640x128xf32, #tpu.memory_space<hbm>>
      %dma_wait3A_62 = arith.constant 0 : i32
      %dma_wait3A_63 = tpu.memref_slice %arg11[%multiple_of3A, %dma_wait3A_62] : memref<10240x128xf32, #tpu.memory_space<vmem_shared>> -> memref<640x128xf32, #tpu.memory_space<vmem_shared>>
      tpu.wait_dma2 semaphore(%run_scoped3A_53 : memref<!tpu.dma_semaphore, #tpu.memory_space<semaphore_mem>>) src(%dma_wait3A_63 : memref<640x128xf32, #tpu.memory_space<vmem_shared>>) dst(%dma_wait3A_61 : memref<640x128xf32, #tpu.memory_space<hbm>>)
      tpu.yield
    }) : () -> ()
    return
  }
}

module attributes {stable_mosaic.version = 14 : i64} {
  func.func @_precompute_body(%arg0: i32, %arg1: memref<2000x128xf32, #tpu.memory_space<vmem>>, %arg2: memref<128x256xf32, #tpu.memory_space<vmem>>, %arg3: memref<1x128xf32, #tpu.memory_space<vmem>>, %arg4: memref<2000x128xf32, #tpu.memory_space<vmem>>, %arg5: memref<2000x128xf32, #tpu.memory_space<vmem>>) attributes {dimension_semantics = [#tpu.dimension_semantics<arbitrary>], iteration_bounds = array<i64: 5>, scalar_prefetch = 0 : i64, scratch_operands = 0 : i64, tpu.core_type = #tpu.core_type<tc>, window_params = [{transform_indices = @transform_0, window_bounds = array<i64: 2000, 128>}, {pipeline_mode = #tpu.pipeline_mode<synchronous>, transform_indices = @transform_1, window_bounds = array<i64: 128, 256>}, {pipeline_mode = #tpu.pipeline_mode<synchronous>, transform_indices = @transform_2, window_bounds = array<i64: 1, 128>}, {transform_indices = @transform_3, window_bounds = array<i64: 2000, 128>}, {transform_indices = @transform_4, window_bounds = array<i64: 2000, 128>}]} {
    %get3A = arith.constant 0 : index
    %get3A_0 = arith.constant 0 : index
    %get3A_1 = vector.load %arg1[%get3A, %get3A_0] : memref<2000x128xf32, #tpu.memory_space<vmem>>, vector<2000x128xf32>
    %get3A_2 = arith.constant 0 : index
    %get3A_3 = arith.constant 0 : index
    %get3A_4 = vector.load %arg2[%get3A_2, %get3A_3] : memref<128x256xf32, #tpu.memory_space<vmem>>, vector<128x256xf32>
    %dot_general3A = arith.constant dense<0.000000e+00> : vector<2000x256xf32>
    %dot_general3A_5 = tpu.matmul %get3A_1, %get3A_4, %dot_general3A {dimension_numbers = #tpu.dot_dimension_numbers<[1], [0], [0], [1], [0, 0, 1, 1], [], []>, transpose_lhs_hint = false} : vector<2000x128xf32>, vector<128x256xf32>, vector<2000x256xf32> -> vector<2000x256xf32>
    %slice3A = vector.extract_strided_slice %dot_general3A_5 {offsets = [0, 0], sizes = [2000, 128], strides = [1, 1]} : vector<2000x256xf32> to vector<2000x128xf32>
    %get3A_6 = arith.constant 0 : index
    %get3A_7 = arith.constant 0 : index
    %get3A_8 = vector.load %arg3[%get3A_6, %get3A_7] : memref<1x128xf32, #tpu.memory_space<vmem>>, vector<1x128xf32>
    %add3A = vector.broadcast %get3A_8 : vector<1x128xf32> to vector<2000x128xf32>
    %add3A_9 = arith.addf %slice3A, %add3A : vector<2000x128xf32>
    %swap3A = arith.constant 0 : index
    %swap3A_10 = arith.constant 0 : index
    %swap3A_11 = vector.load %arg4[%swap3A, %swap3A_10] : memref<2000x128xf32, #tpu.memory_space<vmem>>, vector<2000x128xf32>
    tpu.vector_store %arg4[%swap3A, %swap3A_10], %add3A_9 {strides = array<i32>} : memref<2000x128xf32, #tpu.memory_space<vmem>>, vector<2000x128xf32>,
    %slice3A_12 = vector.extract_strided_slice %dot_general3A_5 {offsets = [0, 128], sizes = [2000, 128], strides = [1, 1]} : vector<2000x256xf32> to vector<2000x128xf32>
    %swap3A_13 = arith.constant 0 : index
    %swap3A_14 = arith.constant 0 : index
    %swap3A_15 = vector.load %arg5[%swap3A_13, %swap3A_14] : memref<2000x128xf32, #tpu.memory_space<vmem>>, vector<2000x128xf32>
    tpu.vector_store %arg5[%swap3A_13, %swap3A_14], %slice3A_12 {strides = array<i32>} : memref<2000x128xf32, #tpu.memory_space<vmem>>, vector<2000x128xf32>,
    return
  }
  func.func @transform_0(%arg0: i32) -> (i32, i32) {
    %c0_i32 = arith.constant 0 : i32
    %c0_i32_0 = arith.constant 0 : i32
    return %arg0, %c0_i32 : i32, i32
  }
  func.func @transform_1(%arg0: i32) -> (i32, i32) {
    %c0_i32 = arith.constant 0 : i32
    %c0_i32_0 = arith.constant 0 : i32
    %c0_i32_1 = arith.constant 0 : i32
    return %c0_i32, %c0_i32_0 : i32, i32
  }
  func.func @transform_2(%arg0: i32) -> (i32, i32) {
    %c0_i32 = arith.constant 0 : i32
    %c0_i32_0 = arith.constant 0 : i32
    %c0_i32_1 = arith.constant 0 : i32
    return %c0_i32, %c0_i32_0 : i32, i32
  }
  func.func @transform_3(%arg0: i32) -> (i32, i32) {
    %c0_i32 = arith.constant 0 : i32
    %c0_i32_0 = arith.constant 0 : i32
    return %arg0, %c0_i32 : i32, i32
  }
  func.func @transform_4(%arg0: i32) -> (i32, i32) {
    %c0_i32 = arith.constant 0 : i32
    %c0_i32_0 = arith.constant 0 : i32
    return %arg0, %c0_i32 : i32, i32
  }
}

module attributes {stable_mosaic.version = 14 : i64} {
  func.func @_edge_mlp_body(%arg0: i32, %arg1: memref<3200x128xf32, #tpu.memory_space<vmem>>, %arg2: memref<3200x16xf32, #tpu.memory_space<vmem>>, %arg3: memref<16x128xf32, #tpu.memory_space<vmem>>, %arg4: memref<128x16xf32, #tpu.memory_space<vmem>>, %arg5: memref<1x16xf32, #tpu.memory_space<vmem>>, %arg6: memref<3200x16xf32, #tpu.memory_space<vmem>>) attributes {dimension_semantics = [#tpu.dimension_semantics<arbitrary>], iteration_bounds = array<i64: 100>, scalar_prefetch = 0 : i64, scratch_operands = 0 : i64, tpu.core_type = #tpu.core_type<tc>, window_params = [{transform_indices = @transform_0, window_bounds = array<i64: 3200, 128>}, {transform_indices = @transform_1, window_bounds = array<i64: 3200, 16>}, {pipeline_mode = #tpu.pipeline_mode<synchronous>, transform_indices = @transform_2, window_bounds = array<i64: 16, 128>}, {pipeline_mode = #tpu.pipeline_mode<synchronous>, transform_indices = @transform_3, window_bounds = array<i64: 128, 16>}, {pipeline_mode = #tpu.pipeline_mode<synchronous>, transform_indices = @transform_4, window_bounds = array<i64: 1, 16>}, {transform_indices = @transform_5, window_bounds = array<i64: 3200, 16>}]} {
    %get3A = arith.constant 0 : index
    %get3A_0 = arith.constant 0 : index
    %get3A_1 = vector.load %arg1[%get3A, %get3A_0] : memref<3200x128xf32, #tpu.memory_space<vmem>>, vector<3200x128xf32>
    %get3A_2 = arith.constant 0 : index
    %get3A_3 = arith.constant 0 : index
    %get3A_4 = vector.load %arg2[%get3A_2, %get3A_3] : memref<3200x16xf32, #tpu.memory_space<vmem>>, vector<3200x16xf32>
    %get3A_5 = arith.constant 0 : index
    %get3A_6 = arith.constant 0 : index
    %get3A_7 = vector.load %arg3[%get3A_5, %get3A_6] : memref<16x128xf32, #tpu.memory_space<vmem>>, vector<16x128xf32>
    %dot_general3A = arith.constant dense<0.000000e+00> : vector<3200x128xf32>
    %dot_general3A_8 = tpu.matmul %get3A_4, %get3A_7, %dot_general3A {dimension_numbers = #tpu.dot_dimension_numbers<[1], [0], [0], [1], [0, 0, 1, 1], [], []>, transpose_lhs_hint = false} : vector<3200x16xf32>, vector<16x128xf32>, vector<3200x128xf32> -> vector<3200x128xf32>
    %add3A = arith.addf %get3A_1, %dot_general3A_8 : vector<3200x128xf32>
    %max3A = arith.constant 0.000000e+00 : f32
    %max3A_9 = vector.broadcast %max3A : f32 to vector<3200x128xf32>
    %max3A_10 = arith.maximumf %add3A, %max3A_9 : vector<3200x128xf32>
    %get3A_11 = arith.constant 0 : index
    %get3A_12 = arith.constant 0 : index
    %get3A_13 = vector.load %arg4[%get3A_11, %get3A_12] : memref<128x16xf32, #tpu.memory_space<vmem>>, vector<128x16xf32>
    %dot_general3A_14 = arith.constant dense<0.000000e+00> : vector<3200x16xf32>
    %dot_general3A_15 = tpu.matmul %max3A_10, %get3A_13, %dot_general3A_14 {dimension_numbers = #tpu.dot_dimension_numbers<[1], [0], [0], [1], [0, 0, 1, 1], [], []>, transpose_lhs_hint = false} : vector<3200x128xf32>, vector<128x16xf32>, vector<3200x16xf32> -> vector<3200x16xf32>
    %get3A_16 = arith.constant 0 : index
    %get3A_17 = arith.constant 0 : index
    %get3A_18 = vector.load %arg5[%get3A_16, %get3A_17] : memref<1x16xf32, #tpu.memory_space<vmem>>, vector<1x16xf32>
    %add3A_19 = vector.broadcast %get3A_18 : vector<1x16xf32> to vector<3200x16xf32>
    %add3A_20 = arith.addf %dot_general3A_15, %add3A_19 : vector<3200x16xf32>
    %swap3A = arith.constant 0 : index
    %swap3A_21 = arith.constant 0 : index
    %swap3A_22 = vector.load %arg6[%swap3A, %swap3A_21] : memref<3200x16xf32, #tpu.memory_space<vmem>>, vector<3200x16xf32>
    tpu.vector_store %arg6[%swap3A, %swap3A_21], %add3A_20 {strides = array<i32>} : memref<3200x16xf32, #tpu.memory_space<vmem>>, vector<3200x16xf32>,
    return
  }
  func.func @transform_0(%arg0: i32) -> (i32, i32) {
    %c0_i32 = arith.constant 0 : i32
    %c0_i32_0 = arith.constant 0 : i32
    return %arg0, %c0_i32 : i32, i32
  }
  func.func @transform_1(%arg0: i32) -> (i32, i32) {
    %c0_i32 = arith.constant 0 : i32
    %c0_i32_0 = arith.constant 0 : i32
    return %arg0, %c0_i32 : i32, i32
  }
  func.func @transform_2(%arg0: i32) -> (i32, i32) {
    %c0_i32 = arith.constant 0 : i32
    %c0_i32_0 = arith.constant 0 : i32
    %c0_i32_1 = arith.constant 0 : i32
    return %c0_i32, %c0_i32_0 : i32, i32
  }
  func.func @transform_3(%arg0: i32) -> (i32, i32) {
    %c0_i32 = arith.constant 0 : i32
    %c0_i32_0 = arith.constant 0 : i32
    %c0_i32_1 = arith.constant 0 : i32
    return %c0_i32, %c0_i32_0 : i32, i32
  }
  func.func @transform_4(%arg0: i32) -> (i32, i32) {
    %c0_i32 = arith.constant 0 : i32
    %c0_i32_0 = arith.constant 0 : i32
    %c0_i32_1 = arith.constant 0 : i32
    return %c0_i32, %c0_i32_0 : i32, i32
  }
  func.func @transform_5(%arg0: i32) -> (i32, i32) {
    %c0_i32 = arith.constant 0 : i32
    %c0_i32_0 = arith.constant 0 : i32
    return %arg0, %c0_i32 : i32, i32
  }
}

module attributes {stable_mosaic.version = 14 : i64} {
  func.func @_node_mlp_body(%arg0: i32, %arg1: memref<2000x128xf32, #tpu.memory_space<vmem>>, %arg2: memref<2000x128xf32, #tpu.memory_space<vmem>>, %arg3: memref<2000x128xf32, #tpu.memory_space<vmem>>, %arg4: memref<128x128xf32, #tpu.memory_space<vmem>>, %arg5: memref<16x128xf32, #tpu.memory_space<vmem>>, %arg6: memref<1x128xf32, #tpu.memory_space<vmem>>, %arg7: memref<128x128xf32, #tpu.memory_space<vmem>>, %arg8: memref<1x128xf32, #tpu.memory_space<vmem>>, %arg9: memref<2000x128xf32, #tpu.memory_space<vmem>>) attributes {dimension_semantics = [#tpu.dimension_semantics<arbitrary>], iteration_bounds = array<i64: 5>, scalar_prefetch = 0 : i64, scratch_operands = 0 : i64, tpu.core_type = #tpu.core_type<tc>, window_params = [{transform_indices = @transform_0, window_bounds = array<i64: 2000, 128>}, {transform_indices = @transform_1, window_bounds = array<i64: 2000, 128>}, {transform_indices = @transform_2, window_bounds = array<i64: 2000, 128>}, {pipeline_mode = #tpu.pipeline_mode<synchronous>, transform_indices = @transform_3, window_bounds = array<i64: 128, 128>}, {pipeline_mode = #tpu.pipeline_mode<synchronous>, transform_indices = @transform_4, window_bounds = array<i64: 16, 128>}, {pipeline_mode = #tpu.pipeline_mode<synchronous>, transform_indices = @transform_5, window_bounds = array<i64: 1, 128>}, {pipeline_mode = #tpu.pipeline_mode<synchronous>, transform_indices = @transform_6, window_bounds = array<i64: 128, 128>}, {pipeline_mode = #tpu.pipeline_mode<synchronous>, transform_indices = @transform_7, window_bounds = array<i64: 1, 128>}, {transform_indices = @transform_8, window_bounds = array<i64: 2000, 128>}]} {
    %get3A = arith.constant 0 : index
    %get3A_0 = arith.constant 0 : index
    %get3A_1 = vector.load %arg2[%get3A, %get3A_0] : memref<2000x128xf32, #tpu.memory_space<vmem>>, vector<2000x128xf32>
    %slice3A = vector.extract_strided_slice %get3A_1 {offsets = [0, 0], sizes = [2000, 16], strides = [1, 1]} : vector<2000x128xf32> to vector<2000x16xf32>
    %get3A_2 = arith.constant 0 : index
    %get3A_3 = arith.constant 0 : index
    %get3A_4 = vector.load %arg3[%get3A_2, %get3A_3] : memref<2000x128xf32, #tpu.memory_space<vmem>>, vector<2000x128xf32>
    %slice3A_5 = vector.extract_strided_slice %get3A_4 {offsets = [0, 0], sizes = [2000, 16], strides = [1, 1]} : vector<2000x128xf32> to vector<2000x16xf32>
    %add3A = arith.addf %slice3A, %slice3A_5 : vector<2000x16xf32>
    %get3A_6 = arith.constant 0 : index
    %get3A_7 = arith.constant 0 : index
    %get3A_8 = vector.load %arg1[%get3A_6, %get3A_7] : memref<2000x128xf32, #tpu.memory_space<vmem>>, vector<2000x128xf32>
    %get3A_9 = arith.constant 0 : index
    %get3A_10 = arith.constant 0 : index
    %get3A_11 = vector.load %arg4[%get3A_9, %get3A_10] : memref<128x128xf32, #tpu.memory_space<vmem>>, vector<128x128xf32>
    %dot_general3A = arith.constant dense<0.000000e+00> : vector<2000x128xf32>
    %dot_general3A_12 = tpu.matmul %get3A_8, %get3A_11, %dot_general3A {dimension_numbers = #tpu.dot_dimension_numbers<[1], [0], [0], [1], [0, 0, 1, 1], [], []>, transpose_lhs_hint = false} : vector<2000x128xf32>, vector<128x128xf32>, vector<2000x128xf32> -> vector<2000x128xf32>
    %get3A_13 = arith.constant 0 : index
    %get3A_14 = arith.constant 0 : index
    %get3A_15 = vector.load %arg5[%get3A_13, %get3A_14] : memref<16x128xf32, #tpu.memory_space<vmem>>, vector<16x128xf32>
    %dot_general3A_16 = arith.constant dense<0.000000e+00> : vector<2000x128xf32>
    %dot_general3A_17 = tpu.matmul %add3A, %get3A_15, %dot_general3A_16 {dimension_numbers = #tpu.dot_dimension_numbers<[1], [0], [0], [1], [0, 0, 1, 1], [], []>, transpose_lhs_hint = false} : vector<2000x16xf32>, vector<16x128xf32>, vector<2000x128xf32> -> vector<2000x128xf32>
    %add3A_18 = arith.addf %dot_general3A_12, %dot_general3A_17 : vector<2000x128xf32>
    %get3A_19 = arith.constant 0 : index
    %get3A_20 = arith.constant 0 : index
    %get3A_21 = vector.load %arg6[%get3A_19, %get3A_20] : memref<1x128xf32, #tpu.memory_space<vmem>>, vector<1x128xf32>
    %add3A_22 = vector.broadcast %get3A_21 : vector<1x128xf32> to vector<2000x128xf32>
    %add3A_23 = arith.addf %add3A_18, %add3A_22 : vector<2000x128xf32>
    %max3A = arith.constant 0.000000e+00 : f32
    %max3A_24 = vector.broadcast %max3A : f32 to vector<2000x128xf32>
    %max3A_25 = arith.maximumf %add3A_23, %max3A_24 : vector<2000x128xf32>
    %get3A_26 = arith.constant 0 : index
    %get3A_27 = arith.constant 0 : index
    %get3A_28 = vector.load %arg7[%get3A_26, %get3A_27] : memref<128x128xf32, #tpu.memory_space<vmem>>, vector<128x128xf32>
    %dot_general3A_29 = arith.constant dense<0.000000e+00> : vector<2000x128xf32>
    %dot_general3A_30 = tpu.matmul %max3A_25, %get3A_28, %dot_general3A_29 {dimension_numbers = #tpu.dot_dimension_numbers<[1], [0], [0], [1], [0, 0, 1, 1], [], []>, transpose_lhs_hint = false} : vector<2000x128xf32>, vector<128x128xf32>, vector<2000x128xf32> -> vector<2000x128xf32>
    %get3A_31 = arith.constant 0 : index
    %get3A_32 = arith.constant 0 : index
    %get3A_33 = vector.load %arg8[%get3A_31, %get3A_32] : memref<1x128xf32, #tpu.memory_space<vmem>>, vector<1x128xf32>
    %add3A_34 = vector.broadcast %get3A_33 : vector<1x128xf32> to vector<2000x128xf32>
    %add3A_35 = arith.addf %dot_general3A_30, %add3A_34 : vector<2000x128xf32>
    %swap3A = arith.constant 0 : index
    %swap3A_36 = arith.constant 0 : index
    %swap3A_37 = vector.load %arg9[%swap3A, %swap3A_36] : memref<2000x128xf32, #tpu.memory_space<vmem>>, vector<2000x128xf32>
    tpu.vector_store %arg9[%swap3A, %swap3A_36], %add3A_35 {strides = array<i32>} : memref<2000x128xf32, #tpu.memory_space<vmem>>, vector<2000x128xf32>,
    return
  }
  func.func @transform_0(%arg0: i32) -> (i32, i32) {
    %c0_i32 = arith.constant 0 : i32
    %c0_i32_0 = arith.constant 0 : i32
    return %arg0, %c0_i32 : i32, i32
  }
  func.func @transform_1(%arg0: i32) -> (i32, i32) {
    %c0_i32 = arith.constant 0 : i32
    %c0_i32_0 = arith.constant 0 : i32
    return %arg0, %c0_i32 : i32, i32
  }
  func.func @transform_2(%arg0: i32) -> (i32, i32) {
    %c0_i32 = arith.constant 0 : i32
    %c0_i32_0 = arith.constant 0 : i32
    return %arg0, %c0_i32 : i32, i32
  }
  func.func @transform_3(%arg0: i32) -> (i32, i32) {
    %c0_i32 = arith.constant 0 : i32
    %c0_i32_0 = arith.constant 0 : i32
    %c0_i32_1 = arith.constant 0 : i32
    return %c0_i32, %c0_i32_0 : i32, i32
  }
  func.func @transform_4(%arg0: i32) -> (i32, i32) {
    %c0_i32 = arith.constant 0 : i32
    %c0_i32_0 = arith.constant 0 : i32
    %c0_i32_1 = arith.constant 0 : i32
    return %c0_i32, %c0_i32_0 : i32, i32
  }
  func.func @transform_5(%arg0: i32) -> (i32, i32) {
    %c0_i32 = arith.constant 0 : i32
    %c0_i32_0 = arith.constant 0 : i32
    %c0_i32_1 = arith.constant 0 : i32
    return %c0_i32, %c0_i32_0 : i32, i32
  }
  func.func @transform_6(%arg0: i32) -> (i32, i32) {
    %c0_i32 = arith.constant 0 : i32
    %c0_i32_0 = arith.constant 0 : i32
    %c0_i32_1 = arith.constant 0 : i32
    return %c0_i32, %c0_i32_0 : i32, i32
  }
  func.func @transform_7(%arg0: i32) -> (i32, i32) {
    %c0_i32 = arith.constant 0 : i32
    %c0_i32_0 = arith.constant 0 : i32
    %c0_i32_1 = arith.constant 0 : i32
    return %c0_i32, %c0_i32_0 : i32, i32
  }
  func.func @transform_8(%arg0: i32) -> (i32, i32) {
    %c0_i32 = arith.constant 0 : i32
    %c0_i32_0 = arith.constant 0 : i32
    return %arg0, %c0_i32 : i32, i32
  }
}

</mosaic_0001>

<sc_bundles>
// kernel: kernel.10.cloned.1.call-start
scs
__scs_entry_jumppad:
0x0: {  	(pc) =	sbr.rel $0x88, $3  }
0x1: {  	(tag) =	ssettag $0x0;
	lr =	simm.s32 $0x1  }
0x2: {  	[smem:$0x3F96] =	sst lr;
	_ =	strace $0xD0000000  }
0x3: {  	_ = 	snop  }
0x4: {  	_ = 	snop  }
0x5: {  	_ = 	snop  }
0x6: {  	_ = 	snop  }
0x7: {  	_ = 	snop  }
__scs_overlays_trampoline_lowered:
0x8: {  	[smem:$0x3FA5] =	sst s0  }
0x9: {  	[smem:$0x3FA6] =	sst s1  }
0xa: {  	[smem:$0x3FA7] =	sst s2  }
0xb: {  	[smem:$0x3FA8] =	sst s3  }
0xc: {  	[smem:$0x3FA9] =	sst s4  }
0xd: {  	[smem:$0x3FAA] =	sst s5  }
0xe: {  	[smem:$0x3FAB] =	sst s6  }
0xf: {  	[smem:$0x3FAC] =	sst s7  }
0x10: {  	[smem:$0x3FAD] =	sst s8  }
0x11: {  	[smem:$0x3FAE] =	sst s9;
	s0 =	simm.s32 @!p0 $0x0  }
0x12: {  	s1 =	sld [smem:$0x3F94];
	s0 =	simm.s32 @p0 $0x1  }
0x13: {  	[smem:$0x3FAF] =	sst s0;
	s0 =	simm.s32 @!p1 $0x0  }
0x14: {  	s2 =	sld [smem:$0x3F93];
	s0 =	simm.s32 @p1 $0x1  }
0x15: {  	[smem:$0x3FB0] =	sst s0;
	s0 =	simm.s32 @!p2 $0x0  }
0x16: {  	s3 =	sld [smem:$0x3FDB];
	s0 =	simm.s32 @p2 $0x1  }
0x17: {  	s4 =	simm.s32 $0x1BF5;
	[smem:$0x3FB2] =	sst s0  }
0x18: {  	s0 =	sld [smem:$0x3F95];
	_ =	swait.ge [sflag:s4], $0x0  }
0x19: {  	s7 =	sld [smem:$0x3F96]  }
0x1a: {  	s8 =	sadd.s32 $0xFFFFE003, lr  }
0x1b: {  	s9 =	sadd.s32 $0xFFFFFEF7, lr;
	s5 =	simm.s32 $0xFFFFFFFF;
	p2 =	slt.u32 s8, $0xFFFFF086  }
0x1c: {  	p1 =	slt.u32 s9, $0xF7A;
	s5 =	simm.s32 @!p2 $0x0  }
0x1d: {  	s5 =	simm.s32 @p1 $0x1;
	p0 =	seq.s32 s7, s2  }
0x1e: {  	s7 =	smul.u32 @!p0 $0xF7A, s2;
	p2 =	seq.s32 @!p0 s5, $0x0  }
0x1f: {  	s9 =	smul.u32 $0xF7A, s1;
	s8 =	simm.s32 @!p0 $0x1BF5;
	p2 =	por !p2, p0  }
0x20: {  	[sflag:s8] =	ssyncset.s32 @!p0 $0xFFFFF086;
	s6 =	sadd.s32 @!p0 s3, s7;
	s7 =	simm.s32 @!p0 $0x108  }
0x21: {  	s3 =	sadd.s32 s3, s9;
	s6 =	sadd.s32 @!p0 $0x88, s6;
	s7 =	simm.s32 @p2 $0x1082  }
0x22: {  	[simem:s7], [sflag:s8] =	dma.local @!p0 [hbm:s6], $0xF7A  }
0x23: {  	s9 =	sor.u32 $0xD0000000, s2;
	s6 =	simm.s32 $0x108;
	_ =	swait.ge @!p0 [sflag:s8], $0x0  }
0x24: {  	s3 =	sadd.s32 $0x88, s3;
	s6 =	simm.s32 @!p1 $0x1082;
	[sflag:s4] =	ssyncset.s32 $0xFFFFF086  }
0x25: {  	[simem:s6], [sflag:s4] =	dma.local [hbm:s3], $0xF7A  }
0x26: {  	[smem:$0x3F96] =	sst s1;
	(tag) =	ssettag s2;
	_ =	strace s9  }
0x27: {  	s1 =	sld [smem:$0x3FA6]  }
0x28: {  	s2 =	sld [smem:$0x3FA7]  }
0x29: {  	s4 =	sld [smem:$0x3FA9]  }
0x2a: {  	p0 =	seq.s32 s5, $0x0;
	s5 =	sld [smem:$0x3FAA]  }
0x2b: {  	s6 =	sld [smem:$0x3FAB]  }
0x2c: {  	s7 =	sld [smem:$0x3FAC]  }
0x2d: {  	s3 =	simm.s32 $0x108;
	s8 =	sld [smem:$0x3FAD]  }
0x2e: {  	s3 =	simm.s32 @!p0 $0x1082;
	s9 =	sld [smem:$0x3FAE]  }
0x2f: {  	lr =	sadd.s32 s0, s3;
	s0 =	sld [smem:$0x3FA5]  }
0x30: {  	s3 =	sld [smem:$0x3FA8]  }
0x31: {  	[smem:$0x3FB1] =	sst s10  }
0x32: {  	s10 =	sld [smem:$0x3FAF];
	_ =	sdelay $0x3  }
0x33: {  	p0 =	seq.s32 s10, $0x1;
	s10 =	sld [smem:$0x3FB1];
	_ =	sdelay $0x3  }
0x34: {  	[smem:$0x3FB1] =	sst s10  }
0x35: {  	s10 =	sld [smem:$0x3FB0];
	_ =	sdelay $0x3  }
0x36: {  	p1 =	seq.s32 s10, $0x1;
	s10 =	sld [smem:$0x3FB1];
	_ =	sdelay $0x3  }
0x37: {  	[smem:$0x3FB1] =	sst s10  }
0x38: {  	s10 =	sld [smem:$0x3FB2]  }
0x39: {  	_ = 	snop;
	(pc) =	sbr.ind lr, $3  }
0x3a: {  	_ = 	snop  }
0x3b: {  	_ = 	snop  }
0x3c: {  	p2 =	seq.s32 s10, $0x1;
	s10 =	sld [smem:$0x3FB1]  }
0x3d: {  	_ =	shalt  }
0x3e: {  	_ =	shalt  }
0x3f: {  	_ =	shalt  }
0x40: {  	_ =	shalt  }
0x41: {  	_ =	shalt  }
0x42: {  	_ =	shalt  }
0x43: {  	_ =	shalt  }
0x44: {  	_ =	shalt  }
0x45: {  	_ =	shalt  }
0x46: {  	_ =	shalt  }
0x47: {  	_ =	shalt  }
0x48: {  	_ =	shalt  }
0x49: {  	_ =	shalt  }
0x4a: {  	_ =	shalt  }
0x4b: {  	_ =	shalt  }
0x4c: {  	_ =	shalt  }
0x4d: {  	_ =	shalt  }
0x4e: {  	_ =	shalt  }
0x4f: {  	_ =	shalt  }
0x50: {  	_ =	shalt  }
0x51: {  	_ =	shalt  }
0x52: {  	_ =	shalt  }
0x53: {  	_ =	shalt  }
0x54: {  	_ =	shalt  }
0x55: {  	_ =	shalt  }
0x56: {  	_ =	shalt  }
0x57: {  	_ =	shalt  }
0x58: {  	_ =	shalt  }
0x59: {  	_ =	shalt  }
0x5a: {  	_ =	shalt  }
0x5b: {  	_ =	shalt  }
0x5c: {  	_ =	shalt  }
0x5d: {  	_ =	shalt  }
0x5e: {  	_ =	shalt  }
0x5f: {  	_ =	shalt  }
0x60: {  	_ =	shalt  }
0x61: {  	_ =	shalt  }
0x62: {  	_ =	shalt  }
0x63: {  	_ =	shalt  }
0x64: {  	_ =	shalt  }
0x65: {  	_ =	shalt  }
0x66: {  	_ =	shalt  }
0x67: {  	_ =	shalt  }
0x68: {  	_ =	shalt  }
0x69: {  	_ =	shalt  }
0x6a: {  	_ =	shalt  }
0x6b: {  	_ =	shalt  }
0x6c: {  	_ =	shalt  }
0x6d: {  	_ =	shalt  }
0x6e: {  	_ =	shalt  }
0x6f: {  	_ =	shalt  }
0x70: {  	_ =	shalt  }
0x71: {  	_ =	shalt  }
0x72: {  	_ =	shalt  }
0x73: {  	_ =	shalt  }
0x74: {  	_ =	shalt  }
0x75: {  	_ =	shalt  }
0x76: {  	_ =	shalt  }
0x77: {  	_ =	shalt  }
0x78: {  	_ =	shalt  }
0x79: {  	_ =	shalt  }
0x7a: {  	_ =	shalt  }
0x7b: {  	_ =	shalt  }
0x7c: {  	_ =	shalt  }
0x7d: {  	_ =	shalt  }
0x7e: {  	_ =	shalt  }
0x7f: {  	_ =	shalt  }
0x80: {  	_ =	shalt  }
0x81: {  	_ =	shalt  }
0x82: {  	_ =	shalt  }
0x83: {  	_ =	shalt  }
0x84: {  	_ =	shalt  }
0x85: {  	_ =	shalt  }
0x86: {  	_ =	shalt  }
0x87: {  	_ =	shalt  }
.Lfunc_end0:
.L_simem_size_0:
called_computation.1_lowered:
.L_overlay_start_0:
0x88: {  	s2 =	sld [smem:$0x3FD9]  }
0x89: {  	s3 =	sld [smem:$0x3FFE];
	_ =	sdelay $0x1  }
0x8a: {  	s1 =	srdreg.scid  }
0x8b: {  	s0 =	sand.u32 $0x1, s1  }
0x8c: {  	s16 =	sshll.u32 s0, $0xA;
	s2 =	sadd.s32 s3, s2  }
0x8d: {  	s2 =	sadd.s32 s2, s16  }
0x8e: {  	[smem:$0x3FBD] =	sst s2  }
0x8f: {  	_ = 	snop  }
0x90: {  	(tm) =	ssettm $0x1  }
0x91: {  	s17 =	sld [smem:$0x3FFB];
	_ =	sdelay $0x3  }
0x92: {  	_ =	strace s17  }
0x93: {  	s2 =	sld [smem:$0x3FFC];
	_ =	sdelay $0x3  }
0x94: {  	_ =	strace s2  }
0x95: {  	s2 =	sld [smem:$0x3FFD];
	_ =	sdelay $0x3  }
0x96: {  	_ =	strace s2  }
0x97: {  	_ =	strace $0x8FFFFFFF  }
0x98: {  	s18 =	sld [smem:$0x3FDB];
	_ =	sdelay $0x1  }
0x99: {  	s19 =	simm.s32 $_scs_section_size  }
0x9a: {  	s4 =	simm.s32 $_size__tile_overlayer_lowered;
	s5 =	simm.s32 $_tile_overlayer_lowered  }
0x9b: {  	s22 =	simm.s32 $0x1BFF;
	s21 =	sshll.u32 s5, $0x1;
	s2 =	sadd.s32 s19, s18  }
0x9c: {  	s6 =	simm.s32 $0x0;
	s20 =	sshll.u32 s4, $0x1;
	s4 =	sadd.s32 s21, s2  }
0x9d: {  	[timem:s6], [sflag:s22] =	dma.local [hbm:s4], s20  }
0x9e: {  	_ =	swait.ge [sflag:s22], s20  }
0x9f: {  	s3 =	ssub.s32 $0x0, s20;
	[sflag:s22] =	ssyncset.done $0x0  }
0xa0: {  	[sflag:s22] =	ssyncadd.s32 s3;
	_ =	sdelay $0x1  }
0xa1: {  	s23 =	simm.s32 $0x1B8B  }
0xa2: {  	_ =	swait.ge [sflag:s23], $0x1  }
0xa3: {  	[sflag:s23] =	ssyncset.done $0x0  }
0xa4: {  	s25 =	simm.s32 $0x1B8E;
	s24 =	sld [smem:$0x3FFE];
	[sflag:s23] =	ssyncadd.s32 $0xFFFFFFFF  }
0xa5: {  	s26 =	simm.s32 $execute0_lowered;
	[smem:$0x3FD2] =	sst s25  }
0xa6: {  	s4 =	sshll.u32 s26, $0x1;
	_ =	strace $0x80000049;
	[dreg:$0x1] =	wrdreg $0xFFFFFFFF  }
0xa7: {  	s28 =	simm.s32 $_size_execute0_lowered;
	s2 =	sadd.s32 s2, s4;
	[dreg:$0x0] =	wrdreg $0x0  }
0xa8: {  	s4 =	sshll.u32 s28, $0x1;
	[dreg:$0x2] =	wrdreg s2  }
0xa9: {  	[dreg:$0x3] =	wrdreg s4  }
0xaa: {  	[dreg:$0x4] =	wrdreg $0xC0  }
0xab: {  	_ =	task [dreg:s6], $0x5FFFF  }
0xac: {  	[dreg:$0x1] =	wrdreg $0xFFFFFFFF  }
0xad: {  	[dreg:$0x0] =	wrdreg $0x60  }
0xae: {  	[dreg:$0x2] =	wrdreg s24  }
0xaf: {  	[dreg:$0x3] =	wrdreg $0xB8000  }
0xb0: {  	[dreg:$0x4] =	wrdreg $0x9  }
0xb1: {  	_ =	task.clear_ibuf [dreg:s6], $0x5FFFF;
	_ =	strace $0x90000049  }
0xb2: {  	s29 =	simm.s32 $0x9;
	_ =	strace $0x8000004B  }
0xb3: {  	_ =	swait.ge [sflag:s29], $0x1  }
0xb4: {  	[sflag:s29] =	ssyncadd.s32 $0xFFFFFFFF  }
0xb5: {  	_ =	strace $0x9000004B  }
0xb6: {  	_ =	sfence  }
0xb7: {  	s30 =	sld [smem:$0x0];
	_ =	sdelay $0x2  }
0xb8: {  	s31 =	sshll.u32 s1, $0xD;
	s1 =	sshrl.u32 s1, $0x2  }
0xb9: {  	s3 =	sand.u32 $0x4000, s31;
	s1 =	sadd.s32 s1, s30  }
0xba: {  	s0 =	sor.u32 s3, s0;
	s1 =	sshll.u32 s1, $0x11  }
0xbb: {  	s0 =	sor.u32 s1, s0  }
0xbc: {  	s0 =	sadd.s32 $0x8F2B, s0  }
0xbd: {  	[sflag:s0] =	ssyncadd.remote.s32 $0x1  }
0xbe: {  	_ =	sfence.sel $0xFFFF  }
0xbf: {  	[dreg:$0x0] =	wrdreg $0xFFFFFFFF;
	(pc) =	sbr.abs _section_cstart, $3  }
0xc0: {  	[dreg:$0x1] =	wrdreg $0xFFFFFFFF  }
0xc1: {  	_ =	task.clear_ibuf [dreg:s6], $0x2FFFF;
	_ =	strace $0x9FFFFFFF  }
0xc2: {  	(tm) =	ssettm $0x7FFFFFFF  }
0xc3: {  	_ =	shalt  }
tec
execute0_lowered:
.L_overlay_start_1:
0x0: {  	(tag) =	ssettag $0x1  }
0x1: {  	s5 =	rddreg [dreg:$0x0]  }
0x2: {  	s1 =	rddreg [dreg:$0x1]  }
0x3: {  	s2 =	srdreg.scid;
	s0 =	rddreg [dreg:$0x2];
	s3 =	simm.s32 $0x0  }
0x4: {  	s18 =	simm.s32 $0x9000;
	s19 =	simm.s32 $0x3;
	s20 =	simm.s32 $0x4000  }
0x5: {  	s21 =	simm.s32 $0x6800;
	s22 =	simm.s32 $0x1;
	s23 =	simm.s32 $0x50  }
0x6: {  	s24 =	simm.s32 $0x2;
	s6 =	sand.u32 $0x1, s2;
	s2 =	stileid.u32  }
0x7: {  	s25 =	simm.s32 $0x3E00;
	[smem:$0x7FF] =	sst s3;
	s7 =	smul.u32 $0x140000, s6  }
0x8: {  	s4 =	sadd.s32 $0x9E5C00, s5;
	s8 =	sshll.u32 s2, $0x1;
	s9 =	smul.u32 $0x14000, s2  }
0x9: {  	_ =	strace $0x8000004A;
	s29 =	smul.u32 $0x50000, s2;
	s8 =	sor.u32 s6, s8  }
0xa: {  	s6 =	ssub.s32 $0x2, s6;
	s10 =	sshll.u32 s8, $0xB;
	s7 =	sadd.s32 s9, s7  }
0xb: {  	s30 =	sshrl.u32 s6, $0x1;
	s31 =	sshrl.u32 s29, $0x2;
	s14 =	sadd.s32 s10, s5  }
0xc: {  	s7 =	sshrl.u32 s7, $0x3;
	s17 =	ssub.s32 s6, s30;
	s6 =	smul.u32 $0x138800, s8  }
0xd: {  	s16 =	sadd.s32 s7, s5;
	s5 =	sadd.s32 s31, s1;
	s14 =	sadd.s32 $0x1C00, s14  }
0xe: {  	s17 =	smax.u32 s17, $0x1;
	s7 =	sadd.s32 $0x2800, s5;
	s8 =	sadd.s32 $0x5000, s5  }
0xf: {  	s9 =	sadd.s32 $0x7800, s5;
	s10 =	sadd.s32 $0xA000, s5;
	s15 =	sshrl.u32 s6, $0x3  }
0x10: {  	s11 =	sadd.s32 $0xC800, s5;
	s12 =	sadd.s32 $0xF000, s5;
	s15 =	sadd.s32 s4, s15  }
0x11: {  	v0 =	vimm.f32 $0.0e+00;
	s13 =	sadd.s32 $0x11800, s5;
	s16 =	sadd.s32 $0x11C00, s16;
	s15 =	sadd.s32 $0x26C00, s15  }
.LBB2_1:
0x12: {  	s26 =	simm.s32 $0x0;
	s28 =	simm.s32 $0x200  }
.LBB2_2:
0x13: {  	p0 =	sne.s32 s28, $0x9E00;
	[tilespmem:s26+$0x9070] =	vst v0  }
0x14: {  	[tilespmem:s26+$0x9000] =	vst v0  }
0x15: {  	[tilespmem:s26+$0x9010] =	vst v0  }
.Ltmp0:
0x16: {  	[tilespmem:s26+$0x9020] =	vst v0;
	(pc) =	sbr.rel @p0 .LBB2_2-.Ltmp0, $4  }
0x17: {  	[tilespmem:s26+$0x9030] =	vst v0  }
0x18: {  	[tilespmem:s26+$0x9040] =	vst v0  }
0x19: {  	[tilespmem:s26+$0x9050] =	vst v0  }
0x1a: {  	[tilespmem:s26+$0x9060] =	vst v0;
	s26 =	sshra.s32 s28, $0x2;
	s28 =	sadd.s32 $0x200, s28  }
0x1b: {  	[tilespmem:s26+$0x9070] =	vst v0  }
0x1c: {  	[tilespmem:s26+$0x9000] =	vst v0  }
0x1d: {  	[tilespmem:s26+$0x9010] =	vst v0  }
0x1e: {  	[tilespmem:s26+$0x9020] =	vst v0  }
0x1f: {  	[tilespmem:s26+$0x9030] =	vst v0  }
0x20: {  	[tilespmem:s26+$0x9040] =	vst v0  }
0x21: {  	[tilespmem:s26+$0x9050] =	vst v0  }
0x22: {  	[tilespmem:s26+$0x9060] =	vst v0  }
0x23: {  	[spmem:s5] =	stream.linear.scatter [tilespmem:s18], [sflag:$0x3], $0x2800, $0x38;
	[tilespmem:$0x1F800] =	vst v63  }
0x24: {  	_ =	swait.ge [sflag:s19], $0x2800  }
0x25: {  	[sflag:s19] =	ssyncset.done $0x0  }
0x26: {  	[sflag:s19] =	ssyncadd.s32 $0xFFFFD800  }
0x27: {  	[spmem:s7] =	stream.linear.scatter [tilespmem:s18], [sflag:$0x3], $0x2800, $0x38;
	[tilespmem:$0x1F800] =	vst v63  }
0x28: {  	_ =	swait.ge [sflag:s19], $0x2800  }
0x29: {  	[sflag:s19] =	ssyncset.done $0x0  }
0x2a: {  	[sflag:s19] =	ssyncadd.s32 $0xFFFFD800  }
0x2b: {  	[spmem:s8] =	stream.linear.scatter [tilespmem:s18], [sflag:$0x3], $0x2800, $0x38;
	[tilespmem:$0x1F800] =	vst v63  }
0x2c: {  	_ =	swait.ge [sflag:s19], $0x2800  }
0x2d: {  	[sflag:s19] =	ssyncset.done $0x0  }
0x2e: {  	[sflag:s19] =	ssyncadd.s32 $0xFFFFD800  }
0x2f: {  	[spmem:s9] =	stream.linear.scatter [tilespmem:s18], [sflag:$0x3], $0x2800, $0x38;
	[tilespmem:$0x1F800] =	vst v63  }
0x30: {  	_ =	swait.ge [sflag:s19], $0x2800  }
0x31: {  	[sflag:s19] =	ssyncset.done $0x0  }
0x32: {  	[sflag:s19] =	ssyncadd.s32 $0xFFFFD800  }
0x33: {  	[spmem:s10] =	stream.linear.scatter [tilespmem:s18], [sflag:$0x3], $0x2800, $0x38;
	[tilespmem:$0x1F800] =	vst v63  }
0x34: {  	_ =	swait.ge [sflag:s19], $0x2800  }
0x35: {  	[sflag:s19] =	ssyncset.done $0x0  }
0x36: {  	[sflag:s19] =	ssyncadd.s32 $0xFFFFD800  }
0x37: {  	[spmem:s11] =	stream.linear.scatter [tilespmem:s18], [sflag:$0x3], $0x2800, $0x38;
	[tilespmem:$0x1F800] =	vst v63  }
0x38: {  	_ =	swait.ge [sflag:s19], $0x2800  }
0x39: {  	[sflag:s19] =	ssyncset.done $0x0  }
0x3a: {  	[sflag:s19] =	ssyncadd.s32 $0xFFFFD800  }
0x3b: {  	[spmem:s12] =	stream.linear.scatter [tilespmem:s18], [sflag:$0x3], $0x2800, $0x38;
	[tilespmem:$0x1F800] =	vst v63  }
0x3c: {  	_ =	swait.ge [sflag:s19], $0x2800  }
0x3d: {  	[sflag:s19] =	ssyncset.done $0x0  }
0x3e: {  	[sflag:s19] =	ssyncadd.s32 $0xFFFFD800  }
0x3f: {  	[spmem:s13] =	stream.linear.scatter [tilespmem:s18], [sflag:$0x3], $0x2800, $0x38;
	[tilespmem:$0x1F800] =	vst v63  }
0x40: {  	_ =	swait.ge [sflag:s19], $0x2800  }
0x41: {  	[sflag:s19] =	ssyncset.done $0x0  }
0x42: {  	s26 =	simm.s32 $0x0;
	[sflag:s19] =	ssyncadd.s32 $0xFFFFD800  }
0x43: {  	[tilespmem:s26], [sflag:$0x3] =	stream.linear.gather [hbm4b:s14+s26], $0x3E80, $0x38;
	[tilespmem:$0x1F800] =	vst v63  }
0x44: {  	_ =	swait.ge [sflag:s19], $0x3E80  }
0x45: {  	[sflag:s19] =	ssyncset.done $0x0  }
0x46: {  	[sflag:s19] =	ssyncadd.s32 $0xFFFFC180  }
0x47: {  	s28 =	simm.s32 $0x0;
	[bflag:$0x0] =	sbarrier.arrive $0xFFFF  }
.LBB2_4:
0x48: {  	s29 =	smul.u32 $0x5000, s28;
	_ =	sdelay $0x1  }
0x49: {  	s30 =	sadd.s32 s6, s29  }
0x4a: {  	s29 =	sshllo.u32 s28, $0x1;
	s30 =	sshrl.u32 s30, $0x3  }
0x4b: {  	s31 =	smul.u32 $0x2800, s29;
	s30 =	sadd.s32 s4, s30  }
0x4c: {  	[tilespmem:s20], [sflag:$0x1] =	stream.linear.gather [hbm4b:s30+s26], $0x2800, $0x38;
	[tilespmem:$0x1F800] =	vst v63  }
0x4d: {  	s30 =	sadd.s32 s6, s31  }
0x4e: {  	s30 =	sshrl.u32 s30, $0x3  }
0x4f: {  	s30 =	sadd.s32 s4, s30  }
0x50: {  	[tilespmem:s21], [sflag:$0x2] =	stream.linear.gather [hbm4b:s30+s26], $0x2800, $0x38;
	[tilespmem:$0x1F800] =	vst v63  }
0x51: {  	_ =	swait.ge [sflag:s22], $0x2800  }
0x52: {  	[sflag:s22] =	ssyncset.done $0x0  }
0x53: {  	s30 =	simm.s32 $0x0;
	[sflag:s22] =	ssyncadd.s32 $0xFFFFD800  }
0x54: {  	s31 =	simm.s32 $0x200;
	v1 =	vld [tilespmem:s30+$0x4000]  }
.LBB2_5:
0x55: {  	p0 =	sne.s32 s31, $0x9E00  }
.Ltmp1:
0x56: {  	_ = 	snop;
	(pc) =	sbr.rel @p0 .LBB2_5-.Ltmp1, $3  }
0x57: {  	_ =	sdelay $0x1  }
0x58: {  	[tilespmem:s30+$0x9000] =	vst v1;
	s30 =	sshra.s32 s31, $0x2;
	s31 =	sadd.s32 $0x200, s31  }
0x59: {  	v1 =	vld [tilespmem:s30+$0x4000]  }
0x5a: {  	_ =	sdelay $0x2  }
0x5b: {  	s31 =	sshll.u32 s28, $0x8  }
0x5c: {  	[tilespmem:s30+$0x9000] =	vst v1;
	s30 =	sand.u32 $0x3FFFFF00, s31  }
0x5d: {  	[spmem:s1] =	stream.indirect.scatter.add.f32 [tilespmem:s18], [sflag:$0x3], $0x80, s30, s23, $0xb8;
	[tilespmem:$0x1F800] =	vst v63  }
0x5e: {  	_ =	swait.ge [sflag:s19], $0x2800  }
0x5f: {  	[sflag:s19] =	ssyncset.done $0x0  }
0x60: {  	[sflag:s19] =	ssyncadd.s32 $0xFFFFD800  }
0x61: {  	_ =	swait.ge [sflag:s24], $0x2800  }
0x62: {  	[sflag:s24] =	ssyncset.done $0x0  }
0x63: {  	s30 =	simm.s32 $0x0;
	[sflag:s24] =	ssyncadd.s32 $0xFFFFD800  }
0x64: {  	s31 =	simm.s32 $0x200;
	v1 =	vld [tilespmem:s30+$0x6800]  }
.LBB2_7:
0x65: {  	p0 =	sne.s32 s31, $0x9E00  }
.Ltmp2:
0x66: {  	_ = 	snop;
	(pc) =	sbr.rel @p0 .LBB2_7-.Ltmp2, $3  }
0x67: {  	_ =	sdelay $0x1  }
0x68: {  	[tilespmem:s30+$0x9000] =	vst v1;
	s30 =	sshra.s32 s31, $0x2;
	s31 =	sadd.s32 $0x200, s31  }
0x69: {  	v1 =	vld [tilespmem:s30+$0x6800]  }
0x6a: {  	_ =	sdelay $0x1  }
0x6b: {  	s28 =	sadd.s32 $0x1, s28  }
0x6c: {  	s29 =	sshll.u32 s29, $0x7;
	p0 =	sne.s32 s28, $0x3E  }
.Ltmp3:
0x6d: {  	s29 =	sand.u32 $0x3FFFFF80, s29;
	[tilespmem:s30+$0x9000] =	vst v1;
	(pc) =	sbr.rel @p0 .LBB2_4-.Ltmp3, $4  }
0x6e: {  	[spmem:s1] =	stream.indirect.scatter.add.f32 [tilespmem:s18], [sflag:$0x3], $0x80, s29, s23, $0xb8;
	[tilespmem:$0x1F800] =	vst v63  }
0x6f: {  	_ =	swait.ge [sflag:s19], $0x2800  }
0x70: {  	[sflag:s19] =	ssyncset.done $0x0  }
0x71: {  	[sflag:s19] =	ssyncadd.s32 $0xFFFFD800  }
0x72: {  	s26 =	simm.s32 $0x0  }
0x73: {  	[tilespmem:s20], [sflag:$0x1] =	stream.linear.gather [hbm4b:s15+s26], $0x2800, $0x38;
	[tilespmem:$0x1F800] =	vst v63  }
0x74: {  	_ =	swait.ge [sflag:s22], $0x2800  }
0x75: {  	[sflag:s22] =	ssyncset.done $0x0  }
0x76: {  	s26 =	simm.s32 $0x0;
	[sflag:s22] =	ssyncadd.s32 $0xFFFFD800  }
0x77: {  	s28 =	simm.s32 $0x200;
	v1 =	vld [tilespmem:s26+$0x4000]  }
.LBB2_10:
0x78: {  	p0 =	sne.s32 s28, $0x9E00  }
.Ltmp4:
0x79: {  	_ = 	snop;
	(pc) =	sbr.rel @p0 .LBB2_10-.Ltmp4, $3  }
0x7a: {  	_ =	sdelay $0x1  }
0x7b: {  	[tilespmem:s26+$0x9000] =	vst v1;
	s26 =	sshra.s32 s28, $0x2;
	s28 =	sadd.s32 $0x200, s28  }
0x7c: {  	v1 =	vld [tilespmem:s26+$0x4000]  }
0x7d: {  	_ =	sdelay $0x3  }
0x7e: {  	[tilespmem:s26+$0x9000] =	vst v1  }
0x7f: {  	[spmem:s1] =	stream.indirect.scatter.add.f32 [tilespmem:s18], [sflag:$0x3], $0x80, s25, s23, $0xb8;
	[tilespmem:$0x1F800] =	vst v63  }
0x80: {  	_ =	swait.ge [sflag:s19], $0x2800  }
0x81: {  	s31 =	sshll.u32 s2, $0x6;
	s3 =	sadd.s32 $0x1, s3;
	[sflag:s19] =	ssyncset.done $0x0  }
0x82: {  	s28 =	sshrl.u32 s5, $0x3;
	p0 =	sne.s32 s3, s17;
	[sflag:s19] =	ssyncadd.s32 $0xFFFFD800  }
.Ltmp5:
0x83: {  	s26 =	sor.u32 $0x1C03, s31;
	[bflag:$0x0] =	sbarrier.arrive $0xFFFF;
	(pc) =	sbr.rel @p0 .LBB2_1-.Ltmp5, $4  }
0x84: {  	[hbm:s16], [sflag:s26] =	dma.local [spmem:s28], $0x2800  }
0x85: {  	_ =	swait.ge [sflag:s19], $0x2800  }
0x86: {  	[sflag:s19] =	ssyncset.done $0x0  }
0x87: {  	[sflag:s19] =	ssyncadd.s32 $0xFFFFD800  }
0x88: {  	_ =	sfence.sel $0x180000  }
0x89: {  	[bflag:$0x0] =	sbarrier.arrive $0xFFFF  }
0x8a: {  	p0 =	sne.s32 s2, $0x0;
	_ =	strace $0x9000004A  }
0x8b: {  	s0 =	sadd.s32 @!p0 $0x100000, s0;
	[bflag:$0x2] =	sbarrier.arrive $0xFFFF  }
0x8c: {  	[sflag:s0] =	ssyncadd.tile.s32 @!p0 $0x1;
	_ =	shalt  }
.Lfunc_end2:
_tile_overlayer_lowered:
.L_overlay_start_2:
0x8d: {  	(tag) =	ssettag $0x2  }
0x8e: {  	s0 =	rddreg [dreg:$0x0];
	s2 =	stileid.u32  }
0x8f: {  	s1 =	rddreg [dreg:$0x1];
	p0 =	sne.s32 s2, $0x0  }
0x90: {  	s3 =	rddreg [dreg:$0x2];
	[bflag:$0x3] =	sbarrier.arrive $0xFFFF;
	s2 =	simm.s32 @!p0 $0x1C03  }
0x91: {  	[timem:s3], [sflag:s2] =	dma.local @!p0 [hbm:s0], s1  }
0x92: {  	s0 =	simm.s32 @!p0 $0x3  }
0x93: {  	_ =	swait.ge @!p0 [sflag:s0], s1  }
0x94: {  	s1 =	ssub.s32 @!p0 $0x0, s1;
	[sflag:s0] =	ssyncset.done @!p0 $0x0  }
0x95: {  	[sflag:s0] =	ssyncadd.s32 @!p0 s1  }
0x96: {  	[bflag:$0x3] =	sbarrier.arrive $0xFFFF  }
0x97: {  	_ =	shalt  }

// kernel: kernel.7.cloned.1.call-start
scs
__scs_entry_jumppad:
0x0: {  	(pc) =	sbr.rel $0x88, $3  }
0x1: {  	(tag) =	ssettag $0x0;
	lr =	simm.s32 $0x1  }
0x2: {  	[smem:$0x3F96] =	sst lr;
	_ =	strace $0xD0000000  }
0x3: {  	_ = 	snop  }
0x4: {  	_ = 	snop  }
0x5: {  	_ = 	snop  }
0x6: {  	_ = 	snop  }
0x7: {  	_ = 	snop  }
__scs_overlays_trampoline_lowered:
0x8: {  	[smem:$0x3FA5] =	sst s0  }
0x9: {  	[smem:$0x3FA6] =	sst s1  }
0xa: {  	[smem:$0x3FA7] =	sst s2  }
0xb: {  	[smem:$0x3FA8] =	sst s3  }
0xc: {  	[smem:$0x3FA9] =	sst s4  }
0xd: {  	[smem:$0x3FAA] =	sst s5  }
0xe: {  	[smem:$0x3FAB] =	sst s6  }
0xf: {  	[smem:$0x3FAC] =	sst s7  }
0x10: {  	[smem:$0x3FAD] =	sst s8  }
0x11: {  	[smem:$0x3FAE] =	sst s9;
	s0 =	simm.s32 @!p0 $0x0  }
0x12: {  	s1 =	sld [smem:$0x3F94];
	s0 =	simm.s32 @p0 $0x1  }
0x13: {  	[smem:$0x3FAF] =	sst s0;
	s0 =	simm.s32 @!p1 $0x0  }
0x14: {  	s2 =	sld [smem:$0x3F93];
	s0 =	simm.s32 @p1 $0x1  }
0x15: {  	[smem:$0x3FB0] =	sst s0;
	s0 =	simm.s32 @!p2 $0x0  }
0x16: {  	s3 =	sld [smem:$0x3FDB];
	s0 =	simm.s32 @p2 $0x1  }
0x17: {  	s4 =	simm.s32 $0x1BF5;
	[smem:$0x3FB2] =	sst s0  }
0x18: {  	s0 =	sld [smem:$0x3F95];
	_ =	swait.ge [sflag:s4], $0x0  }
0x19: {  	s7 =	sld [smem:$0x3F96]  }
0x1a: {  	s8 =	sadd.s32 $0xFFFFE003, lr  }
0x1b: {  	s9 =	sadd.s32 $0xFFFFFEF7, lr;
	s5 =	simm.s32 $0xFFFFFFFF;
	p2 =	slt.u32 s8, $0xFFFFF086  }
0x1c: {  	p1 =	slt.u32 s9, $0xF7A;
	s5 =	simm.s32 @!p2 $0x0  }
0x1d: {  	s5 =	simm.s32 @p1 $0x1;
	p0 =	seq.s32 s7, s2  }
0x1e: {  	s7 =	smul.u32 @!p0 $0xF7A, s2;
	p2 =	seq.s32 @!p0 s5, $0x0  }
0x1f: {  	s9 =	smul.u32 $0xF7A, s1;
	s8 =	simm.s32 @!p0 $0x1BF5;
	p2 =	por !p2, p0  }
0x20: {  	[sflag:s8] =	ssyncset.s32 @!p0 $0xFFFFF086;
	s6 =	sadd.s32 @!p0 s3, s7;
	s7 =	simm.s32 @!p0 $0x108  }
0x21: {  	s3 =	sadd.s32 s3, s9;
	s6 =	sadd.s32 @!p0 $0x88, s6;
	s7 =	simm.s32 @p2 $0x1082  }
0x22: {  	[simem:s7], [sflag:s8] =	dma.local @!p0 [hbm:s6], $0xF7A  }
0x23: {  	s9 =	sor.u32 $0xD0000000, s2;
	s6 =	simm.s32 $0x108;
	_ =	swait.ge @!p0 [sflag:s8], $0x0  }
0x24: {  	s3 =	sadd.s32 $0x88, s3;
	s6 =	simm.s32 @!p1 $0x1082;
	[sflag:s4] =	ssyncset.s32 $0xFFFFF086  }
0x25: {  	[simem:s6], [sflag:s4] =	dma.local [hbm:s3], $0xF7A  }
0x26: {  	[smem:$0x3F96] =	sst s1;
	(tag) =	ssettag s2;
	_ =	strace s9  }
0x27: {  	s1 =	sld [smem:$0x3FA6]  }
0x28: {  	s2 =	sld [smem:$0x3FA7]  }
0x29: {  	s4 =	sld [smem:$0x3FA9]  }
0x2a: {  	p0 =	seq.s32 s5, $0x0;
	s5 =	sld [smem:$0x3FAA]  }
0x2b: {  	s6 =	sld [smem:$0x3FAB]  }
0x2c: {  	s7 =	sld [smem:$0x3FAC]  }
0x2d: {  	s3 =	simm.s32 $0x108;
	s8 =	sld [smem:$0x3FAD]  }
0x2e: {  	s3 =	simm.s32 @!p0 $0x1082;
	s9 =	sld [smem:$0x3FAE]  }
0x2f: {  	lr =	sadd.s32 s0, s3;
	s0 =	sld [smem:$0x3FA5]  }
0x30: {  	s3 =	sld [smem:$0x3FA8]  }
0x31: {  	[smem:$0x3FB1] =	sst s10  }
0x32: {  	s10 =	sld [smem:$0x3FAF];
	_ =	sdelay $0x3  }
0x33: {  	p0 =	seq.s32 s10, $0x1;
	s10 =	sld [smem:$0x3FB1];
	_ =	sdelay $0x3  }
0x34: {  	[smem:$0x3FB1] =	sst s10  }
0x35: {  	s10 =	sld [smem:$0x3FB0];
	_ =	sdelay $0x3  }
0x36: {  	p1 =	seq.s32 s10, $0x1;
	s10 =	sld [smem:$0x3FB1];
	_ =	sdelay $0x3  }
0x37: {  	[smem:$0x3FB1] =	sst s10  }
0x38: {  	s10 =	sld [smem:$0x3FB2]  }
0x39: {  	_ = 	snop;
	(pc) =	sbr.ind lr, $3  }
0x3a: {  	_ = 	snop  }
0x3b: {  	_ = 	snop  }
0x3c: {  	p2 =	seq.s32 s10, $0x1;
	s10 =	sld [smem:$0x3FB1]  }
0x3d: {  	_ =	shalt  }
0x3e: {  	_ =	shalt  }
0x3f: {  	_ =	shalt  }
0x40: {  	_ =	shalt  }
0x41: {  	_ =	shalt  }
0x42: {  	_ =	shalt  }
0x43: {  	_ =	shalt  }
0x44: {  	_ =	shalt  }
0x45: {  	_ =	shalt  }
0x46: {  	_ =	shalt  }
0x47: {  	_ =	shalt  }
0x48: {  	_ =	shalt  }
0x49: {  	_ =	shalt  }
0x4a: {  	_ =	shalt  }
0x4b: {  	_ =	shalt  }
0x4c: {  	_ =	shalt  }
0x4d: {  	_ =	shalt  }
0x4e: {  	_ =	shalt  }
0x4f: {  	_ =	shalt  }
0x50: {  	_ =	shalt  }
0x51: {  	_ =	shalt  }
0x52: {  	_ =	shalt  }
0x53: {  	_ =	shalt  }
0x54: {  	_ =	shalt  }
0x55: {  	_ =	shalt  }
0x56: {  	_ =	shalt  }
0x57: {  	_ =	shalt  }
0x58: {  	_ =	shalt  }
0x59: {  	_ =	shalt  }
0x5a: {  	_ =	shalt  }
0x5b: {  	_ =	shalt  }
0x5c: {  	_ =	shalt  }
0x5d: {  	_ =	shalt  }
0x5e: {  	_ =	shalt  }
0x5f: {  	_ =	shalt  }
0x60: {  	_ =	shalt  }
0x61: {  	_ =	shalt  }
0x62: {  	_ =	shalt  }
0x63: {  	_ =	shalt  }
0x64: {  	_ =	shalt  }
0x65: {  	_ =	shalt  }
0x66: {  	_ =	shalt  }
0x67: {  	_ =	shalt  }
0x68: {  	_ =	shalt  }
0x69: {  	_ =	shalt  }
0x6a: {  	_ =	shalt  }
0x6b: {  	_ =	shalt  }
0x6c: {  	_ =	shalt  }
0x6d: {  	_ =	shalt  }
0x6e: {  	_ =	shalt  }
0x6f: {  	_ =	shalt  }
0x70: {  	_ =	shalt  }
0x71: {  	_ =	shalt  }
0x72: {  	_ =	shalt  }
0x73: {  	_ =	shalt  }
0x74: {  	_ =	shalt  }
0x75: {  	_ =	shalt  }
0x76: {  	_ =	shalt  }
0x77: {  	_ =	shalt  }
0x78: {  	_ =	shalt  }
0x79: {  	_ =	shalt  }
0x7a: {  	_ =	shalt  }
0x7b: {  	_ =	shalt  }
0x7c: {  	_ =	shalt  }
0x7d: {  	_ =	shalt  }
0x7e: {  	_ =	shalt  }
0x7f: {  	_ =	shalt  }
0x80: {  	_ =	shalt  }
0x81: {  	_ =	shalt  }
0x82: {  	_ =	shalt  }
0x83: {  	_ =	shalt  }
0x84: {  	_ =	shalt  }
0x85: {  	_ =	shalt  }
0x86: {  	_ =	shalt  }
0x87: {  	_ =	shalt  }
.Lfunc_end0:
.L_simem_size_0:
called_computation_lowered:
.L_overlay_start_0:
0x88: {  	s2 =	sld [smem:$0x3FD9]  }
0x89: {  	s3 =	sld [smem:$0x3FFE];
	_ =	sdelay $0x1  }
0x8a: {  	s1 =	srdreg.scid  }
0x8b: {  	s0 =	sand.u32 $0x1, s1  }
0x8c: {  	s14 =	sshll.u32 s0, $0xA;
	s2 =	sadd.s32 s3, s2  }
0x8d: {  	s2 =	sadd.s32 s2, s14  }
0x8e: {  	[smem:$0x3FBD] =	sst s2  }
0x8f: {  	_ = 	snop  }
0x90: {  	s2 =	sld [smem:$0x3FD0];
	_ =	sdelay $0x2  }
0x91: {  	s15 =	simm.s32 $0xA;
	s4 =	simm.s32 $0x10  }
0x92: {  	[smem:s4], [sflag:s15] =	dma.local [hbm:s2], $0x1  }
0x93: {  	_ =	swait.eq [sflag:s15], $0x1  }
0x94: {  	[sflag:s15] =	ssyncset.done $0x0  }
0x95: {  	s16 =	sld [smem:$0x10];
	[sflag:s15] =	ssyncadd.s32 $0xFFFFFFFF  }
0x96: {  	s17 =	sld [smem:$0x11];
	(tm) =	ssettm $0x1  }
0x97: {  	s18 =	sld [smem:$0x3FFB];
	_ =	sdelay $0x3  }
0x98: {  	_ =	strace s18  }
0x99: {  	s4 =	sld [smem:$0x3FFC];
	_ =	sdelay $0x3  }
0x9a: {  	_ =	strace s4  }
0x9b: {  	s4 =	sld [smem:$0x3FFD];
	_ =	sdelay $0x3  }
0x9c: {  	_ =	strace s4  }
0x9d: {  	_ =	strace $0x8FFFFFFF  }
0x9e: {  	s19 =	sld [smem:$0x3FDB];
	_ =	sdelay $0x1  }
0x9f: {  	s5 =	simm.s32 $_scs_section_size  }
0xa0: {  	s6 =	simm.s32 $_size__tile_overlayer_lowered;
	s7 =	simm.s32 $_tile_overlayer_lowered  }
0xa1: {  	s22 =	simm.s32 $0x1BFF;
	s21 =	sshll.u32 s7, $0x1;
	s4 =	sadd.s32 s5, s19  }
0xa2: {  	s8 =	simm.s32 $0x0;
	s20 =	sshll.u32 s6, $0x1;
	s6 =	sadd.s32 s21, s4  }
0xa3: {  	[timem:s8], [sflag:s22] =	dma.local [hbm:s6], s20  }
0xa4: {  	_ =	swait.ge [sflag:s22], s20  }
0xa5: {  	s5 =	ssub.s32 $0x0, s20;
	[sflag:s22] =	ssyncset.done $0x0  }
0xa6: {  	[sflag:s22] =	ssyncadd.s32 s5;
	_ =	sdelay $0x1  }
0xa7: {  	s23 =	simm.s32 $0x1B8B  }
0xa8: {  	_ =	swait.ge [sflag:s23], $0x1  }
0xa9: {  	[sflag:s23] =	ssyncset.done $0x0  }
0xaa: {  	s25 =	simm.s32 $0x1B8E;
	s24 =	sld [smem:$0x3FFE];
	[sflag:s23] =	ssyncadd.s32 $0xFFFFFFFF  }
0xab: {  	s26 =	simm.s32 $execute0_lowered;
	[smem:$0x3FD2] =	sst s25  }
0xac: {  	s6 =	sshll.u32 s26, $0x1;
	_ =	strace $0x80000046;
	[dreg:$0x1] =	wrdreg $0xFFFFFFFF  }
0xad: {  	s28 =	simm.s32 $_size_execute0_lowered;
	s4 =	sadd.s32 s4, s6;
	[dreg:$0x0] =	wrdreg $0x0  }
0xae: {  	s6 =	sshll.u32 s28, $0x1;
	[dreg:$0x2] =	wrdreg s4  }
0xaf: {  	[dreg:$0x3] =	wrdreg s6  }
0xb0: {  	[dreg:$0x4] =	wrdreg $0xC0  }
0xb1: {  	_ =	task [dreg:s8], $0x5FFFF  }
0xb2: {  	[dreg:$0x1] =	wrdreg $0xFFFFFFFF  }
0xb3: {  	[dreg:$0x0] =	wrdreg $0x60  }
0xb4: {  	[dreg:$0x2] =	wrdreg s16  }
0xb5: {  	[dreg:$0x3] =	wrdreg s17  }
0xb6: {  	[dreg:$0x4] =	wrdreg s24  }
0xb7: {  	[dreg:$0x5] =	wrdreg $0x9  }
0xb8: {  	_ =	task.clear_ibuf [dreg:s8], $0x6FFFF;
	_ =	strace $0x90000046  }
0xb9: {  	s29 =	simm.s32 $0x9;
	_ =	strace $0x80000048  }
0xba: {  	_ =	swait.ge [sflag:s29], $0x1  }
0xbb: {  	[sflag:s29] =	ssyncadd.s32 $0xFFFFFFFF  }
0xbc: {  	_ =	strace $0x90000048  }
0xbd: {  	_ =	sfence  }
0xbe: {  	s30 =	sld [smem:$0x0];
	_ =	sdelay $0x2  }
0xbf: {  	s31 =	sshll.u32 s1, $0xD;
	s1 =	sshrl.u32 s1, $0x2  }
0xc0: {  	s3 =	sand.u32 $0x4000, s31;
	s1 =	sadd.s32 s1, s30  }
0xc1: {  	s0 =	sor.u32 s3, s0;
	s1 =	sshll.u32 s1, $0x11  }
0xc2: {  	s0 =	sor.u32 s1, s0  }
0xc3: {  	s0 =	sadd.s32 $0x8F2B, s0  }
0xc4: {  	[sflag:s0] =	ssyncadd.remote.s32 $0x1  }
0xc5: {  	_ =	sfence.sel $0xFFFF  }
0xc6: {  	[dreg:$0x0] =	wrdreg $0xFFFFFFFF;
	(pc) =	sbr.abs _section_cstart, $3  }
0xc7: {  	[dreg:$0x1] =	wrdreg $0xFFFFFFFF  }
0xc8: {  	_ =	task.clear_ibuf [dreg:s8], $0x2FFFF;
	_ =	strace $0x9FFFFFFF  }
0xc9: {  	(tm) =	ssettm $0x7FFFFFFF  }
tec
execute0_lowered:
.L_overlay_start_1:
0x0: {  	(tag) =	ssettag $0x1  }
0x1: {  	s1 =	rddreg [dreg:$0x0]  }
0x2: {  	s3 =	rddreg [dreg:$0x1];
	s0 =	srdreg.scid  }
0x3: {  	s4 =	stileid.u32;
	s2 =	rddreg [dreg:$0x2]  }
0x4: {  	s13 =	simm.s32 $0x50;
	s14 =	simm.s32 $0x8000;
	s15 =	simm.s32 $0xA800  }
0x5: {  	s16 =	simm.s32 $0xD000;
	s18 =	simm.s32 $0x12000;
	s20 =	simm.s32 $0x17000  }
0x6: {  	s21 =	simm.s32 $0x19800;
	s22 =	simm.s32 $0x1;
	s28 =	simm.s32 $0x6  }
0x7: {  	s29 =	simm.s32 $0x7;
	s30 =	simm.s32 $0x8;
	s31 =	simm.s32 $0x9  }
0x8: {  	s12 =	simm.s32 $0xC;
	s0 =	sand.u32 $0x1, s0;
	s5 =	sshll.u32 s4, $0x1  }
0x9: {  	s9 =	simm.s32 $0x0;
	s4 =	simm.s32 $0x0;
	s6 =	sor.u32 s0, s5  }
0xa: {  	[smem:$0x7FF] =	sst s4;
	s0 =	ssub.s32 $0x2, s0;
	s5 =	sshll.u32 s6, $0xB  }
0xb: {  	s7 =	smul.u32 $0x138800, s6;
	_ =	strace $0x80000047;
	s23 =	sshrl.u32 s0, $0x1  }
0xc: {  	s8 =	sadd.s32 s5, s2;
	s5 =	sadd.s32 $0x21C00, s2;
	s0 =	ssub.s32 s0, s23  }
0xd: {  	s23 =	simm.s32 $0x2;
	s7 =	sshrl.u32 s7, $0x3;
	s24 =	sadd.s32 $0x1C00, s8  }
0xe: {  	s26 =	sadd.s32 $0x11C00, s8;
	s8 =	smul.u32 $0x2710, s6;
	[dreg:$0x4] =	wrdreg s24  }
0xf: {  	s0 =	smax.u32 s0, $0x1;
	s25 =	sadd.s32 s5, s7;
	[dreg:$0x5] =	wrdreg s26  }
0x10: {  	[dreg:$0x7] =	wrdreg s0;
	s7 =	simm.s32 $0xD;
	s24 =	simm.s32 $0x3  }
0x11: {  	s26 =	simm.s32 $0x5;
	s0 =	simm.s32 $0xB;
	s2 =	sadd.s32 $0x26C00, s25  }
0x12: {  	s25 =	simm.s32 $0x4;
	[dreg:$0x6] =	wrdreg s2;
	s2 =	simm.s32 $0xA  }
.LBB2_1:
0x13: {  	[dreg:$0x8] =	wrdreg s9  }
0x14: {  	s6 =	rddreg [dreg:$0x4]  }
0x15: {  	[tilespmem:s4], [sflag:$0xD] =	stream.linear.gather [hbm4b:s6+s4], $0x3E80, $0x38;
	[tilespmem:$0x1C000] =	vst v63  }
0x16: {  	_ =	swait.ge [sflag:s7], $0x3E80  }
0x17: {  	[sflag:s7] =	ssyncset.done $0x0  }
0x18: {  	s19 =	simm.s32 $0x4000;
	s17 =	rddreg [dreg:$0x5];
	[sflag:s7] =	ssyncadd.s32 $0xFFFFC180  }
0x19: {  	[tilespmem:s19], [sflag:$0xD] =	stream.linear.gather [hbm4b:s17+s4], $0x3E80, $0x38;
	[tilespmem:$0x1C000] =	vst v63  }
0x1a: {  	_ =	swait.ge [sflag:s7], $0x3E80  }
0x1b: {  	[sflag:s7] =	ssyncset.done $0x0  }
0x1c: {  	[sflag:s7] =	ssyncadd.s32 $0xFFFFC180;
	s7 =	simm.s32 $0x0  }
.LBB2_2:
0x1d: {  	s6 =	sshll.u32 s7, $0x9;
	s9 =	sshll.u32 s7, $0x2  }
0x1e: {  	[tilespmem:s14], [sflag:$0x1] =	stream.indirect.gather [hbm4b:s1+s13], $0x80, s6, s13, $0xb8;
	[tilespmem:$0x1C000] =	vst v63  }
0x1f: {  	s6 =	sadd.s32 $0x4000, s6;
	s11 =	sor.u32 $0x1, s9  }
0x20: {  	[tilespmem:s15], [sflag:$0x2] =	stream.indirect.gather [hbm4b:s3+s13], $0x80, s6, s13, $0xb8;
	[tilespmem:$0x1C000] =	vst v63  }
0x21: {  	s19 =	sshll.u32 s11, $0x7  }
0x22: {  	[tilespmem:s16], [sflag:$0x3] =	stream.indirect.gather [hbm4b:s1+s13], $0x80, s19, s13, $0xb8;
	[tilespmem:$0x1C000] =	vst v63  }
0x23: {  	s10 =	simm.s32 $0xF800;
	s6 =	sadd.s32 $0x4000, s19  }
0x24: {  	[tilespmem:s10], [sflag:$0x4] =	stream.indirect.gather [hbm4b:s3+s13], $0x80, s6, s13, $0xb8;
	[tilespmem:$0x1C000] =	vst v63  }
0x25: {  	s10 =	sor.u32 $0x2, s9  }
0x26: {  	s9 =	sshll.u32 s10, $0x7  }
0x27: {  	[tilespmem:s18], [sflag:$0x5] =	stream.indirect.gather [hbm4b:s1+s13], $0x80, s9, s13, $0xb8;
	[tilespmem:$0x1C000] =	vst v63  }
0x28: {  	s17 =	simm.s32 $0x14800;
	s6 =	sadd.s32 $0x4000, s9;
	s9 =	sshllo.u32 s7, $0x2  }
0x29: {  	[tilespmem:s17], [sflag:$0x6] =	stream.indirect.gather [hbm4b:s3+s13], $0x80, s6, s13, $0xb8;
	[tilespmem:$0x1C000] =	vst v63  }
0x2a: {  	s19 =	sshll.u32 s9, $0x7  }
0x2b: {  	[tilespmem:s20], [sflag:$0x7] =	stream.indirect.gather [hbm4b:s1+s13], $0x80, s19, s13, $0xb8;
	[tilespmem:$0x1C000] =	vst v63  }
0x2c: {  	s6 =	sadd.s32 $0x4000, s19  }
0x2d: {  	[tilespmem:s21], [sflag:$0x8] =	stream.indirect.gather [hbm4b:s3+s13], $0x80, s6, s13, $0xb8;
	[tilespmem:$0x1C000] =	vst v63  }
0x2e: {  	_ =	swait.ge [sflag:s22], $0x2800  }
0x2f: {  	[sflag:s22] =	ssyncset.done $0x0  }
0x30: {  	[sflag:s22] =	ssyncadd.s32 $0xFFFFD800  }
0x31: {  	_ =	swait.ge [sflag:s23], $0x2800  }
0x32: {  	[sflag:s23] =	ssyncset.done $0x0  }
0x33: {  	s6 =	simm.s32 $0x0;
	[sflag:s23] =	ssyncadd.s32 $0xFFFFD800  }
0x34: {  	v6 =	vld [tilespmem:s6+$0xA800]  }
0x35: {  	v11 =	vld [tilespmem:s6+$0xA810]  }
0x36: {  	v5 =	vld [tilespmem:s6+$0xA820]  }
0x37: {  	v4 =	vld [tilespmem:s6+$0xA830]  }
0x38: {  	v3 =	vld [tilespmem:s6+$0xA840]  }
0x39: {  	v2 =	vld [tilespmem:s6+$0xA850]  }
0x3a: {  	v1 =	vld [tilespmem:s6+$0xA860]  }
0x3b: {  	v0 =	vld [tilespmem:s6+$0xA870]  }
0x3c: {  	v12 =	vld [tilespmem:s6+$0x8000]  }
0x3d: {  	v13 =	vld [tilespmem:s6+$0x8010]  }
0x3e: {  	v10 =	vld [tilespmem:s6+$0x8020]  }
0x3f: {  	v9 =	vld [tilespmem:s6+$0x8030]  }
0x40: {  	v8 =	vld [tilespmem:s6+$0x8040]  }
0x41: {  	v7 =	vld [tilespmem:s6+$0x8050];
	v12 =	vadd.f32 v6, v12  }
0x42: {  	s17 =	simm.s32 $0x200;
	v11 =	vadd.f32 v11, v13;
	v6 =	vld [tilespmem:s6+$0x8060]  }
.LBB2_3:
0x43: {  	s19 =	sshra.s32 s17, $0x2;
	p0 =	sne.s32 s17, $0x9E00;
	[tilespmem:s6+$0x8000] =	vst v12;
	v5 =	vadd.f32 v5, v10;
	v10 =	vld [tilespmem:s6+$0x8070]  }
0x44: {  	v12 =	vld [tilespmem:s19+$0xA800];
	[tilespmem:s6+$0x8010] =	vst v11;
	v4 =	vadd.f32 v4, v9  }
0x45: {  	v11 =	vld [tilespmem:s19+$0xA810];
	[tilespmem:s6+$0x8020] =	vst v5;
	v3 =	vadd.f32 v3, v8  }
0x46: {  	v5 =	vld [tilespmem:s19+$0xA820];
	[tilespmem:s6+$0x8030] =	vst v4;
	v2 =	vadd.f32 v2, v7  }
0x47: {  	v4 =	vld [tilespmem:s19+$0xA830];
	[tilespmem:s6+$0x8040] =	vst v3;
	v1 =	vadd.f32 v1, v6  }
0x48: {  	v3 =	vld [tilespmem:s19+$0xA840];
	[tilespmem:s6+$0x8050] =	vst v2;
	v0 =	vadd.f32 v0, v10  }
0x49: {  	v2 =	vld [tilespmem:s19+$0xA850];
	[tilespmem:s6+$0x8060] =	vst v1  }
0x4a: {  	v1 =	vld [tilespmem:s19+$0xA860];
	[tilespmem:s6+$0x8070] =	vst v0;
	s6 =	smov.u32 s19  }
0x4b: {  	v0 =	vld [tilespmem:s6+$0xA870]  }
0x4c: {  	v6 =	vld [tilespmem:s6+$0x8000]  }
0x4d: {  	v13 =	vld [tilespmem:s6+$0x8010]  }
.Ltmp0:
0x4e: {  	v10 =	vld [tilespmem:s6+$0x8020];
	(pc) =	sbr.rel @p0 .LBB2_3-.Ltmp0, $4  }
0x4f: {  	v9 =	vld [tilespmem:s6+$0x8030]  }
0x50: {  	v8 =	vld [tilespmem:s6+$0x8040]  }
0x51: {  	v12 =	vadd.f32 v12, v6;
	v7 =	vld [tilespmem:s6+$0x8050]  }
0x52: {  	s17 =	sadd.s32 $0x200, s17;
	v11 =	vadd.f32 v11, v13;
	v6 =	vld [tilespmem:s6+$0x8060]  }
0x53: {  	[tilespmem:s6+$0x8000] =	vst v12;
	v5 =	vadd.f32 v5, v10;
	v10 =	vld [tilespmem:s6+$0x8070]  }
0x54: {  	[tilespmem:s6+$0x8010] =	vst v11;
	v4 =	vadd.f32 v4, v9  }
0x55: {  	[tilespmem:s6+$0x8020] =	vst v5;
	v3 =	vadd.f32 v3, v8  }
0x56: {  	s17 =	smul.u32 $0x140, s7;
	[tilespmem:s6+$0x8030] =	vst v4;
	v2 =	vadd.f32 v2, v7  }
0x57: {  	[tilespmem:s6+$0x8040] =	vst v3;
	v1 =	vadd.f32 v1, v6  }
0x58: {  	s17 =	sadd.s32 s8, s17;
	[tilespmem:s6+$0x8050] =	vst v2;
	v0 =	vadd.f32 v0, v10  }
0x59: {  	s17 =	sshll.u32 s17, $0x4;
	[tilespmem:s6+$0x8060] =	vst v1  }
0x5a: {  	s19 =	simm.s32 $0x0;
	s17 =	sadd.s32 s5, s17;
	[tilespmem:s6+$0x8070] =	vst v0  }
0x5b: {  	[hbm4b:s17+s19] =	stream.linear.scatter [tilespmem:s14], [sflag:$0x9], $0x2800, $0x38;
	[tilespmem:$0x1C000] =	vst v63  }
0x5c: {  	_ =	swait.ge [sflag:s24], $0x2800  }
0x5d: {  	[sflag:s24] =	ssyncset.done $0x0  }
0x5e: {  	[sflag:s24] =	ssyncadd.s32 $0xFFFFD800  }
0x5f: {  	_ =	swait.ge [sflag:s25], $0x2800  }
0x60: {  	[sflag:s25] =	ssyncset.done $0x0  }
0x61: {  	s6 =	simm.s32 $0x0;
	[sflag:s25] =	ssyncadd.s32 $0xFFFFD800  }
0x62: {  	v6 =	vld [tilespmem:s6+$0xF800]  }
0x63: {  	v11 =	vld [tilespmem:s6+$0xF810]  }
0x64: {  	v5 =	vld [tilespmem:s6+$0xF820]  }
0x65: {  	v4 =	vld [tilespmem:s6+$0xF830]  }
0x66: {  	v3 =	vld [tilespmem:s6+$0xF840]  }
0x67: {  	v2 =	vld [tilespmem:s6+$0xF850]  }
0x68: {  	v1 =	vld [tilespmem:s6+$0xF860]  }
0x69: {  	v0 =	vld [tilespmem:s6+$0xF870]  }
0x6a: {  	v12 =	vld [tilespmem:s6+$0xD000]  }
0x6b: {  	v13 =	vld [tilespmem:s6+$0xD010]  }
0x6c: {  	v10 =	vld [tilespmem:s6+$0xD020]  }
0x6d: {  	v9 =	vld [tilespmem:s6+$0xD030]  }
0x6e: {  	v8 =	vld [tilespmem:s6+$0xD040]  }
0x6f: {  	v7 =	vld [tilespmem:s6+$0xD050];
	v12 =	vadd.f32 v6, v12  }
0x70: {  	s17 =	simm.s32 $0x200;
	v11 =	vadd.f32 v11, v13;
	v6 =	vld [tilespmem:s6+$0xD060]  }
.LBB2_5:
0x71: {  	s19 =	sshra.s32 s17, $0x2;
	p0 =	sne.s32 s17, $0x9E00;
	[tilespmem:s6+$0xD000] =	vst v12;
	v5 =	vadd.f32 v5, v10;
	v10 =	vld [tilespmem:s6+$0xD070]  }
0x72: {  	v12 =	vld [tilespmem:s19+$0xF800];
	[tilespmem:s6+$0xD010] =	vst v11;
	v4 =	vadd.f32 v4, v9  }
0x73: {  	v11 =	vld [tilespmem:s19+$0xF810];
	[tilespmem:s6+$0xD020] =	vst v5;
	v3 =	vadd.f32 v3, v8  }
0x74: {  	v5 =	vld [tilespmem:s19+$0xF820];
	[tilespmem:s6+$0xD030] =	vst v4;
	v2 =	vadd.f32 v2, v7  }
0x75: {  	v4 =	vld [tilespmem:s19+$0xF830];
	[tilespmem:s6+$0xD040] =	vst v3;
	v1 =	vadd.f32 v1, v6  }
0x76: {  	v3 =	vld [tilespmem:s19+$0xF840];
	[tilespmem:s6+$0xD050] =	vst v2;
	v0 =	vadd.f32 v0, v10  }
0x77: {  	v2 =	vld [tilespmem:s19+$0xF850];
	[tilespmem:s6+$0xD060] =	vst v1  }
0x78: {  	v1 =	vld [tilespmem:s19+$0xF860];
	[tilespmem:s6+$0xD070] =	vst v0;
	s6 =	smov.u32 s19  }
0x79: {  	v0 =	vld [tilespmem:s6+$0xF870]  }
0x7a: {  	v6 =	vld [tilespmem:s6+$0xD000]  }
0x7b: {  	v13 =	vld [tilespmem:s6+$0xD010]  }
.Ltmp1:
0x7c: {  	v10 =	vld [tilespmem:s6+$0xD020];
	(pc) =	sbr.rel @p0 .LBB2_5-.Ltmp1, $4  }
0x7d: {  	v9 =	vld [tilespmem:s6+$0xD030]  }
0x7e: {  	v8 =	vld [tilespmem:s6+$0xD040]  }
0x7f: {  	v12 =	vadd.f32 v12, v6;
	v7 =	vld [tilespmem:s6+$0xD050]  }
0x80: {  	s17 =	sadd.s32 $0x200, s17;
	v11 =	vadd.f32 v11, v13;
	v6 =	vld [tilespmem:s6+$0xD060]  }
0x81: {  	[tilespmem:s6+$0xD000] =	vst v12;
	v5 =	vadd.f32 v5, v10;
	v10 =	vld [tilespmem:s6+$0xD070]  }
0x82: {  	[tilespmem:s6+$0xD010] =	vst v11;
	v4 =	vadd.f32 v4, v9  }
0x83: {  	[tilespmem:s6+$0xD020] =	vst v5;
	v3 =	vadd.f32 v3, v8  }
0x84: {  	s11 =	smul.u32 $0x50, s11;
	[tilespmem:s6+$0xD030] =	vst v4;
	v2 =	vadd.f32 v2, v7  }
0x85: {  	[tilespmem:s6+$0xD040] =	vst v3;
	v1 =	vadd.f32 v1, v6  }
0x86: {  	s11 =	sadd.s32 s8, s11;
	[tilespmem:s6+$0xD050] =	vst v2;
	v0 =	vadd.f32 v0, v10  }
0x87: {  	s11 =	sshll.u32 s11, $0x4;
	[tilespmem:s6+$0xD060] =	vst v1  }
0x88: {  	s19 =	simm.s32 $0x0;
	s17 =	sadd.s32 s5, s11;
	[tilespmem:s6+$0xD070] =	vst v0  }
0x89: {  	[hbm4b:s17+s19] =	stream.linear.scatter [tilespmem:s16], [sflag:$0xA], $0x2800, $0x38;
	[tilespmem:$0x1C000] =	vst v63  }
0x8a: {  	_ =	swait.ge [sflag:s26], $0x2800  }
0x8b: {  	[sflag:s26] =	ssyncset.done $0x0  }
0x8c: {  	[sflag:s26] =	ssyncadd.s32 $0xFFFFD800  }
0x8d: {  	_ =	swait.ge [sflag:s28], $0x2800  }
0x8e: {  	[sflag:s28] =	ssyncset.done $0x0  }
0x8f: {  	s6 =	simm.s32 $0x0;
	[sflag:s28] =	ssyncadd.s32 $0xFFFFD800  }
0x90: {  	v6 =	vld [tilespmem:s6+$0x14800]  }
0x91: {  	v11 =	vld [tilespmem:s6+$0x14810]  }
0x92: {  	v5 =	vld [tilespmem:s6+$0x14820]  }
0x93: {  	v4 =	vld [tilespmem:s6+$0x14830]  }
0x94: {  	v3 =	vld [tilespmem:s6+$0x14840]  }
0x95: {  	v2 =	vld [tilespmem:s6+$0x14850]  }
0x96: {  	v1 =	vld [tilespmem:s6+$0x14860]  }
0x97: {  	v0 =	vld [tilespmem:s6+$0x14870]  }
0x98: {  	v12 =	vld [tilespmem:s6+$0x12000]  }
0x99: {  	v13 =	vld [tilespmem:s6+$0x12010]  }
0x9a: {  	v10 =	vld [tilespmem:s6+$0x12020]  }
0x9b: {  	v9 =	vld [tilespmem:s6+$0x12030]  }
0x9c: {  	v8 =	vld [tilespmem:s6+$0x12040]  }
0x9d: {  	v7 =	vld [tilespmem:s6+$0x12050];
	v12 =	vadd.f32 v6, v12  }
0x9e: {  	s11 =	simm.s32 $0x200;
	v11 =	vadd.f32 v11, v13;
	v6 =	vld [tilespmem:s6+$0x12060]  }
.LBB2_7:
0x9f: {  	s17 =	sshra.s32 s11, $0x2;
	p0 =	sne.s32 s11, $0x9E00;
	[tilespmem:s6+$0x12000] =	vst v12;
	v5 =	vadd.f32 v5, v10;
	v10 =	vld [tilespmem:s6+$0x12070]  }
0xa0: {  	v12 =	vld [tilespmem:s17+$0x14800];
	[tilespmem:s6+$0x12010] =	vst v11;
	v4 =	vadd.f32 v4, v9  }
0xa1: {  	v11 =	vld [tilespmem:s17+$0x14810];
	[tilespmem:s6+$0x12020] =	vst v5;
	v3 =	vadd.f32 v3, v8  }
0xa2: {  	v5 =	vld [tilespmem:s17+$0x14820];
	[tilespmem:s6+$0x12030] =	vst v4;
	v2 =	vadd.f32 v2, v7  }
0xa3: {  	v4 =	vld [tilespmem:s17+$0x14830];
	[tilespmem:s6+$0x12040] =	vst v3;
	v1 =	vadd.f32 v1, v6  }
0xa4: {  	v3 =	vld [tilespmem:s17+$0x14840];
	[tilespmem:s6+$0x12050] =	vst v2;
	v0 =	vadd.f32 v0, v10  }
0xa5: {  	v2 =	vld [tilespmem:s17+$0x14850];
	[tilespmem:s6+$0x12060] =	vst v1  }
0xa6: {  	v1 =	vld [tilespmem:s17+$0x14860];
	[tilespmem:s6+$0x12070] =	vst v0;
	s6 =	smov.u32 s17  }
0xa7: {  	v0 =	vld [tilespmem:s6+$0x14870]  }
0xa8: {  	v6 =	vld [tilespmem:s6+$0x12000]  }
0xa9: {  	v13 =	vld [tilespmem:s6+$0x12010]  }
.Ltmp2:
0xaa: {  	v10 =	vld [tilespmem:s6+$0x12020];
	(pc) =	sbr.rel @p0 .LBB2_7-.Ltmp2, $4  }
0xab: {  	v9 =	vld [tilespmem:s6+$0x12030]  }
0xac: {  	v8 =	vld [tilespmem:s6+$0x12040]  }
0xad: {  	v12 =	vadd.f32 v12, v6;
	v7 =	vld [tilespmem:s6+$0x12050]  }
0xae: {  	s11 =	sadd.s32 $0x200, s11;
	v11 =	vadd.f32 v11, v13;
	v6 =	vld [tilespmem:s6+$0x12060]  }
0xaf: {  	[tilespmem:s6+$0x12000] =	vst v12;
	v5 =	vadd.f32 v5, v10;
	v10 =	vld [tilespmem:s6+$0x12070]  }
0xb0: {  	[tilespmem:s6+$0x12010] =	vst v11;
	v4 =	vadd.f32 v4, v9  }
0xb1: {  	[tilespmem:s6+$0x12020] =	vst v5;
	v3 =	vadd.f32 v3, v8  }
0xb2: {  	s10 =	smul.u32 $0x50, s10;
	[tilespmem:s6+$0x12030] =	vst v4;
	v2 =	vadd.f32 v2, v7  }
0xb3: {  	[tilespmem:s6+$0x12040] =	vst v3;
	v1 =	vadd.f32 v1, v6  }
0xb4: {  	s10 =	sadd.s32 s8, s10;
	[tilespmem:s6+$0x12050] =	vst v2;
	v0 =	vadd.f32 v0, v10  }
0xb5: {  	s10 =	sshll.u32 s10, $0x4;
	[tilespmem:s6+$0x12060] =	vst v1  }
0xb6: {  	s19 =	simm.s32 $0x0;
	s17 =	sadd.s32 s5, s10;
	[tilespmem:s6+$0x12070] =	vst v0  }
0xb7: {  	[hbm4b:s17+s19] =	stream.linear.scatter [tilespmem:s18], [sflag:$0xB], $0x2800, $0x38;
	[tilespmem:$0x1C000] =	vst v63  }
0xb8: {  	_ =	swait.ge [sflag:s29], $0x2800  }
0xb9: {  	[sflag:s29] =	ssyncset.done $0x0  }
0xba: {  	[sflag:s29] =	ssyncadd.s32 $0xFFFFD800  }
0xbb: {  	_ =	swait.ge [sflag:s30], $0x2800  }
0xbc: {  	[sflag:s30] =	ssyncset.done $0x0  }
0xbd: {  	s6 =	simm.s32 $0x0;
	[sflag:s30] =	ssyncadd.s32 $0xFFFFD800  }
0xbe: {  	v6 =	vld [tilespmem:s6+$0x19800]  }
0xbf: {  	v11 =	vld [tilespmem:s6+$0x19810]  }
0xc0: {  	v5 =	vld [tilespmem:s6+$0x19820]  }
0xc1: {  	v4 =	vld [tilespmem:s6+$0x19830]  }
0xc2: {  	v3 =	vld [tilespmem:s6+$0x19840]  }
0xc3: {  	v2 =	vld [tilespmem:s6+$0x19850]  }
0xc4: {  	v1 =	vld [tilespmem:s6+$0x19860]  }
0xc5: {  	v0 =	vld [tilespmem:s6+$0x19870]  }
0xc6: {  	v12 =	vld [tilespmem:s6+$0x17000]  }
0xc7: {  	v13 =	vld [tilespmem:s6+$0x17010]  }
0xc8: {  	v10 =	vld [tilespmem:s6+$0x17020]  }
0xc9: {  	v9 =	vld [tilespmem:s6+$0x17030]  }
0xca: {  	v8 =	vld [tilespmem:s6+$0x17040]  }
0xcb: {  	v7 =	vld [tilespmem:s6+$0x17050];
	v12 =	vadd.f32 v6, v12  }
0xcc: {  	s10 =	simm.s32 $0x200;
	v11 =	vadd.f32 v11, v13;
	v6 =	vld [tilespmem:s6+$0x17060]  }
.LBB2_9:
0xcd: {  	s11 =	sshra.s32 s10, $0x2;
	p0 =	sne.s32 s10, $0x9E00;
	[tilespmem:s6+$0x17000] =	vst v12;
	v5 =	vadd.f32 v5, v10;
	v10 =	vld [tilespmem:s6+$0x17070]  }
0xce: {  	v12 =	vld [tilespmem:s11+$0x19800];
	[tilespmem:s6+$0x17010] =	vst v11;
	v4 =	vadd.f32 v4, v9  }
0xcf: {  	v11 =	vld [tilespmem:s11+$0x19810];
	[tilespmem:s6+$0x17020] =	vst v5;
	v3 =	vadd.f32 v3, v8  }
0xd0: {  	v5 =	vld [tilespmem:s11+$0x19820];
	[tilespmem:s6+$0x17030] =	vst v4;
	v2 =	vadd.f32 v2, v7  }
0xd1: {  	v4 =	vld [tilespmem:s11+$0x19830];
	[tilespmem:s6+$0x17040] =	vst v3;
	v1 =	vadd.f32 v1, v6  }
0xd2: {  	v3 =	vld [tilespmem:s11+$0x19840];
	[tilespmem:s6+$0x17050] =	vst v2;
	v0 =	vadd.f32 v0, v10  }
0xd3: {  	v2 =	vld [tilespmem:s11+$0x19850];
	[tilespmem:s6+$0x17060] =	vst v1  }
0xd4: {  	v1 =	vld [tilespmem:s11+$0x19860];
	[tilespmem:s6+$0x17070] =	vst v0;
	s6 =	smov.u32 s11  }
0xd5: {  	v0 =	vld [tilespmem:s6+$0x19870]  }
0xd6: {  	v6 =	vld [tilespmem:s6+$0x17000]  }
0xd7: {  	v13 =	vld [tilespmem:s6+$0x17010]  }
.Ltmp3:
0xd8: {  	v10 =	vld [tilespmem:s6+$0x17020];
	(pc) =	sbr.rel @p0 .LBB2_9-.Ltmp3, $4  }
0xd9: {  	v9 =	vld [tilespmem:s6+$0x17030]  }
0xda: {  	v8 =	vld [tilespmem:s6+$0x17040]  }
0xdb: {  	v12 =	vadd.f32 v12, v6;
	v7 =	vld [tilespmem:s6+$0x17050]  }
0xdc: {  	s10 =	sadd.s32 $0x200, s10;
	v11 =	vadd.f32 v11, v13;
	v6 =	vld [tilespmem:s6+$0x17060]  }
0xdd: {  	[tilespmem:s6+$0x17000] =	vst v12;
	v5 =	vadd.f32 v5, v10;
	v63 =	vld [tilespmem:s6+$0x17070]  }
0xde: {  	[tilespmem:s6+$0x17010] =	vst v11;
	v4 =	vadd.f32 v4, v9  }
0xdf: {  	[tilespmem:s6+$0x17020] =	vst v5;
	v3 =	vadd.f32 v3, v8  }
0xe0: {  	s9 =	smul.u32 $0x50, s9;
	[tilespmem:s6+$0x17030] =	vst v4;
	v2 =	vadd.f32 v2, v7  }
0xe1: {  	[tilespmem:s6+$0x17040] =	vst v3;
	v1 =	vadd.f32 v1, v6  }
0xe2: {  	s9 =	sadd.s32 s8, s9;
	[tilespmem:s6+$0x17050] =	vst v2;
	v0 =	vadd.f32 v0, v63  }
0xe3: {  	s9 =	sshll.u32 s9, $0x4;
	[tilespmem:s6+$0x17060] =	vst v1  }
0xe4: {  	s19 =	sadd.s32 s5, s9;
	[tilespmem:s6+$0x17070] =	vst v0  }
0xe5: {  	[hbm4b:s19+s4] =	stream.linear.scatter [tilespmem:s20], [sflag:$0xC], $0x2800, $0x38;
	[tilespmem:$0x1C000] =	vst v63  }
0xe6: {  	_ =	swait.ge [sflag:s31], $0x2800  }
0xe7: {  	[sflag:s31] =	ssyncset.done $0x0  }
0xe8: {  	[sflag:s31] =	ssyncadd.s32 $0xFFFFD800  }
0xe9: {  	_ =	swait.ge [sflag:s2], $0x2800  }
0xea: {  	[sflag:s2] =	ssyncset.done $0x0  }
0xeb: {  	s7 =	sadd.s32 $0x1, s7;
	[sflag:s2] =	ssyncadd.s32 $0xFFFFD800  }
0xec: {  	p0 =	sne.s32 s7, $0x1F;
	_ =	swait.ge [sflag:s0], $0x2800  }
.Ltmp4:
0xed: {  	[sflag:s0] =	ssyncset.done $0x0;
	(pc) =	sbr.rel @p0 .LBB2_2-.Ltmp4, $4  }
0xee: {  	[sflag:s0] =	ssyncadd.s32 $0xFFFFD800  }
0xef: {  	_ =	swait.ge [sflag:s12], $0x2800  }
0xf0: {  	[sflag:s12] =	ssyncset.done $0x0  }
0xf1: {  	[sflag:s12] =	ssyncadd.s32 $0xFFFFD800  }
0xf2: {  	s6 =	simm.s32 $0x3E00  }
0xf3: {  	[tilespmem:s14], [sflag:$0x1] =	stream.indirect.gather [hbm4b:s1+s13], $0x80, s6, s13, $0xb8;
	[tilespmem:$0x1C000] =	vst v63  }
0xf4: {  	s19 =	simm.s32 $0x7E00  }
0xf5: {  	[tilespmem:s15], [sflag:$0x2] =	stream.indirect.gather [hbm4b:s3+s13], $0x80, s19, s13, $0xb8;
	[tilespmem:$0x1C000] =	vst v63  }
0xf6: {  	_ =	swait.ge [sflag:s22], $0x2800  }
0xf7: {  	[sflag:s22] =	ssyncset.done $0x0  }
0xf8: {  	[sflag:s22] =	ssyncadd.s32 $0xFFFFD800  }
0xf9: {  	_ =	swait.ge [sflag:s23], $0x2800  }
0xfa: {  	[sflag:s23] =	ssyncset.done $0x0  }
0xfb: {  	s6 =	simm.s32 $0x0;
	[sflag:s23] =	ssyncadd.s32 $0xFFFFD800  }
0xfc: {  	v7 =	vld [tilespmem:s6+$0xA800]  }
0xfd: {  	v11 =	vld [tilespmem:s6+$0xA810]  }
0xfe: {  	v5 =	vld [tilespmem:s6+$0xA820]  }
0xff: {  	v4 =	vld [tilespmem:s6+$0xA830]  }
0x100: {  	v3 =	vld [tilespmem:s6+$0xA840]  }
0x101: {  	v2 =	vld [tilespmem:s6+$0xA850]  }
0x102: {  	v1 =	vld [tilespmem:s6+$0xA860]  }
0x103: {  	v0 =	vld [tilespmem:s6+$0xA870]  }
0x104: {  	v12 =	vld [tilespmem:s6+$0x8000]  }
0x105: {  	v13 =	vld [tilespmem:s6+$0x8010]  }
0x106: {  	v10 =	vld [tilespmem:s6+$0x8020]  }
0x107: {  	v9 =	vld [tilespmem:s6+$0x8030]  }
0x108: {  	v8 =	vld [tilespmem:s6+$0x8040]  }
0x109: {  	v6 =	vld [tilespmem:s6+$0x8050];
	v12 =	vadd.f32 v7, v12  }
0x10a: {  	s7 =	simm.s32 $0x200;
	v11 =	vadd.f32 v11, v13;
	v7 =	vld [tilespmem:s6+$0x8060]  }
.LBB2_12:
0x10b: {  	s9 =	sshra.s32 s7, $0x2;
	p0 =	sne.s32 s7, $0x9E00;
	[tilespmem:s6+$0x8000] =	vst v12;
	v5 =	vadd.f32 v5, v10;
	v10 =	vld [tilespmem:s6+$0x8070]  }
0x10c: {  	v12 =	vld [tilespmem:s9+$0xA800];
	[tilespmem:s6+$0x8010] =	vst v11;
	v4 =	vadd.f32 v4, v9  }
0x10d: {  	v11 =	vld [tilespmem:s9+$0xA810];
	[tilespmem:s6+$0x8020] =	vst v5;
	v3 =	vadd.f32 v3, v8  }
0x10e: {  	v5 =	vld [tilespmem:s9+$0xA820];
	[tilespmem:s6+$0x8030] =	vst v4;
	v2 =	vadd.f32 v2, v6  }
0x10f: {  	v4 =	vld [tilespmem:s9+$0xA830];
	[tilespmem:s6+$0x8040] =	vst v3;
	v1 =	vadd.f32 v1, v7  }
0x110: {  	v3 =	vld [tilespmem:s9+$0xA840];
	[tilespmem:s6+$0x8050] =	vst v2;
	v0 =	vadd.f32 v0, v10  }
0x111: {  	v2 =	vld [tilespmem:s9+$0xA850];
	[tilespmem:s6+$0x8060] =	vst v1  }
0x112: {  	v1 =	vld [tilespmem:s9+$0xA860];
	[tilespmem:s6+$0x8070] =	vst v0;
	s6 =	smov.u32 s9  }
0x113: {  	v0 =	vld [tilespmem:s6+$0xA870]  }
0x114: {  	v6 =	vld [tilespmem:s6+$0x8000]  }
0x115: {  	v7 =	vld [tilespmem:s6+$0x8010]  }
.Ltmp5:
0x116: {  	v10 =	vld [tilespmem:s6+$0x8020];
	(pc) =	sbr.rel @p0 .LBB2_12-.Ltmp5, $4  }
0x117: {  	v9 =	vld [tilespmem:s6+$0x8030]  }
0x118: {  	v8 =	vld [tilespmem:s6+$0x8040]  }
0x119: {  	v12 =	vadd.f32 v12, v6;
	v6 =	vld [tilespmem:s6+$0x8050]  }
0x11a: {  	s7 =	sadd.s32 $0x200, s7;
	v11 =	vadd.f32 v11, v7;
	v7 =	vld [tilespmem:s6+$0x8060]  }
0x11b: {  	[tilespmem:s6+$0x8000] =	vst v12;
	v5 =	vadd.f32 v5, v10;
	v63 =	vld [tilespmem:s6+$0x8070]  }
0x11c: {  	[tilespmem:s6+$0x8010] =	vst v11;
	v4 =	vadd.f32 v4, v9  }
0x11d: {  	[tilespmem:s6+$0x8020] =	vst v5;
	v3 =	vadd.f32 v3, v8  }
0x11e: {  	[tilespmem:s6+$0x8030] =	vst v4;
	v2 =	vadd.f32 v2, v6  }
0x11f: {  	[tilespmem:s6+$0x8040] =	vst v3;
	v1 =	vadd.f32 v1, v7  }
0x120: {  	[tilespmem:s6+$0x8050] =	vst v2;
	v0 =	vadd.f32 v0, v63  }
0x121: {  	[tilespmem:s6+$0x8060] =	vst v1  }
0x122: {  	s17 =	rddreg [dreg:$0x6];
	s7 =	simm.s32 $0xD;
	[tilespmem:s6+$0x8070] =	vst v0  }
0x123: {  	[hbm4b:s17+s4] =	stream.linear.scatter [tilespmem:s14], [sflag:$0xD], $0x2800, $0x38;
	[tilespmem:$0x1C000] =	vst v63  }
0x124: {  	_ =	swait.ge [sflag:s7], $0x2800  }
0x125: {  	s9 =	rddreg [dreg:$0x8]  }
0x126: {  	s19 =	rddreg [dreg:$0x7];
	s9 =	sadd.s32 $0x1, s9  }
0x127: {  	p0 =	sne.s32 s9, s19  }
.Ltmp6:
0x128: {  	_ = 	snop;
	(pc) =	sbr.rel @p0 .LBB2_1-.Ltmp6, $3  }
0x129: {  	_ =	sdelay $0x1  }
0x12a: {  	[sflag:s7] =	ssyncset.done $0x0  }
0x12b: {  	[sflag:s7] =	ssyncadd.s32 $0xFFFFD800  }
0x12c: {  	_ =	sfence.sel $0x180000  }
0x12d: {  	[bflag:$0x0] =	sbarrier.arrive $0xFFFF  }
0x12e: {  	_ =	strace $0x90000047  }
0x12f: {  	s0 =	stileid.u32;
	[bflag:$0x2] =	sbarrier.arrive $0xFFFF  }
0x130: {  	p0 =	sne.s32 s0, $0x0;
	s0 =	rddreg [dreg:$0x3]  }
0x131: {  	s0 =	sadd.s32 @!p0 $0x100000, s0  }
0x132: {  	[sflag:s0] =	ssyncadd.tile.s32 @!p0 $0x1;
	_ =	shalt  }
.Lfunc_end2:
_tile_overlayer_lowered:
.L_overlay_start_2:
0x133: {  	(tag) =	ssettag $0x2  }
0x134: {  	s0 =	rddreg [dreg:$0x0];
	s2 =	stileid.u32  }
0x135: {  	s1 =	rddreg [dreg:$0x1];
	p0 =	sne.s32 s2, $0x0  }
0x136: {  	s3 =	rddreg [dreg:$0x2];
	[bflag:$0x3] =	sbarrier.arrive $0xFFFF;
	s2 =	simm.s32 @!p0 $0x1C0D  }
0x137: {  	[timem:s3], [sflag:s2] =	dma.local @!p0 [hbm:s0], s1  }
0x138: {  	s0 =	simm.s32 @!p0 $0xD  }
0x139: {  	_ =	swait.ge @!p0 [sflag:s0], s1  }
0x13a: {  	s1 =	ssub.s32 @!p0 $0x0, s1;
	[sflag:s0] =	ssyncset.done @!p0 $0x0  }
0x13b: {  	[sflag:s0] =	ssyncadd.s32 @!p0 s1  }
0x13c: {  	[bflag:$0x3] =	sbarrier.arrive $0xFFFF  }
0x13d: {  	_ =	shalt  }

</sc_bundles>
